<compile_context>
chip_gen: v7x
topology: tpu7x:2x2x1
jax: 0.10.2.dev20260603
libtpu: 0.0.44.dev20260713+nightly
codegen_flags: <defaults>
</compile_context>

<pallas_src>
import functools

import jax
import jax.numpy as jnp
from jax import lax
from jax.experimental import pallas as pl
from jax.experimental.pallas import tpu as pltpu
from jax.experimental.pallas import tpu_sc as plsc


def kernel(tokens, emb_table, pos_table):
    B, T = tokens.shape
    V, D = emb_table.shape
    info = plsc.get_sparse_core_info()
    NC, NS = info.num_cores, info.num_subcores
    NW = NC * NS
    N = B * T
    b_per_w = N // NW
    L = 16
    W = 8

    table_t = emb_table.T
    pos_t = pos_table.T

    mesh = plsc.VectorSubcoreMesh(core_axis_name="c", subcore_axis_name="s")

    @functools.partial(
        pl.kernel,
        mesh=mesh,
        out_type=jax.ShapeDtypeStruct((B, D, T), jnp.float32),
        compiler_params=pltpu.CompilerParams(needs_layout_passes=False),
        scratch_types=[
            pltpu.VMEM((B, T), jnp.int32),
            pltpu.VMEM((W, D, 128), jnp.float32),
            pltpu.VMEM((D, b_per_w), jnp.float32),
            pltpu.VMEM((D, b_per_w), jnp.float32),
            pltpu.SemaphoreType.DMA((W,)),
            pltpu.SemaphoreType.DMA,
        ],
    )
    def emb_kernel(tok_hbm, table_hbm, pos_hbm, out_hbm,
                   tok_v, slab_v, col_v, pos_v, sem, psem):
        wid = lax.axis_index("s") * NC + lax.axis_index("c")
        base = wid * b_per_w
        b = lax.div(base, T)
        t0 = lax.rem(base, T)
        pltpu.sync_copy(tok_hbm, tok_v)
        pltpu.async_copy(pos_hbm.at[:, pl.ds(t0, b_per_w)],
                         pos_v, psem).wait()

        f_idx = [lax.iota(jnp.int32, L) + q * L for q in range(D // L)]

        def fire(t, slot):
            off = pl.multiple_of(lax.shift_right_logical(t, 7) * 128, 128)
            pltpu.async_copy(table_hbm.at[:, pl.ds(off, 128)],
                             slab_v.at[slot], sem.at[slot])

        def extract(t, slot, dst):
            pltpu.make_async_copy(table_hbm.at[:, pl.ds(0, 128)],
                                  slab_v.at[slot], sem.at[slot]).wait()
            c = t
            sv = jnp.full((L,), slot, jnp.int32)
            dv = jnp.full((L,), dst, jnp.int32)
            for q in range(D // L):
                vals = plsc.load_gather(slab_v, [sv, f_idx[q], c])
                pvals = plsc.load_gather(pos_v, [f_idx[q], dv])
                plsc.store_scatter(col_v, [f_idx[q], dv], vals + pvals)

        def _dyn_gather(vec, i):
            idx = jnp.full((L,), i, jnp.int32)
            return vec[idx]

        def do_group(g, carry):
            tokvec = tok_v[b, pl.ds(t0 + g * L, L)]
            gp = lax.max(g - 1, 0)
            tokvec_p = tok_v[b, pl.ds(t0 + gp * L, L)]
            rem_c = lax.rem(tokvec, 128)
            rem_p = lax.rem(tokvec_p, 128)
            ts = [tokvec[i] for i in range(L)]
            for i in range(L):
                slot = i % W
                if i >= W:
                    extract(_dyn_gather(rem_c, i - W), slot, g * L + i - W)
                else:
                    @pl.when(g > 0)
                    def _():
                        extract(_dyn_gather(rem_p, i + W), slot,
                                (g - 1) * L + i + W)
                fire(ts[i], slot)
            return carry

        lax.fori_loop(0, b_per_w // L, do_group, 0)
        tokvec_l = tok_v[b, pl.ds(t0 + b_per_w - L, L)]
        rem_l = lax.rem(tokvec_l, 128)
        for i in range(W, L):
            extract(_dyn_gather(rem_l, i), i % W, b_per_w - L + i)
        pltpu.sync_copy(col_v, out_hbm.at[b, :, pl.ds(t0, b_per_w)])

    out = emb_kernel(tokens, table_t, pos_t)
    return out.transpose(0, 2, 1)

# --- scband reference (transcript-rebuilt; emitter-appended) ---
"""Pipeline reference for scband-gpt-44040594653416 (READ-ONLY COPY).

The authoritative reference and input builder live on the scoring server;
editing this copy changes nothing except your own understanding.
"""

import jax, jax.numpy as jnp
import numpy as np

VOCAB = 1000000
DIM = 64
CTX = 2048
B, T = 4, 2048

def setup_inputs(seed: int = 0) -> dict:
    key = jax.random.key(seed)
    k_tok, k_emb, k_pos = jax.random.split(key, 3)
    tokens = jax.random.randint(k_tok, (B, T), 0, VOCAB, dtype=jnp.int64 if jax.config.jax_enable_x64 else jnp.int32).astype(jnp.int32)
    emb_table = jax.random.normal(k_emb, (VOCAB, DIM), dtype=jnp.float32) * 0.02
    pos_table = jax.random.normal(k_pos, (CTX, DIM), dtype=jnp.float32) * 0.02
    return {"tokens": tokens, "emb_table": emb_table, "pos_table": pos_table}

def reference(tokens, emb_table, pos_table):
    # token embedding lookup (gather) + positional embedding lookup
    tok_emb = jnp.take(emb_table, tokens, axis=0)              # [B, T, DIM]
    pos_ids = jnp.arange(tokens.shape[1], dtype=jnp.int32)     # [T]
    pos_emb = jnp.take(pos_table, pos_ids, axis=0)             # [T, DIM]
    return tok_emb + pos_emb[None, :, :]

if __name__ == "__main__":
    import jax
    _d = setup_inputs()
    print(jax.jit(kernel)(*tuple(_d.values())))

</pallas_src>

<mosaic_0001>
#map = affine_map<(d0, d1) -> (0, 0)>
#map1 = affine_map<(d0, d1) -> (0, 0, 0)>
module attributes {stable_mosaic.version = 14 : i64} {
  func.func @emb_kernel(%arg0: i32, %arg1: i32, %arg2: memref<4x2048xi32, #tpu.memory_space<hbm>>, %arg3: memref<64x1000000xf32, #tpu.memory_space<hbm>>, %arg4: memref<64x2048xf32, #tpu.memory_space<hbm>>, %arg5: memref<4x64x2048xf32, #tpu.memory_space<hbm>>, %arg6: memref<4x2048xi32, #tpu.memory_space<vmem>>, %arg7: memref<8x64x128xf32, #tpu.memory_space<vmem>>, %arg8: memref<64x256xf32, #tpu.memory_space<vmem>>, %arg9: memref<64x256xf32, #tpu.memory_space<vmem>>, %arg10: memref<8x!tpu.dma_semaphore, #tpu.memory_space<semaphore_mem>>, %arg11: memref<!tpu.dma_semaphore, #tpu.memory_space<semaphore_mem>>) attributes {dimension_semantics = [#tpu.dimension_semantics<core_parallel>, #tpu.dimension_semantics<subcore_parallel>], iteration_bounds = array<i64: 2, 16>, scalar_prefetch = 0 : i64, scratch_operands = 6 : i64, tpu.core_type = #tpu.core_type<sc_vector_subcore>, window_params = [{transform_indices = #map}, {transform_indices = #map}, {transform_indices = #map}, {transform_indices = #map1}]} {
    %mul3A = arith.constant 2 : i32
    %mul3A_0 = arith.muli %arg1, %mul3A : i32
    %add3A = arith.addi %mul3A_0, %arg0 : i32
    %mul3A_1 = arith.constant 256 : i32
    %mul3A_2 = arith.muli %add3A, %mul3A_1 : i32
    %div3A = arith.constant 2048 : i32
    %div3A_3 = arith.divsi %mul3A_2, %div3A : i32
    %rem3A = arith.constant 2048 : i32
    %rem3A_4 = arith.remsi %mul3A_2, %rem3A : i32
    "tpu.region"() ({
      %run_scoped3A = tpu.sem_alloc : memref<!tpu.dma_semaphore, #tpu.memory_space<semaphore_mem>>
      tpu.enqueue_dma source(%arg2 : memref<4x2048xi32, #tpu.memory_space<hbm>>) target(%arg6 : memref<4x2048xi32, #tpu.memory_space<vmem>>) target_semaphore(%run_scoped3A : memref<!tpu.dma_semaphore, #tpu.memory_space<semaphore_mem>>)
      tpu.wait_dma2 semaphore(%run_scoped3A : memref<!tpu.dma_semaphore, #tpu.memory_space<semaphore_mem>>) src(%arg2 : memref<4x2048xi32, #tpu.memory_space<hbm>>) dst(%arg6 : memref<4x2048xi32, #tpu.memory_space<vmem>>)
      tpu.yield
    }) : () -> ()
    %dma_start3A = arith.constant 0 : i32
    %dma_start3A_5 = tpu.memref_slice %arg4[%dma_start3A, %rem3A_4] : memref<64x2048xf32, #tpu.memory_space<hbm>> -> memref<64x256xf32, #tpu.memory_space<hbm>>
    %dma_start3A_6 = arith.constant 0 : i32
    %dma_start3A_7 = tpu.memref_slice %arg4[%dma_start3A_6, %rem3A_4] : memref<64x2048xf32, #tpu.memory_space<hbm>> -> memref<64x256xf32, #tpu.memory_space<hbm>>
    tpu.enqueue_dma source(%dma_start3A_7 : memref<64x256xf32, #tpu.memory_space<hbm>>) target(%arg9 : memref<64x256xf32, #tpu.memory_space<vmem>>) target_semaphore(%arg11 : memref<!tpu.dma_semaphore, #tpu.memory_space<semaphore_mem>>)
    %dma_wait3A = arith.constant 0 : i32
    %dma_wait3A_8 = tpu.memref_slice %arg4[%dma_wait3A, %rem3A_4] : memref<64x2048xf32, #tpu.memory_space<hbm>> -> memref<64x256xf32, #tpu.memory_space<hbm>>
    %dma_wait3A_9 = arith.constant 0 : i32
    %dma_wait3A_10 = tpu.memref_slice %arg4[%dma_wait3A_9, %rem3A_4] : memref<64x2048xf32, #tpu.memory_space<hbm>> -> memref<64x256xf32, #tpu.memory_space<hbm>>
    tpu.wait_dma2 semaphore(%arg11 : memref<!tpu.dma_semaphore, #tpu.memory_space<semaphore_mem>>) src(%dma_wait3A_10 : memref<64x256xf32, #tpu.memory_space<hbm>>) dst(%arg9 : memref<64x256xf32, #tpu.memory_space<vmem>>)
    %iota3A = tpu.iota {dimensions = array<i32: 0>} : vector<16xi32>
    %add3A_11 = arith.constant 0 : i32
    %add3A_12 = vector.broadcast %add3A_11 : i32 to vector<16xi32>
    %add3A_13 = arith.addi %iota3A, %add3A_12 : vector<16xi32>
    %iota3A_14 = tpu.iota {dimensions = array<i32: 0>} : vector<16xi32>
    %add3A_15 = arith.constant 16 : i32
    %add3A_16 = vector.broadcast %add3A_15 : i32 to vector<16xi32>
    %add3A_17 = arith.addi %iota3A_14, %add3A_16 : vector<16xi32>
    %iota3A_18 = tpu.iota {dimensions = array<i32: 0>} : vector<16xi32>
    %add3A_19 = arith.constant 32 : i32
    %add3A_20 = vector.broadcast %add3A_19 : i32 to vector<16xi32>
    %add3A_21 = arith.addi %iota3A_18, %add3A_20 : vector<16xi32>
    %iota3A_22 = tpu.iota {dimensions = array<i32: 0>} : vector<16xi32>
    %add3A_23 = arith.constant 48 : i32
    %add3A_24 = vector.broadcast %add3A_23 : i32 to vector<16xi32>
    %add3A_25 = arith.addi %iota3A_22, %add3A_24 : vector<16xi32>
    %scan3A = arith.constant 0 : i32
    %scan3A_26 = arith.constant 0 : i32
    %scan3A_27 = arith.constant 16 : i32
    %scan3A_28 = arith.addi %scan3A_26, %scan3A_27 : i32
    %scan3A_29 = arith.constant 1 : i32
    scf.for %scan3A_403 = %scan3A_26 to %scan3A_28 step %scan3A_29  : i32 {
      %mul3A_404 = arith.constant 16 : i32
      %mul3A_405 = arith.muli %scan3A_403, %mul3A_404 : i32
      %add3A_406 = arith.addi %rem3A_4, %mul3A_405 : i32
      %get3A_407 = arith.index_cast %div3A_3 : i32 to index
      %get3A_408 = arith.index_cast %add3A_406 : i32 to index
      %get3A_409 = tpu.vector_load %arg6[%get3A_407, %get3A_408] {strides = array<i32>} : memref<4x2048xi32, #tpu.memory_space<vmem>>, vector<16xi32>,
      %sub3A_410 = arith.constant 1 : i32
      %sub3A_411 = arith.subi %scan3A_403, %sub3A_410 : i32
      %max3A = arith.constant 0 : i32
      %max3A_412 = arith.maxsi %sub3A_411, %max3A : i32
      %mul3A_413 = arith.constant 16 : i32
      %mul3A_414 = arith.muli %max3A_412, %mul3A_413 : i32
      %add3A_415 = arith.addi %rem3A_4, %mul3A_414 : i32
      %get3A_416 = arith.index_cast %div3A_3 : i32 to index
      %get3A_417 = arith.index_cast %add3A_415 : i32 to index
      %get3A_418 = tpu.vector_load %arg6[%get3A_416, %get3A_417] {strides = array<i32>} : memref<4x2048xi32, #tpu.memory_space<vmem>>, vector<16xi32>,
      %rem3A_419 = arith.constant 128 : i32
      %rem3A_420 = vector.broadcast %rem3A_419 : i32 to vector<16xi32>
      %rem3A_421 = arith.remsi %get3A_409, %rem3A_420 : vector<16xi32>
      %rem3A_422 = arith.constant 128 : i32
      %rem3A_423 = vector.broadcast %rem3A_422 : i32 to vector<16xi32>
      %rem3A_424 = arith.remsi %get3A_418, %rem3A_423 : vector<16xi32>
      %slice3A = vector.extract_strided_slice %get3A_409 {offsets = [0], sizes = [1], strides = [1]} : vector<16xi32> to vector<1xi32>
      %squeeze3A = vector.extract %slice3A[0] : i32 from vector<1xi32>
      %slice3A_425 = vector.extract_strided_slice %get3A_409 {offsets = [1], sizes = [1], strides = [1]} : vector<16xi32> to vector<1xi32>
      %squeeze3A_426 = vector.extract %slice3A_425[0] : i32 from vector<1xi32>
      %slice3A_427 = vector.extract_strided_slice %get3A_409 {offsets = [2], sizes = [1], strides = [1]} : vector<16xi32> to vector<1xi32>
      %squeeze3A_428 = vector.extract %slice3A_427[0] : i32 from vector<1xi32>
      %slice3A_429 = vector.extract_strided_slice %get3A_409 {offsets = [3], sizes = [1], strides = [1]} : vector<16xi32> to vector<1xi32>
      %squeeze3A_430 = vector.extract %slice3A_429[0] : i32 from vector<1xi32>
      %slice3A_431 = vector.extract_strided_slice %get3A_409 {offsets = [4], sizes = [1], strides = [1]} : vector<16xi32> to vector<1xi32>
      %squeeze3A_432 = vector.extract %slice3A_431[0] : i32 from vector<1xi32>
      %slice3A_433 = vector.extract_strided_slice %get3A_409 {offsets = [5], sizes = [1], strides = [1]} : vector<16xi32> to vector<1xi32>
      %squeeze3A_434 = vector.extract %slice3A_433[0] : i32 from vector<1xi32>
      %slice3A_435 = vector.extract_strided_slice %get3A_409 {offsets = [6], sizes = [1], strides = [1]} : vector<16xi32> to vector<1xi32>
      %squeeze3A_436 = vector.extract %slice3A_435[0] : i32 from vector<1xi32>
      %slice3A_437 = vector.extract_strided_slice %get3A_409 {offsets = [7], sizes = [1], strides = [1]} : vector<16xi32> to vector<1xi32>
      %squeeze3A_438 = vector.extract %slice3A_437[0] : i32 from vector<1xi32>
      %slice3A_439 = vector.extract_strided_slice %get3A_409 {offsets = [8], sizes = [1], strides = [1]} : vector<16xi32> to vector<1xi32>
      %squeeze3A_440 = vector.extract %slice3A_439[0] : i32 from vector<1xi32>
      %slice3A_441 = vector.extract_strided_slice %get3A_409 {offsets = [9], sizes = [1], strides = [1]} : vector<16xi32> to vector<1xi32>
      %squeeze3A_442 = vector.extract %slice3A_441[0] : i32 from vector<1xi32>
      %slice3A_443 = vector.extract_strided_slice %get3A_409 {offsets = [10], sizes = [1], strides = [1]} : vector<16xi32> to vector<1xi32>
      %squeeze3A_444 = vector.extract %slice3A_443[0] : i32 from vector<1xi32>
      %slice3A_445 = vector.extract_strided_slice %get3A_409 {offsets = [11], sizes = [1], strides = [1]} : vector<16xi32> to vector<1xi32>
      %squeeze3A_446 = vector.extract %slice3A_445[0] : i32 from vector<1xi32>
      %slice3A_447 = vector.extract_strided_slice %get3A_409 {offsets = [12], sizes = [1], strides = [1]} : vector<16xi32> to vector<1xi32>
      %squeeze3A_448 = vector.extract %slice3A_447[0] : i32 from vector<1xi32>
      %slice3A_449 = vector.extract_strided_slice %get3A_409 {offsets = [13], sizes = [1], strides = [1]} : vector<16xi32> to vector<1xi32>
      %squeeze3A_450 = vector.extract %slice3A_449[0] : i32 from vector<1xi32>
      %slice3A_451 = vector.extract_strided_slice %get3A_409 {offsets = [14], sizes = [1], strides = [1]} : vector<16xi32> to vector<1xi32>
      %squeeze3A_452 = vector.extract %slice3A_451[0] : i32 from vector<1xi32>
      %slice3A_453 = vector.extract_strided_slice %get3A_409 {offsets = [15], sizes = [1], strides = [1]} : vector<16xi32> to vector<1xi32>
      %squeeze3A_454 = vector.extract %slice3A_453[0] : i32 from vector<1xi32>
      %gt3A = arith.constant 0 : i32
      %gt3A_455 = arith.cmpi sgt, %scan3A_403, %gt3A : i32
      %convert_element_type3A = arith.extui %gt3A_455 : i1 to i32
      %cond3A = arith.constant 0 : i32
      %cond3A_456 = arith.cmpi ne, %convert_element_type3A, %cond3A : i32
      scf.if %cond3A_456 {
        %broadcast_in_dim3A_1234 = arith.constant 8 : i32
        %broadcast_in_dim3A_1235 = vector.broadcast %broadcast_in_dim3A_1234 : i32 to vector<16xi32>
        %lt3A_1236 = arith.constant 0 : i32
        %lt3A_1237 = vector.broadcast %lt3A_1236 : i32 to vector<16xi32>
        %lt3A_1238 = arith.cmpi slt, %broadcast_in_dim3A_1235, %lt3A_1237 : vector<16xi32>
        %add3A_1239 = arith.constant 16 : i32
        %add3A_1240 = vector.broadcast %add3A_1239 : i32 to vector<16xi32>
        %add3A_1241 = arith.addi %broadcast_in_dim3A_1235, %add3A_1240 : vector<16xi32>
        %select_n3A_1242 = arith.select %lt3A_1238, %add3A_1241, %broadcast_in_dim3A_1235 : vector<16xi1>, vector<16xi32>
        %broadcast_in_dim3A_1243 = vector.shape_cast %select_n3A_1242 : vector<16xi32> to vector<16x1xi32>
        %gather3A_1244 = vector.shape_cast %broadcast_in_dim3A_1243 : vector<16x1xi32> to vector<16xi32>
        %gather3A_1245 = tpu.dynamic_gather %rem3A_424[%gather3A_1244] in [0] : vector<16xi32>, vector<16xi32> -> vector<16xi32>
        %sub3A_1246 = arith.constant 1 : i32
        %sub3A_1247 = arith.subi %scan3A_403, %sub3A_1246 : i32
        %mul3A_1248 = arith.constant 16 : i32
        %mul3A_1249 = arith.muli %sub3A_1247, %mul3A_1248 : i32
        %add3A_1250 = arith.constant 0 : i32
        %add3A_1251 = arith.addi %mul3A_1249, %add3A_1250 : i32
        %add3A_1252 = arith.constant 8 : i32
        %add3A_1253 = arith.addi %add3A_1251, %add3A_1252 : i32
        %dma_wait3A_1254 = arith.constant 0 : i32
        %dma_wait3A_1255 = arith.constant 0 : i32
        %dma_wait3A_1256 = arith.constant 0 : i32
        %dma_wait3A_1257 = arith.constant 0 : i32
        %dma_wait3A_1258 = tpu.memref_slice %arg7[%dma_wait3A_1254, %dma_wait3A_1256, %dma_wait3A_1257] : memref<8x64x128xf32, #tpu.memory_space<vmem>> -> memref<1x64x128xf32, #tpu.memory_space<vmem>>
        %dma_wait3A_1259 = tpu.memref_squeeze %dma_wait3A_1258 : memref<1x64x128xf32, #tpu.memory_space<vmem>> -> memref<64x128xf32, #tpu.memory_space<vmem>>
        %dma_wait3A_1260 = arith.constant 0 : i32
        %dma_wait3A_1261 = arith.constant 0 : i32
        %dma_wait3A_1262 = tpu.memref_slice %arg3[%dma_wait3A_1260, %dma_wait3A_1261] : memref<64x1000000xf32, #tpu.memory_space<hbm>> -> memref<64x128xf32, #tpu.memory_space<hbm>>
        %dma_wait3A_1263 = tpu.memref_slice %arg10[%dma_wait3A_1255] : memref<8x!tpu.dma_semaphore, #tpu.memory_space<semaphore_mem>> -> memref<1x!tpu.dma_semaphore, #tpu.memory_space<semaphore_mem>>
        %dma_wait3A_1264 = tpu.memref_squeeze %dma_wait3A_1263 : memref<1x!tpu.dma_semaphore, #tpu.memory_space<semaphore_mem>> -> memref<!tpu.dma_semaphore, #tpu.memory_space<semaphore_mem>>
        %dma_wait3A_1265 = arith.constant 0 : i32
        %dma_wait3A_1266 = arith.constant 0 : i32
        %dma_wait3A_1267 = tpu.memref_slice %arg7[%dma_wait3A_1254, %dma_wait3A_1265, %dma_wait3A_1266] : memref<8x64x128xf32, #tpu.memory_space<vmem>> -> memref<1x64x128xf32, #tpu.memory_space<vmem>>
        %dma_wait3A_1268 = tpu.memref_squeeze %dma_wait3A_1267 : memref<1x64x128xf32, #tpu.memory_space<vmem>> -> memref<64x128xf32, #tpu.memory_space<vmem>>
        %dma_wait3A_1269 = arith.constant 0 : i32
        %dma_wait3A_1270 = arith.constant 0 : i32
        %dma_wait3A_1271 = tpu.memref_slice %arg3[%dma_wait3A_1269, %dma_wait3A_1270] : memref<64x1000000xf32, #tpu.memory_space<hbm>> -> memref<64x128xf32, #tpu.memory_space<hbm>>
        tpu.wait_dma2 semaphore(%dma_wait3A_1264 : memref<!tpu.dma_semaphore, #tpu.memory_space<semaphore_mem>>) src(%dma_wait3A_1271 : memref<64x128xf32, #tpu.memory_space<hbm>>) dst(%dma_wait3A_1268 : memref<64x128xf32, #tpu.memory_space<vmem>>)
        %broadcast_in_dim3A_1272 = arith.constant 0 : i32
        %broadcast_in_dim3A_1273 = vector.broadcast %broadcast_in_dim3A_1272 : i32 to vector<16xi32>
        %broadcast_in_dim3A_1274 = vector.broadcast %add3A_1253 : i32 to vector<16xi32>
        %gather3A_1275 = tpu.vector_load_idx %arg7[%broadcast_in_dim3A_1273, %add3A_13, %gather3A_1245] : memref<8x64x128xf32, #tpu.memory_space<vmem>>[vector<16xi32>, vector<16xi32>, vector<16xi32>], vector<16xf32>,
        %gather3A_1276 = tpu.vector_load_idx %arg9[%add3A_13, %broadcast_in_dim3A_1274] : memref<64x256xf32, #tpu.memory_space<vmem>>[vector<16xi32>, vector<16xi32>], vector<16xf32>,
        %add3A_1277 = arith.addf %gather3A_1275, %gather3A_1276 : vector<16xf32>
        tpu.vector_store_idx %arg8[%add3A_13, %broadcast_in_dim3A_1274], %add3A_1277 : memref<64x256xf32, #tpu.memory_space<vmem>>[vector<16xi32>, vector<16xi32>], vector<16xf32>,
        %gather3A_1278 = tpu.vector_load_idx %arg7[%broadcast_in_dim3A_1273, %add3A_17, %gather3A_1245] : memref<8x64x128xf32, #tpu.memory_space<vmem>>[vector<16xi32>, vector<16xi32>, vector<16xi32>], vector<16xf32>,
        %gather3A_1279 = tpu.vector_load_idx %arg9[%add3A_17, %broadcast_in_dim3A_1274] : memref<64x256xf32, #tpu.memory_space<vmem>>[vector<16xi32>, vector<16xi32>], vector<16xf32>,
        %add3A_1280 = arith.addf %gather3A_1278, %gather3A_1279 : vector<16xf32>
        tpu.vector_store_idx %arg8[%add3A_17, %broadcast_in_dim3A_1274], %add3A_1280 : memref<64x256xf32, #tpu.memory_space<vmem>>[vector<16xi32>, vector<16xi32>], vector<16xf32>,
        %gather3A_1281 = tpu.vector_load_idx %arg7[%broadcast_in_dim3A_1273, %add3A_21, %gather3A_1245] : memref<8x64x128xf32, #tpu.memory_space<vmem>>[vector<16xi32>, vector<16xi32>, vector<16xi32>], vector<16xf32>,
        %gather3A_1282 = tpu.vector_load_idx %arg9[%add3A_21, %broadcast_in_dim3A_1274] : memref<64x256xf32, #tpu.memory_space<vmem>>[vector<16xi32>, vector<16xi32>], vector<16xf32>,
        %add3A_1283 = arith.addf %gather3A_1281, %gather3A_1282 : vector<16xf32>
        tpu.vector_store_idx %arg8[%add3A_21, %broadcast_in_dim3A_1274], %add3A_1283 : memref<64x256xf32, #tpu.memory_space<vmem>>[vector<16xi32>, vector<16xi32>], vector<16xf32>,
        %gather3A_1284 = tpu.vector_load_idx %arg7[%broadcast_in_dim3A_1273, %add3A_25, %gather3A_1245] : memref<8x64x128xf32, #tpu.memory_space<vmem>>[vector<16xi32>, vector<16xi32>, vector<16xi32>], vector<16xf32>,
        %gather3A_1285 = tpu.vector_load_idx %arg9[%add3A_25, %broadcast_in_dim3A_1274] : memref<64x256xf32, #tpu.memory_space<vmem>>[vector<16xi32>, vector<16xi32>], vector<16xf32>,
        %add3A_1286 = arith.addf %gather3A_1284, %gather3A_1285 : vector<16xf32>
        tpu.vector_store_idx %arg8[%add3A_25, %broadcast_in_dim3A_1274], %add3A_1286 : memref<64x256xf32, #tpu.memory_space<vmem>>[vector<16xi32>, vector<16xi32>], vector<16xf32>,
      } else {
      }
      %shift_right_logical3A = arith.constant 7 : i32
      %shift_right_logical3A_457 = arith.shrui %squeeze3A, %shift_right_logical3A : i32
      %mul3A_458 = arith.constant 128 : i32
      %mul3A_459 = arith.muli %shift_right_logical3A_457, %mul3A_458 : i32
      %multiple_of3A = tpu.assume_multiple %mul3A_459, 128 : i32
      %dma_start3A_460 = arith.constant 0 : i32
      %dma_start3A_461 = arith.constant 0 : i32
      %dma_start3A_462 = arith.constant 0 : i32
      %dma_start3A_463 = arith.constant 0 : i32
      %dma_start3A_464 = tpu.memref_slice %arg7[%dma_start3A_460, %dma_start3A_462, %dma_start3A_463] : memref<8x64x128xf32, #tpu.memory_space<vmem>> -> memref<1x64x128xf32, #tpu.memory_space<vmem>>
      %dma_start3A_465 = tpu.memref_squeeze %dma_start3A_464 : memref<1x64x128xf32, #tpu.memory_space<vmem>> -> memref<64x128xf32, #tpu.memory_space<vmem>>
      %dma_start3A_466 = arith.constant 0 : i32
      %dma_start3A_467 = tpu.memref_slice %arg3[%dma_start3A_466, %multiple_of3A] : memref<64x1000000xf32, #tpu.memory_space<hbm>> -> memref<64x128xf32, #tpu.memory_space<hbm>>
      %dma_start3A_468 = tpu.memref_slice %arg10[%dma_start3A_461] : memref<8x!tpu.dma_semaphore, #tpu.memory_space<semaphore_mem>> -> memref<1x!tpu.dma_semaphore, #tpu.memory_space<semaphore_mem>>
      %dma_start3A_469 = tpu.memref_squeeze %dma_start3A_468 : memref<1x!tpu.dma_semaphore, #tpu.memory_space<semaphore_mem>> -> memref<!tpu.dma_semaphore, #tpu.memory_space<semaphore_mem>>
      %dma_start3A_470 = arith.constant 0 : i32
      %dma_start3A_471 = arith.constant 0 : i32
      %dma_start3A_472 = tpu.memref_slice %arg7[%dma_start3A_460, %dma_start3A_470, %dma_start3A_471] : memref<8x64x128xf32, #tpu.memory_space<vmem>> -> memref<1x64x128xf32, #tpu.memory_space<vmem>>
      %dma_start3A_473 = tpu.memref_squeeze %dma_start3A_472 : memref<1x64x128xf32, #tpu.memory_space<vmem>> -> memref<64x128xf32, #tpu.memory_space<vmem>>
      %dma_start3A_474 = arith.constant 0 : i32
      %dma_start3A_475 = tpu.memref_slice %arg3[%dma_start3A_474, %multiple_of3A] : memref<64x1000000xf32, #tpu.memory_space<hbm>> -> memref<64x128xf32, #tpu.memory_space<hbm>>
      tpu.enqueue_dma source(%dma_start3A_475 : memref<64x128xf32, #tpu.memory_space<hbm>>) target(%dma_start3A_473 : memref<64x128xf32, #tpu.memory_space<vmem>>) target_semaphore(%dma_start3A_469 : memref<!tpu.dma_semaphore, #tpu.memory_space<semaphore_mem>>)
      %gt3A_476 = arith.constant 0 : i32
      %gt3A_477 = arith.cmpi sgt, %scan3A_403, %gt3A_476 : i32
      %convert_element_type3A_478 = arith.extui %gt3A_477 : i1 to i32
      %cond3A_479 = arith.constant 0 : i32
      %cond3A_480 = arith.cmpi ne, %convert_element_type3A_478, %cond3A_479 : i32
      scf.if %cond3A_480 {
        %broadcast_in_dim3A_1234 = arith.constant 9 : i32
        %broadcast_in_dim3A_1235 = vector.broadcast %broadcast_in_dim3A_1234 : i32 to vector<16xi32>
        %lt3A_1236 = arith.constant 0 : i32
        %lt3A_1237 = vector.broadcast %lt3A_1236 : i32 to vector<16xi32>
        %lt3A_1238 = arith.cmpi slt, %broadcast_in_dim3A_1235, %lt3A_1237 : vector<16xi32>
        %add3A_1239 = arith.constant 16 : i32
        %add3A_1240 = vector.broadcast %add3A_1239 : i32 to vector<16xi32>
        %add3A_1241 = arith.addi %broadcast_in_dim3A_1235, %add3A_1240 : vector<16xi32>
        %select_n3A_1242 = arith.select %lt3A_1238, %add3A_1241, %broadcast_in_dim3A_1235 : vector<16xi1>, vector<16xi32>
        %broadcast_in_dim3A_1243 = vector.shape_cast %select_n3A_1242 : vector<16xi32> to vector<16x1xi32>
        %gather3A_1244 = vector.shape_cast %broadcast_in_dim3A_1243 : vector<16x1xi32> to vector<16xi32>
        %gather3A_1245 = tpu.dynamic_gather %rem3A_424[%gather3A_1244] in [0] : vector<16xi32>, vector<16xi32> -> vector<16xi32>
        %sub3A_1246 = arith.constant 1 : i32
        %sub3A_1247 = arith.subi %scan3A_403, %sub3A_1246 : i32
        %mul3A_1248 = arith.constant 16 : i32
        %mul3A_1249 = arith.muli %sub3A_1247, %mul3A_1248 : i32
        %add3A_1250 = arith.constant 1 : i32
        %add3A_1251 = arith.addi %mul3A_1249, %add3A_1250 : i32
        %add3A_1252 = arith.constant 8 : i32
        %add3A_1253 = arith.addi %add3A_1251, %add3A_1252 : i32
        %dma_wait3A_1254 = arith.constant 1 : i32
        %dma_wait3A_1255 = arith.constant 1 : i32
        %dma_wait3A_1256 = arith.constant 0 : i32
        %dma_wait3A_1257 = arith.constant 0 : i32
        %dma_wait3A_1258 = tpu.memref_slice %arg7[%dma_wait3A_1254, %dma_wait3A_1256, %dma_wait3A_1257] : memref<8x64x128xf32, #tpu.memory_space<vmem>> -> memref<1x64x128xf32, #tpu.memory_space<vmem>>
        %dma_wait3A_1259 = tpu.memref_squeeze %dma_wait3A_1258 : memref<1x64x128xf32, #tpu.memory_space<vmem>> -> memref<64x128xf32, #tpu.memory_space<vmem>>
        %dma_wait3A_1260 = arith.constant 0 : i32
        %dma_wait3A_1261 = arith.constant 0 : i32
        %dma_wait3A_1262 = tpu.memref_slice %arg3[%dma_wait3A_1260, %dma_wait3A_1261] : memref<64x1000000xf32, #tpu.memory_space<hbm>> -> memref<64x128xf32, #tpu.memory_space<hbm>>
        %dma_wait3A_1263 = tpu.memref_slice %arg10[%dma_wait3A_1255] : memref<8x!tpu.dma_semaphore, #tpu.memory_space<semaphore_mem>> -> memref<1x!tpu.dma_semaphore, #tpu.memory_space<semaphore_mem>>
        %dma_wait3A_1264 = tpu.memref_squeeze %dma_wait3A_1263 : memref<1x!tpu.dma_semaphore, #tpu.memory_space<semaphore_mem>> -> memref<!tpu.dma_semaphore, #tpu.memory_space<semaphore_mem>>
        %dma_wait3A_1265 = arith.constant 0 : i32
        %dma_wait3A_1266 = arith.constant 0 : i32
        %dma_wait3A_1267 = tpu.memref_slice %arg7[%dma_wait3A_1254, %dma_wait3A_1265, %dma_wait3A_1266] : memref<8x64x128xf32, #tpu.memory_space<vmem>> -> memref<1x64x128xf32, #tpu.memory_space<vmem>>
        %dma_wait3A_1268 = tpu.memref_squeeze %dma_wait3A_1267 : memref<1x64x128xf32, #tpu.memory_space<vmem>> -> memref<64x128xf32, #tpu.memory_space<vmem>>
        %dma_wait3A_1269 = arith.constant 0 : i32
        %dma_wait3A_1270 = arith.constant 0 : i32
        %dma_wait3A_1271 = tpu.memref_slice %arg3[%dma_wait3A_1269, %dma_wait3A_1270] : memref<64x1000000xf32, #tpu.memory_space<hbm>> -> memref<64x128xf32, #tpu.memory_space<hbm>>
        tpu.wait_dma2 semaphore(%dma_wait3A_1264 : memref<!tpu.dma_semaphore, #tpu.memory_space<semaphore_mem>>) src(%dma_wait3A_1271 : memref<64x128xf32, #tpu.memory_space<hbm>>) dst(%dma_wait3A_1268 : memref<64x128xf32, #tpu.memory_space<vmem>>)
        %broadcast_in_dim3A_1272 = arith.constant 1 : i32
        %broadcast_in_dim3A_1273 = vector.broadcast %broadcast_in_dim3A_1272 : i32 to vector<16xi32>
        %broadcast_in_dim3A_1274 = vector.broadcast %add3A_1253 : i32 to vector<16xi32>
        %gather3A_1275 = tpu.vector_load_idx %arg7[%broadcast_in_dim3A_1273, %add3A_13, %gather3A_1245] : memref<8x64x128xf32, #tpu.memory_space<vmem>>[vector<16xi32>, vector<16xi32>, vector<16xi32>], vector<16xf32>,
        %gather3A_1276 = tpu.vector_load_idx %arg9[%add3A_13, %broadcast_in_dim3A_1274] : memref<64x256xf32, #tpu.memory_space<vmem>>[vector<16xi32>, vector<16xi32>], vector<16xf32>,
        %add3A_1277 = arith.addf %gather3A_1275, %gather3A_1276 : vector<16xf32>
        tpu.vector_store_idx %arg8[%add3A_13, %broadcast_in_dim3A_1274], %add3A_1277 : memref<64x256xf32, #tpu.memory_space<vmem>>[vector<16xi32>, vector<16xi32>], vector<16xf32>,
        %gather3A_1278 = tpu.vector_load_idx %arg7[%broadcast_in_dim3A_1273, %add3A_17, %gather3A_1245] : memref<8x64x128xf32, #tpu.memory_space<vmem>>[vector<16xi32>, vector<16xi32>, vector<16xi32>], vector<16xf32>,
        %gather3A_1279 = tpu.vector_load_idx %arg9[%add3A_17, %broadcast_in_dim3A_1274] : memref<64x256xf32, #tpu.memory_space<vmem>>[vector<16xi32>, vector<16xi32>], vector<16xf32>,
        %add3A_1280 = arith.addf %gather3A_1278, %gather3A_1279 : vector<16xf32>
        tpu.vector_store_idx %arg8[%add3A_17, %broadcast_in_dim3A_1274], %add3A_1280 : memref<64x256xf32, #tpu.memory_space<vmem>>[vector<16xi32>, vector<16xi32>], vector<16xf32>,
        %gather3A_1281 = tpu.vector_load_idx %arg7[%broadcast_in_dim3A_1273, %add3A_21, %gather3A_1245] : memref<8x64x128xf32, #tpu.memory_space<vmem>>[vector<16xi32>, vector<16xi32>, vector<16xi32>], vector<16xf32>,
        %gather3A_1282 = tpu.vector_load_idx %arg9[%add3A_21, %broadcast_in_dim3A_1274] : memref<64x256xf32, #tpu.memory_space<vmem>>[vector<16xi32>, vector<16xi32>], vector<16xf32>,
        %add3A_1283 = arith.addf %gather3A_1281, %gather3A_1282 : vector<16xf32>
        tpu.vector_store_idx %arg8[%add3A_21, %broadcast_in_dim3A_1274], %add3A_1283 : memref<64x256xf32, #tpu.memory_space<vmem>>[vector<16xi32>, vector<16xi32>], vector<16xf32>,
        %gather3A_1284 = tpu.vector_load_idx %arg7[%broadcast_in_dim3A_1273, %add3A_25, %gather3A_1245] : memref<8x64x128xf32, #tpu.memory_space<vmem>>[vector<16xi32>, vector<16xi32>, vector<16xi32>], vector<16xf32>,
        %gather3A_1285 = tpu.vector_load_idx %arg9[%add3A_25, %broadcast_in_dim3A_1274] : memref<64x256xf32, #tpu.memory_space<vmem>>[vector<16xi32>, vector<16xi32>], vector<16xf32>,
        %add3A_1286 = arith.addf %gather3A_1284, %gather3A_1285 : vector<16xf32>
        tpu.vector_store_idx %arg8[%add3A_25, %broadcast_in_dim3A_1274], %add3A_1286 : memref<64x256xf32, #tpu.memory_space<vmem>>[vector<16xi32>, vector<16xi32>], vector<16xf32>,
      } else {
      }
      %shift_right_logical3A_481 = arith.constant 7 : i32
      %shift_right_logical3A_482 = arith.shrui %squeeze3A_426, %shift_right_logical3A_481 : i32
      %mul3A_483 = arith.constant 128 : i32
      %mul3A_484 = arith.muli %shift_right_logical3A_482, %mul3A_483 : i32
      %multiple_of3A_485 = tpu.assume_multiple %mul3A_484, 128 : i32
      %dma_start3A_486 = arith.constant 1 : i32
      %dma_start3A_487 = arith.constant 1 : i32
      %dma_start3A_488 = arith.constant 0 : i32
      %dma_start3A_489 = arith.constant 0 : i32
      %dma_start3A_490 = tpu.memref_slice %arg7[%dma_start3A_486, %dma_start3A_488, %dma_start3A_489] : memref<8x64x128xf32, #tpu.memory_space<vmem>> -> memref<1x64x128xf32, #tpu.memory_space<vmem>>
      %dma_start3A_491 = tpu.memref_squeeze %dma_start3A_490 : memref<1x64x128xf32, #tpu.memory_space<vmem>> -> memref<64x128xf32, #tpu.memory_space<vmem>>
      %dma_start3A_492 = arith.constant 0 : i32
      %dma_start3A_493 = tpu.memref_slice %arg3[%dma_start3A_492, %multiple_of3A_485] : memref<64x1000000xf32, #tpu.memory_space<hbm>> -> memref<64x128xf32, #tpu.memory_space<hbm>>
      %dma_start3A_494 = tpu.memref_slice %arg10[%dma_start3A_487] : memref<8x!tpu.dma_semaphore, #tpu.memory_space<semaphore_mem>> -> memref<1x!tpu.dma_semaphore, #tpu.memory_space<semaphore_mem>>
      %dma_start3A_495 = tpu.memref_squeeze %dma_start3A_494 : memref<1x!tpu.dma_semaphore, #tpu.memory_space<semaphore_mem>> -> memref<!tpu.dma_semaphore, #tpu.memory_space<semaphore_mem>>
      %dma_start3A_496 = arith.constant 0 : i32
      %dma_start3A_497 = arith.constant 0 : i32
      %dma_start3A_498 = tpu.memref_slice %arg7[%dma_start3A_486, %dma_start3A_496, %dma_start3A_497] : memref<8x64x128xf32, #tpu.memory_space<vmem>> -> memref<1x64x128xf32, #tpu.memory_space<vmem>>
      %dma_start3A_499 = tpu.memref_squeeze %dma_start3A_498 : memref<1x64x128xf32, #tpu.memory_space<vmem>> -> memref<64x128xf32, #tpu.memory_space<vmem>>
      %dma_start3A_500 = arith.constant 0 : i32
      %dma_start3A_501 = tpu.memref_slice %arg3[%dma_start3A_500, %multiple_of3A_485] : memref<64x1000000xf32, #tpu.memory_space<hbm>> -> memref<64x128xf32, #tpu.memory_space<hbm>>
      tpu.enqueue_dma source(%dma_start3A_501 : memref<64x128xf32, #tpu.memory_space<hbm>>) target(%dma_start3A_499 : memref<64x128xf32, #tpu.memory_space<vmem>>) target_semaphore(%dma_start3A_495 : memref<!tpu.dma_semaphore, #tpu.memory_space<semaphore_mem>>)
      %gt3A_502 = arith.constant 0 : i32
      %gt3A_503 = arith.cmpi sgt, %scan3A_403, %gt3A_502 : i32
      %convert_element_type3A_504 = arith.extui %gt3A_503 : i1 to i32
      %cond3A_505 = arith.constant 0 : i32
      %cond3A_506 = arith.cmpi ne, %convert_element_type3A_504, %cond3A_505 : i32
      scf.if %cond3A_506 {
        %broadcast_in_dim3A_1234 = arith.constant 10 : i32
        %broadcast_in_dim3A_1235 = vector.broadcast %broadcast_in_dim3A_1234 : i32 to vector<16xi32>
        %lt3A_1236 = arith.constant 0 : i32
        %lt3A_1237 = vector.broadcast %lt3A_1236 : i32 to vector<16xi32>
        %lt3A_1238 = arith.cmpi slt, %broadcast_in_dim3A_1235, %lt3A_1237 : vector<16xi32>
        %add3A_1239 = arith.constant 16 : i32
        %add3A_1240 = vector.broadcast %add3A_1239 : i32 to vector<16xi32>
        %add3A_1241 = arith.addi %broadcast_in_dim3A_1235, %add3A_1240 : vector<16xi32>
        %select_n3A_1242 = arith.select %lt3A_1238, %add3A_1241, %broadcast_in_dim3A_1235 : vector<16xi1>, vector<16xi32>
        %broadcast_in_dim3A_1243 = vector.shape_cast %select_n3A_1242 : vector<16xi32> to vector<16x1xi32>
        %gather3A_1244 = vector.shape_cast %broadcast_in_dim3A_1243 : vector<16x1xi32> to vector<16xi32>
        %gather3A_1245 = tpu.dynamic_gather %rem3A_424[%gather3A_1244] in [0] : vector<16xi32>, vector<16xi32> -> vector<16xi32>
        %sub3A_1246 = arith.constant 1 : i32
        %sub3A_1247 = arith.subi %scan3A_403, %sub3A_1246 : i32
        %mul3A_1248 = arith.constant 16 : i32
        %mul3A_1249 = arith.muli %sub3A_1247, %mul3A_1248 : i32
        %add3A_1250 = arith.constant 2 : i32
        %add3A_1251 = arith.addi %mul3A_1249, %add3A_1250 : i32
        %add3A_1252 = arith.constant 8 : i32
        %add3A_1253 = arith.addi %add3A_1251, %add3A_1252 : i32
        %dma_wait3A_1254 = arith.constant 2 : i32
        %dma_wait3A_1255 = arith.constant 2 : i32
        %dma_wait3A_1256 = arith.constant 0 : i32
        %dma_wait3A_1257 = arith.constant 0 : i32
        %dma_wait3A_1258 = tpu.memref_slice %arg7[%dma_wait3A_1254, %dma_wait3A_1256, %dma_wait3A_1257] : memref<8x64x128xf32, #tpu.memory_space<vmem>> -> memref<1x64x128xf32, #tpu.memory_space<vmem>>
        %dma_wait3A_1259 = tpu.memref_squeeze %dma_wait3A_1258 : memref<1x64x128xf32, #tpu.memory_space<vmem>> -> memref<64x128xf32, #tpu.memory_space<vmem>>
        %dma_wait3A_1260 = arith.constant 0 : i32
        %dma_wait3A_1261 = arith.constant 0 : i32
        %dma_wait3A_1262 = tpu.memref_slice %arg3[%dma_wait3A_1260, %dma_wait3A_1261] : memref<64x1000000xf32, #tpu.memory_space<hbm>> -> memref<64x128xf32, #tpu.memory_space<hbm>>
        %dma_wait3A_1263 = tpu.memref_slice %arg10[%dma_wait3A_1255] : memref<8x!tpu.dma_semaphore, #tpu.memory_space<semaphore_mem>> -> memref<1x!tpu.dma_semaphore, #tpu.memory_space<semaphore_mem>>
        %dma_wait3A_1264 = tpu.memref_squeeze %dma_wait3A_1263 : memref<1x!tpu.dma_semaphore, #tpu.memory_space<semaphore_mem>> -> memref<!tpu.dma_semaphore, #tpu.memory_space<semaphore_mem>>
        %dma_wait3A_1265 = arith.constant 0 : i32
        %dma_wait3A_1266 = arith.constant 0 : i32
        %dma_wait3A_1267 = tpu.memref_slice %arg7[%dma_wait3A_1254, %dma_wait3A_1265, %dma_wait3A_1266] : memref<8x64x128xf32, #tpu.memory_space<vmem>> -> memref<1x64x128xf32, #tpu.memory_space<vmem>>
        %dma_wait3A_1268 = tpu.memref_squeeze %dma_wait3A_1267 : memref<1x64x128xf32, #tpu.memory_space<vmem>> -> memref<64x128xf32, #tpu.memory_space<vmem>>
        %dma_wait3A_1269 = arith.constant 0 : i32
        %dma_wait3A_1270 = arith.constant 0 : i32
        %dma_wait3A_1271 = tpu.memref_slice %arg3[%dma_wait3A_1269, %dma_wait3A_1270] : memref<64x1000000xf32, #tpu.memory_space<hbm>> -> memref<64x128xf32, #tpu.memory_space<hbm>>
        tpu.wait_dma2 semaphore(%dma_wait3A_1264 : memref<!tpu.dma_semaphore, #tpu.memory_space<semaphore_mem>>) src(%dma_wait3A_1271 : memref<64x128xf32, #tpu.memory_space<hbm>>) dst(%dma_wait3A_1268 : memref<64x128xf32, #tpu.memory_space<vmem>>)
        %broadcast_in_dim3A_1272 = arith.constant 2 : i32
        %broadcast_in_dim3A_1273 = vector.broadcast %broadcast_in_dim3A_1272 : i32 to vector<16xi32>
        %broadcast_in_dim3A_1274 = vector.broadcast %add3A_1253 : i32 to vector<16xi32>
        %gather3A_1275 = tpu.vector_load_idx %arg7[%broadcast_in_dim3A_1273, %add3A_13, %gather3A_1245] : memref<8x64x128xf32, #tpu.memory_space<vmem>>[vector<16xi32>, vector<16xi32>, vector<16xi32>], vector<16xf32>,
        %gather3A_1276 = tpu.vector_load_idx %arg9[%add3A_13, %broadcast_in_dim3A_1274] : memref<64x256xf32, #tpu.memory_space<vmem>>[vector<16xi32>, vector<16xi32>], vector<16xf32>,
        %add3A_1277 = arith.addf %gather3A_1275, %gather3A_1276 : vector<16xf32>
        tpu.vector_store_idx %arg8[%add3A_13, %broadcast_in_dim3A_1274], %add3A_1277 : memref<64x256xf32, #tpu.memory_space<vmem>>[vector<16xi32>, vector<16xi32>], vector<16xf32>,
        %gather3A_1278 = tpu.vector_load_idx %arg7[%broadcast_in_dim3A_1273, %add3A_17, %gather3A_1245] : memref<8x64x128xf32, #tpu.memory_space<vmem>>[vector<16xi32>, vector<16xi32>, vector<16xi32>], vector<16xf32>,
        %gather3A_1279 = tpu.vector_load_idx %arg9[%add3A_17, %broadcast_in_dim3A_1274] : memref<64x256xf32, #tpu.memory_space<vmem>>[vector<16xi32>, vector<16xi32>], vector<16xf32>,
        %add3A_1280 = arith.addf %gather3A_1278, %gather3A_1279 : vector<16xf32>
        tpu.vector_store_idx %arg8[%add3A_17, %broadcast_in_dim3A_1274], %add3A_1280 : memref<64x256xf32, #tpu.memory_space<vmem>>[vector<16xi32>, vector<16xi32>], vector<16xf32>,
        %gather3A_1281 = tpu.vector_load_idx %arg7[%broadcast_in_dim3A_1273, %add3A_21, %gather3A_1245] : memref<8x64x128xf32, #tpu.memory_space<vmem>>[vector<16xi32>, vector<16xi32>, vector<16xi32>], vector<16xf32>,
        %gather3A_1282 = tpu.vector_load_idx %arg9[%add3A_21, %broadcast_in_dim3A_1274] : memref<64x256xf32, #tpu.memory_space<vmem>>[vector<16xi32>, vector<16xi32>], vector<16xf32>,
        %add3A_1283 = arith.addf %gather3A_1281, %gather3A_1282 : vector<16xf32>
        tpu.vector_store_idx %arg8[%add3A_21, %broadcast_in_dim3A_1274], %add3A_1283 : memref<64x256xf32, #tpu.memory_space<vmem>>[vector<16xi32>, vector<16xi32>], vector<16xf32>,
        %gather3A_1284 = tpu.vector_load_idx %arg7[%broadcast_in_dim3A_1273, %add3A_25, %gather3A_1245] : memref<8x64x128xf32, #tpu.memory_space<vmem>>[vector<16xi32>, vector<16xi32>, vector<16xi32>], vector<16xf32>,
        %gather3A_1285 = tpu.vector_load_idx %arg9[%add3A_25, %broadcast_in_dim3A_1274] : memref<64x256xf32, #tpu.memory_space<vmem>>[vector<16xi32>, vector<16xi32>], vector<16xf32>,
        %add3A_1286 = arith.addf %gather3A_1284, %gather3A_1285 : vector<16xf32>
        tpu.vector_store_idx %arg8[%add3A_25, %broadcast_in_dim3A_1274], %add3A_1286 : memref<64x256xf32, #tpu.memory_space<vmem>>[vector<16xi32>, vector<16xi32>], vector<16xf32>,
      } else {
      }
      %shift_right_logical3A_507 = arith.constant 7 : i32
      %shift_right_logical3A_508 = arith.shrui %squeeze3A_428, %shift_right_logical3A_507 : i32
      %mul3A_509 = arith.constant 128 : i32
      %mul3A_510 = arith.muli %shift_right_logical3A_508, %mul3A_509 : i32
      %multiple_of3A_511 = tpu.assume_multiple %mul3A_510, 128 : i32
      %dma_start3A_512 = arith.constant 2 : i32
      %dma_start3A_513 = arith.constant 2 : i32
      %dma_start3A_514 = arith.constant 0 : i32
      %dma_start3A_515 = arith.constant 0 : i32
      %dma_start3A_516 = tpu.memref_slice %arg7[%dma_start3A_512, %dma_start3A_514, %dma_start3A_515] : memref<8x64x128xf32, #tpu.memory_space<vmem>> -> memref<1x64x128xf32, #tpu.memory_space<vmem>>
      %dma_start3A_517 = tpu.memref_squeeze %dma_start3A_516 : memref<1x64x128xf32, #tpu.memory_space<vmem>> -> memref<64x128xf32, #tpu.memory_space<vmem>>
      %dma_start3A_518 = arith.constant 0 : i32
      %dma_start3A_519 = tpu.memref_slice %arg3[%dma_start3A_518, %multiple_of3A_511] : memref<64x1000000xf32, #tpu.memory_space<hbm>> -> memref<64x128xf32, #tpu.memory_space<hbm>>
      %dma_start3A_520 = tpu.memref_slice %arg10[%dma_start3A_513] : memref<8x!tpu.dma_semaphore, #tpu.memory_space<semaphore_mem>> -> memref<1x!tpu.dma_semaphore, #tpu.memory_space<semaphore_mem>>
      %dma_start3A_521 = tpu.memref_squeeze %dma_start3A_520 : memref<1x!tpu.dma_semaphore, #tpu.memory_space<semaphore_mem>> -> memref<!tpu.dma_semaphore, #tpu.memory_space<semaphore_mem>>
      %dma_start3A_522 = arith.constant 0 : i32
      %dma_start3A_523 = arith.constant 0 : i32
      %dma_start3A_524 = tpu.memref_slice %arg7[%dma_start3A_512, %dma_start3A_522, %dma_start3A_523] : memref<8x64x128xf32, #tpu.memory_space<vmem>> -> memref<1x64x128xf32, #tpu.memory_space<vmem>>
      %dma_start3A_525 = tpu.memref_squeeze %dma_start3A_524 : memref<1x64x128xf32, #tpu.memory_space<vmem>> -> memref<64x128xf32, #tpu.memory_space<vmem>>
      %dma_start3A_526 = arith.constant 0 : i32
      %dma_start3A_527 = tpu.memref_slice %arg3[%dma_start3A_526, %multiple_of3A_511] : memref<64x1000000xf32, #tpu.memory_space<hbm>> -> memref<64x128xf32, #tpu.memory_space<hbm>>
      tpu.enqueue_dma source(%dma_start3A_527 : memref<64x128xf32, #tpu.memory_space<hbm>>) target(%dma_start3A_525 : memref<64x128xf32, #tpu.memory_space<vmem>>) target_semaphore(%dma_start3A_521 : memref<!tpu.dma_semaphore, #tpu.memory_space<semaphore_mem>>)
      %gt3A_528 = arith.constant 0 : i32
      %gt3A_529 = arith.cmpi sgt, %scan3A_403, %gt3A_528 : i32
      %convert_element_type3A_530 = arith.extui %gt3A_529 : i1 to i32
      %cond3A_531 = arith.constant 0 : i32
      %cond3A_532 = arith.cmpi ne, %convert_element_type3A_530, %cond3A_531 : i32
      scf.if %cond3A_532 {
        %broadcast_in_dim3A_1234 = arith.constant 11 : i32
        %broadcast_in_dim3A_1235 = vector.broadcast %broadcast_in_dim3A_1234 : i32 to vector<16xi32>
        %lt3A_1236 = arith.constant 0 : i32
        %lt3A_1237 = vector.broadcast %lt3A_1236 : i32 to vector<16xi32>
        %lt3A_1238 = arith.cmpi slt, %broadcast_in_dim3A_1235, %lt3A_1237 : vector<16xi32>
        %add3A_1239 = arith.constant 16 : i32
        %add3A_1240 = vector.broadcast %add3A_1239 : i32 to vector<16xi32>
        %add3A_1241 = arith.addi %broadcast_in_dim3A_1235, %add3A_1240 : vector<16xi32>
        %select_n3A_1242 = arith.select %lt3A_1238, %add3A_1241, %broadcast_in_dim3A_1235 : vector<16xi1>, vector<16xi32>
        %broadcast_in_dim3A_1243 = vector.shape_cast %select_n3A_1242 : vector<16xi32> to vector<16x1xi32>
        %gather3A_1244 = vector.shape_cast %broadcast_in_dim3A_1243 : vector<16x1xi32> to vector<16xi32>
        %gather3A_1245 = tpu.dynamic_gather %rem3A_424[%gather3A_1244] in [0] : vector<16xi32>, vector<16xi32> -> vector<16xi32>
        %sub3A_1246 = arith.constant 1 : i32
        %sub3A_1247 = arith.subi %scan3A_403, %sub3A_1246 : i32
        %mul3A_1248 = arith.constant 16 : i32
        %mul3A_1249 = arith.muli %sub3A_1247, %mul3A_1248 : i32
        %add3A_1250 = arith.constant 3 : i32
        %add3A_1251 = arith.addi %mul3A_1249, %add3A_1250 : i32
        %add3A_1252 = arith.constant 8 : i32
        %add3A_1253 = arith.addi %add3A_1251, %add3A_1252 : i32
        %dma_wait3A_1254 = arith.constant 3 : i32
        %dma_wait3A_1255 = arith.constant 3 : i32
        %dma_wait3A_1256 = arith.constant 0 : i32
        %dma_wait3A_1257 = arith.constant 0 : i32
        %dma_wait3A_1258 = tpu.memref_slice %arg7[%dma_wait3A_1254, %dma_wait3A_1256, %dma_wait3A_1257] : memref<8x64x128xf32, #tpu.memory_space<vmem>> -> memref<1x64x128xf32, #tpu.memory_space<vmem>>
        %dma_wait3A_1259 = tpu.memref_squeeze %dma_wait3A_1258 : memref<1x64x128xf32, #tpu.memory_space<vmem>> -> memref<64x128xf32, #tpu.memory_space<vmem>>
        %dma_wait3A_1260 = arith.constant 0 : i32
        %dma_wait3A_1261 = arith.constant 0 : i32
        %dma_wait3A_1262 = tpu.memref_slice %arg3[%dma_wait3A_1260, %dma_wait3A_1261] : memref<64x1000000xf32, #tpu.memory_space<hbm>> -> memref<64x128xf32, #tpu.memory_space<hbm>>
        %dma_wait3A_1263 = tpu.memref_slice %arg10[%dma_wait3A_1255] : memref<8x!tpu.dma_semaphore, #tpu.memory_space<semaphore_mem>> -> memref<1x!tpu.dma_semaphore, #tpu.memory_space<semaphore_mem>>
        %dma_wait3A_1264 = tpu.memref_squeeze %dma_wait3A_1263 : memref<1x!tpu.dma_semaphore, #tpu.memory_space<semaphore_mem>> -> memref<!tpu.dma_semaphore, #tpu.memory_space<semaphore_mem>>
        %dma_wait3A_1265 = arith.constant 0 : i32
        %dma_wait3A_1266 = arith.constant 0 : i32
        %dma_wait3A_1267 = tpu.memref_slice %arg7[%dma_wait3A_1254, %dma_wait3A_1265, %dma_wait3A_1266] : memref<8x64x128xf32, #tpu.memory_space<vmem>> -> memref<1x64x128xf32, #tpu.memory_space<vmem>>
        %dma_wait3A_1268 = tpu.memref_squeeze %dma_wait3A_1267 : memref<1x64x128xf32, #tpu.memory_space<vmem>> -> memref<64x128xf32, #tpu.memory_space<vmem>>
        %dma_wait3A_1269 = arith.constant 0 : i32
        %dma_wait3A_1270 = arith.constant 0 : i32
        %dma_wait3A_1271 = tpu.memref_slice %arg3[%dma_wait3A_1269, %dma_wait3A_1270] : memref<64x1000000xf32, #tpu.memory_space<hbm>> -> memref<64x128xf32, #tpu.memory_space<hbm>>
        tpu.wait_dma2 semaphore(%dma_wait3A_1264 : memref<!tpu.dma_semaphore, #tpu.memory_space<semaphore_mem>>) src(%dma_wait3A_1271 : memref<64x128xf32, #tpu.memory_space<hbm>>) dst(%dma_wait3A_1268 : memref<64x128xf32, #tpu.memory_space<vmem>>)
        %broadcast_in_dim3A_1272 = arith.constant 3 : i32
        %broadcast_in_dim3A_1273 = vector.broadcast %broadcast_in_dim3A_1272 : i32 to vector<16xi32>
        %broadcast_in_dim3A_1274 = vector.broadcast %add3A_1253 : i32 to vector<16xi32>
        %gather3A_1275 = tpu.vector_load_idx %arg7[%broadcast_in_dim3A_1273, %add3A_13, %gather3A_1245] : memref<8x64x128xf32, #tpu.memory_space<vmem>>[vector<16xi32>, vector<16xi32>, vector<16xi32>], vector<16xf32>,
        %gather3A_1276 = tpu.vector_load_idx %arg9[%add3A_13, %broadcast_in_dim3A_1274] : memref<64x256xf32, #tpu.memory_space<vmem>>[vector<16xi32>, vector<16xi32>], vector<16xf32>,
        %add3A_1277 = arith.addf %gather3A_1275, %gather3A_1276 : vector<16xf32>
        tpu.vector_store_idx %arg8[%add3A_13, %broadcast_in_dim3A_1274], %add3A_1277 : memref<64x256xf32, #tpu.memory_space<vmem>>[vector<16xi32>, vector<16xi32>], vector<16xf32>,
        %gather3A_1278 = tpu.vector_load_idx %arg7[%broadcast_in_dim3A_1273, %add3A_17, %gather3A_1245] : memref<8x64x128xf32, #tpu.memory_space<vmem>>[vector<16xi32>, vector<16xi32>, vector<16xi32>], vector<16xf32>,
        %gather3A_1279 = tpu.vector_load_idx %arg9[%add3A_17, %broadcast_in_dim3A_1274] : memref<64x256xf32, #tpu.memory_space<vmem>>[vector<16xi32>, vector<16xi32>], vector<16xf32>,
        %add3A_1280 = arith.addf %gather3A_1278, %gather3A_1279 : vector<16xf32>
        tpu.vector_store_idx %arg8[%add3A_17, %broadcast_in_dim3A_1274], %add3A_1280 : memref<64x256xf32, #tpu.memory_space<vmem>>[vector<16xi32>, vector<16xi32>], vector<16xf32>,
        %gather3A_1281 = tpu.vector_load_idx %arg7[%broadcast_in_dim3A_1273, %add3A_21, %gather3A_1245] : memref<8x64x128xf32, #tpu.memory_space<vmem>>[vector<16xi32>, vector<16xi32>, vector<16xi32>], vector<16xf32>,
        %gather3A_1282 = tpu.vector_load_idx %arg9[%add3A_21, %broadcast_in_dim3A_1274] : memref<64x256xf32, #tpu.memory_space<vmem>>[vector<16xi32>, vector<16xi32>], vector<16xf32>,
        %add3A_1283 = arith.addf %gather3A_1281, %gather3A_1282 : vector<16xf32>
        tpu.vector_store_idx %arg8[%add3A_21, %broadcast_in_dim3A_1274], %add3A_1283 : memref<64x256xf32, #tpu.memory_space<vmem>>[vector<16xi32>, vector<16xi32>], vector<16xf32>,
        %gather3A_1284 = tpu.vector_load_idx %arg7[%broadcast_in_dim3A_1273, %add3A_25, %gather3A_1245] : memref<8x64x128xf32, #tpu.memory_space<vmem>>[vector<16xi32>, vector<16xi32>, vector<16xi32>], vector<16xf32>,
        %gather3A_1285 = tpu.vector_load_idx %arg9[%add3A_25, %broadcast_in_dim3A_1274] : memref<64x256xf32, #tpu.memory_space<vmem>>[vector<16xi32>, vector<16xi32>], vector<16xf32>,
        %add3A_1286 = arith.addf %gather3A_1284, %gather3A_1285 : vector<16xf32>
        tpu.vector_store_idx %arg8[%add3A_25, %broadcast_in_dim3A_1274], %add3A_1286 : memref<64x256xf32, #tpu.memory_space<vmem>>[vector<16xi32>, vector<16xi32>], vector<16xf32>,
      } else {
      }
      %shift_right_logical3A_533 = arith.constant 7 : i32
      %shift_right_logical3A_534 = arith.shrui %squeeze3A_430, %shift_right_logical3A_533 : i32
      %mul3A_535 = arith.constant 128 : i32
      %mul3A_536 = arith.muli %shift_right_logical3A_534, %mul3A_535 : i32
      %multiple_of3A_537 = tpu.assume_multiple %mul3A_536, 128 : i32
      %dma_start3A_538 = arith.constant 3 : i32
      %dma_start3A_539 = arith.constant 3 : i32
      %dma_start3A_540 = arith.constant 0 : i32
      %dma_start3A_541 = arith.constant 0 : i32
      %dma_start3A_542 = tpu.memref_slice %arg7[%dma_start3A_538, %dma_start3A_540, %dma_start3A_541] : memref<8x64x128xf32, #tpu.memory_space<vmem>> -> memref<1x64x128xf32, #tpu.memory_space<vmem>>
      %dma_start3A_543 = tpu.memref_squeeze %dma_start3A_542 : memref<1x64x128xf32, #tpu.memory_space<vmem>> -> memref<64x128xf32, #tpu.memory_space<vmem>>
      %dma_start3A_544 = arith.constant 0 : i32
      %dma_start3A_545 = tpu.memref_slice %arg3[%dma_start3A_544, %multiple_of3A_537] : memref<64x1000000xf32, #tpu.memory_space<hbm>> -> memref<64x128xf32, #tpu.memory_space<hbm>>
      %dma_start3A_546 = tpu.memref_slice %arg10[%dma_start3A_539] : memref<8x!tpu.dma_semaphore, #tpu.memory_space<semaphore_mem>> -> memref<1x!tpu.dma_semaphore, #tpu.memory_space<semaphore_mem>>
      %dma_start3A_547 = tpu.memref_squeeze %dma_start3A_546 : memref<1x!tpu.dma_semaphore, #tpu.memory_space<semaphore_mem>> -> memref<!tpu.dma_semaphore, #tpu.memory_space<semaphore_mem>>
      %dma_start3A_548 = arith.constant 0 : i32
      %dma_start3A_549 = arith.constant 0 : i32
      %dma_start3A_550 = tpu.memref_slice %arg7[%dma_start3A_538, %dma_start3A_548, %dma_start3A_549] : memref<8x64x128xf32, #tpu.memory_space<vmem>> -> memref<1x64x128xf32, #tpu.memory_space<vmem>>
      %dma_start3A_551 = tpu.memref_squeeze %dma_start3A_550 : memref<1x64x128xf32, #tpu.memory_space<vmem>> -> memref<64x128xf32, #tpu.memory_space<vmem>>
      %dma_start3A_552 = arith.constant 0 : i32
      %dma_start3A_553 = tpu.memref_slice %arg3[%dma_start3A_552, %multiple_of3A_537] : memref<64x1000000xf32, #tpu.memory_space<hbm>> -> memref<64x128xf32, #tpu.memory_space<hbm>>
      tpu.enqueue_dma source(%dma_start3A_553 : memref<64x128xf32, #tpu.memory_space<hbm>>) target(%dma_start3A_551 : memref<64x128xf32, #tpu.memory_space<vmem>>) target_semaphore(%dma_start3A_547 : memref<!tpu.dma_semaphore, #tpu.memory_space<semaphore_mem>>)
      %gt3A_554 = arith.constant 0 : i32
      %gt3A_555 = arith.cmpi sgt, %scan3A_403, %gt3A_554 : i32
      %convert_element_type3A_556 = arith.extui %gt3A_555 : i1 to i32
      %cond3A_557 = arith.constant 0 : i32
      %cond3A_558 = arith.cmpi ne, %convert_element_type3A_556, %cond3A_557 : i32
      scf.if %cond3A_558 {
        %broadcast_in_dim3A_1234 = arith.constant 12 : i32
        %broadcast_in_dim3A_1235 = vector.broadcast %broadcast_in_dim3A_1234 : i32 to vector<16xi32>
        %lt3A_1236 = arith.constant 0 : i32
        %lt3A_1237 = vector.broadcast %lt3A_1236 : i32 to vector<16xi32>
        %lt3A_1238 = arith.cmpi slt, %broadcast_in_dim3A_1235, %lt3A_1237 : vector<16xi32>
        %add3A_1239 = arith.constant 16 : i32
        %add3A_1240 = vector.broadcast %add3A_1239 : i32 to vector<16xi32>
        %add3A_1241 = arith.addi %broadcast_in_dim3A_1235, %add3A_1240 : vector<16xi32>
        %select_n3A_1242 = arith.select %lt3A_1238, %add3A_1241, %broadcast_in_dim3A_1235 : vector<16xi1>, vector<16xi32>
        %broadcast_in_dim3A_1243 = vector.shape_cast %select_n3A_1242 : vector<16xi32> to vector<16x1xi32>
        %gather3A_1244 = vector.shape_cast %broadcast_in_dim3A_1243 : vector<16x1xi32> to vector<16xi32>
        %gather3A_1245 = tpu.dynamic_gather %rem3A_424[%gather3A_1244] in [0] : vector<16xi32>, vector<16xi32> -> vector<16xi32>
        %sub3A_1246 = arith.constant 1 : i32
        %sub3A_1247 = arith.subi %scan3A_403, %sub3A_1246 : i32
        %mul3A_1248 = arith.constant 16 : i32
        %mul3A_1249 = arith.muli %sub3A_1247, %mul3A_1248 : i32
        %add3A_1250 = arith.constant 4 : i32
        %add3A_1251 = arith.addi %mul3A_1249, %add3A_1250 : i32
        %add3A_1252 = arith.constant 8 : i32
        %add3A_1253 = arith.addi %add3A_1251, %add3A_1252 : i32
        %dma_wait3A_1254 = arith.constant 4 : i32
        %dma_wait3A_1255 = arith.constant 4 : i32
        %dma_wait3A_1256 = arith.constant 0 : i32
        %dma_wait3A_1257 = arith.constant 0 : i32
        %dma_wait3A_1258 = tpu.memref_slice %arg7[%dma_wait3A_1254, %dma_wait3A_1256, %dma_wait3A_1257] : memref<8x64x128xf32, #tpu.memory_space<vmem>> -> memref<1x64x128xf32, #tpu.memory_space<vmem>>
        %dma_wait3A_1259 = tpu.memref_squeeze %dma_wait3A_1258 : memref<1x64x128xf32, #tpu.memory_space<vmem>> -> memref<64x128xf32, #tpu.memory_space<vmem>>
        %dma_wait3A_1260 = arith.constant 0 : i32
        %dma_wait3A_1261 = arith.constant 0 : i32
        %dma_wait3A_1262 = tpu.memref_slice %arg3[%dma_wait3A_1260, %dma_wait3A_1261] : memref<64x1000000xf32, #tpu.memory_space<hbm>> -> memref<64x128xf32, #tpu.memory_space<hbm>>
        %dma_wait3A_1263 = tpu.memref_slice %arg10[%dma_wait3A_1255] : memref<8x!tpu.dma_semaphore, #tpu.memory_space<semaphore_mem>> -> memref<1x!tpu.dma_semaphore, #tpu.memory_space<semaphore_mem>>
        %dma_wait3A_1264 = tpu.memref_squeeze %dma_wait3A_1263 : memref<1x!tpu.dma_semaphore, #tpu.memory_space<semaphore_mem>> -> memref<!tpu.dma_semaphore, #tpu.memory_space<semaphore_mem>>
        %dma_wait3A_1265 = arith.constant 0 : i32
        %dma_wait3A_1266 = arith.constant 0 : i32
        %dma_wait3A_1267 = tpu.memref_slice %arg7[%dma_wait3A_1254, %dma_wait3A_1265, %dma_wait3A_1266] : memref<8x64x128xf32, #tpu.memory_space<vmem>> -> memref<1x64x128xf32, #tpu.memory_space<vmem>>
        %dma_wait3A_1268 = tpu.memref_squeeze %dma_wait3A_1267 : memref<1x64x128xf32, #tpu.memory_space<vmem>> -> memref<64x128xf32, #tpu.memory_space<vmem>>
        %dma_wait3A_1269 = arith.constant 0 : i32
        %dma_wait3A_1270 = arith.constant 0 : i32
        %dma_wait3A_1271 = tpu.memref_slice %arg3[%dma_wait3A_1269, %dma_wait3A_1270] : memref<64x1000000xf32, #tpu.memory_space<hbm>> -> memref<64x128xf32, #tpu.memory_space<hbm>>
        tpu.wait_dma2 semaphore(%dma_wait3A_1264 : memref<!tpu.dma_semaphore, #tpu.memory_space<semaphore_mem>>) src(%dma_wait3A_1271 : memref<64x128xf32, #tpu.memory_space<hbm>>) dst(%dma_wait3A_1268 : memref<64x128xf32, #tpu.memory_space<vmem>>)
        %broadcast_in_dim3A_1272 = arith.constant 4 : i32
        %broadcast_in_dim3A_1273 = vector.broadcast %broadcast_in_dim3A_1272 : i32 to vector<16xi32>
        %broadcast_in_dim3A_1274 = vector.broadcast %add3A_1253 : i32 to vector<16xi32>
        %gather3A_1275 = tpu.vector_load_idx %arg7[%broadcast_in_dim3A_1273, %add3A_13, %gather3A_1245] : memref<8x64x128xf32, #tpu.memory_space<vmem>>[vector<16xi32>, vector<16xi32>, vector<16xi32>], vector<16xf32>,
        %gather3A_1276 = tpu.vector_load_idx %arg9[%add3A_13, %broadcast_in_dim3A_1274] : memref<64x256xf32, #tpu.memory_space<vmem>>[vector<16xi32>, vector<16xi32>], vector<16xf32>,
        %add3A_1277 = arith.addf %gather3A_1275, %gather3A_1276 : vector<16xf32>
        tpu.vector_store_idx %arg8[%add3A_13, %broadcast_in_dim3A_1274], %add3A_1277 : memref<64x256xf32, #tpu.memory_space<vmem>>[vector<16xi32>, vector<16xi32>], vector<16xf32>,
        %gather3A_1278 = tpu.vector_load_idx %arg7[%broadcast_in_dim3A_1273, %add3A_17, %gather3A_1245] : memref<8x64x128xf32, #tpu.memory_space<vmem>>[vector<16xi32>, vector<16xi32>, vector<16xi32>], vector<16xf32>,
        %gather3A_1279 = tpu.vector_load_idx %arg9[%add3A_17, %broadcast_in_dim3A_1274] : memref<64x256xf32, #tpu.memory_space<vmem>>[vector<16xi32>, vector<16xi32>], vector<16xf32>,
        %add3A_1280 = arith.addf %gather3A_1278, %gather3A_1279 : vector<16xf32>
        tpu.vector_store_idx %arg8[%add3A_17, %broadcast_in_dim3A_1274], %add3A_1280 : memref<64x256xf32, #tpu.memory_space<vmem>>[vector<16xi32>, vector<16xi32>], vector<16xf32>,
        %gather3A_1281 = tpu.vector_load_idx %arg7[%broadcast_in_dim3A_1273, %add3A_21, %gather3A_1245] : memref<8x64x128xf32, #tpu.memory_space<vmem>>[vector<16xi32>, vector<16xi32>, vector<16xi32>], vector<16xf32>,
        %gather3A_1282 = tpu.vector_load_idx %arg9[%add3A_21, %broadcast_in_dim3A_1274] : memref<64x256xf32, #tpu.memory_space<vmem>>[vector<16xi32>, vector<16xi32>], vector<16xf32>,
        %add3A_1283 = arith.addf %gather3A_1281, %gather3A_1282 : vector<16xf32>
        tpu.vector_store_idx %arg8[%add3A_21, %broadcast_in_dim3A_1274], %add3A_1283 : memref<64x256xf32, #tpu.memory_space<vmem>>[vector<16xi32>, vector<16xi32>], vector<16xf32>,
        %gather3A_1284 = tpu.vector_load_idx %arg7[%broadcast_in_dim3A_1273, %add3A_25, %gather3A_1245] : memref<8x64x128xf32, #tpu.memory_space<vmem>>[vector<16xi32>, vector<16xi32>, vector<16xi32>], vector<16xf32>,
        %gather3A_1285 = tpu.vector_load_idx %arg9[%add3A_25, %broadcast_in_dim3A_1274] : memref<64x256xf32, #tpu.memory_space<vmem>>[vector<16xi32>, vector<16xi32>], vector<16xf32>,
        %add3A_1286 = arith.addf %gather3A_1284, %gather3A_1285 : vector<16xf32>
        tpu.vector_store_idx %arg8[%add3A_25, %broadcast_in_dim3A_1274], %add3A_1286 : memref<64x256xf32, #tpu.memory_space<vmem>>[vector<16xi32>, vector<16xi32>], vector<16xf32>,
      } else {
      }
      %shift_right_logical3A_559 = arith.constant 7 : i32
      %shift_right_logical3A_560 = arith.shrui %squeeze3A_432, %shift_right_logical3A_559 : i32
      %mul3A_561 = arith.constant 128 : i32
      %mul3A_562 = arith.muli %shift_right_logical3A_560, %mul3A_561 : i32
      %multiple_of3A_563 = tpu.assume_multiple %mul3A_562, 128 : i32
      %dma_start3A_564 = arith.constant 4 : i32
      %dma_start3A_565 = arith.constant 4 : i32
      %dma_start3A_566 = arith.constant 0 : i32
      %dma_start3A_567 = arith.constant 0 : i32
      %dma_start3A_568 = tpu.memref_slice %arg7[%dma_start3A_564, %dma_start3A_566, %dma_start3A_567] : memref<8x64x128xf32, #tpu.memory_space<vmem>> -> memref<1x64x128xf32, #tpu.memory_space<vmem>>
      %dma_start3A_569 = tpu.memref_squeeze %dma_start3A_568 : memref<1x64x128xf32, #tpu.memory_space<vmem>> -> memref<64x128xf32, #tpu.memory_space<vmem>>
      %dma_start3A_570 = arith.constant 0 : i32
      %dma_start3A_571 = tpu.memref_slice %arg3[%dma_start3A_570, %multiple_of3A_563] : memref<64x1000000xf32, #tpu.memory_space<hbm>> -> memref<64x128xf32, #tpu.memory_space<hbm>>
      %dma_start3A_572 = tpu.memref_slice %arg10[%dma_start3A_565] : memref<8x!tpu.dma_semaphore, #tpu.memory_space<semaphore_mem>> -> memref<1x!tpu.dma_semaphore, #tpu.memory_space<semaphore_mem>>
      %dma_start3A_573 = tpu.memref_squeeze %dma_start3A_572 : memref<1x!tpu.dma_semaphore, #tpu.memory_space<semaphore_mem>> -> memref<!tpu.dma_semaphore, #tpu.memory_space<semaphore_mem>>
      %dma_start3A_574 = arith.constant 0 : i32
      %dma_start3A_575 = arith.constant 0 : i32
      %dma_start3A_576 = tpu.memref_slice %arg7[%dma_start3A_564, %dma_start3A_574, %dma_start3A_575] : memref<8x64x128xf32, #tpu.memory_space<vmem>> -> memref<1x64x128xf32, #tpu.memory_space<vmem>>
      %dma_start3A_577 = tpu.memref_squeeze %dma_start3A_576 : memref<1x64x128xf32, #tpu.memory_space<vmem>> -> memref<64x128xf32, #tpu.memory_space<vmem>>
      %dma_start3A_578 = arith.constant 0 : i32
      %dma_start3A_579 = tpu.memref_slice %arg3[%dma_start3A_578, %multiple_of3A_563] : memref<64x1000000xf32, #tpu.memory_space<hbm>> -> memref<64x128xf32, #tpu.memory_space<hbm>>
      tpu.enqueue_dma source(%dma_start3A_579 : memref<64x128xf32, #tpu.memory_space<hbm>>) target(%dma_start3A_577 : memref<64x128xf32, #tpu.memory_space<vmem>>) target_semaphore(%dma_start3A_573 : memref<!tpu.dma_semaphore, #tpu.memory_space<semaphore_mem>>)
      %gt3A_580 = arith.constant 0 : i32
      %gt3A_581 = arith.cmpi sgt, %scan3A_403, %gt3A_580 : i32
      %convert_element_type3A_582 = arith.extui %gt3A_581 : i1 to i32
      %cond3A_583 = arith.constant 0 : i32
      %cond3A_584 = arith.cmpi ne, %convert_element_type3A_582, %cond3A_583 : i32
      scf.if %cond3A_584 {
        %broadcast_in_dim3A_1234 = arith.constant 13 : i32
        %broadcast_in_dim3A_1235 = vector.broadcast %broadcast_in_dim3A_1234 : i32 to vector<16xi32>
        %lt3A_1236 = arith.constant 0 : i32
        %lt3A_1237 = vector.broadcast %lt3A_1236 : i32 to vector<16xi32>
        %lt3A_1238 = arith.cmpi slt, %broadcast_in_dim3A_1235, %lt3A_1237 : vector<16xi32>
        %add3A_1239 = arith.constant 16 : i32
        %add3A_1240 = vector.broadcast %add3A_1239 : i32 to vector<16xi32>
        %add3A_1241 = arith.addi %broadcast_in_dim3A_1235, %add3A_1240 : vector<16xi32>
        %select_n3A_1242 = arith.select %lt3A_1238, %add3A_1241, %broadcast_in_dim3A_1235 : vector<16xi1>, vector<16xi32>
        %broadcast_in_dim3A_1243 = vector.shape_cast %select_n3A_1242 : vector<16xi32> to vector<16x1xi32>
        %gather3A_1244 = vector.shape_cast %broadcast_in_dim3A_1243 : vector<16x1xi32> to vector<16xi32>
        %gather3A_1245 = tpu.dynamic_gather %rem3A_424[%gather3A_1244] in [0] : vector<16xi32>, vector<16xi32> -> vector<16xi32>
        %sub3A_1246 = arith.constant 1 : i32
        %sub3A_1247 = arith.subi %scan3A_403, %sub3A_1246 : i32
        %mul3A_1248 = arith.constant 16 : i32
        %mul3A_1249 = arith.muli %sub3A_1247, %mul3A_1248 : i32
        %add3A_1250 = arith.constant 5 : i32
        %add3A_1251 = arith.addi %mul3A_1249, %add3A_1250 : i32
        %add3A_1252 = arith.constant 8 : i32
        %add3A_1253 = arith.addi %add3A_1251, %add3A_1252 : i32
        %dma_wait3A_1254 = arith.constant 5 : i32
        %dma_wait3A_1255 = arith.constant 5 : i32
        %dma_wait3A_1256 = arith.constant 0 : i32
        %dma_wait3A_1257 = arith.constant 0 : i32
        %dma_wait3A_1258 = tpu.memref_slice %arg7[%dma_wait3A_1254, %dma_wait3A_1256, %dma_wait3A_1257] : memref<8x64x128xf32, #tpu.memory_space<vmem>> -> memref<1x64x128xf32, #tpu.memory_space<vmem>>
        %dma_wait3A_1259 = tpu.memref_squeeze %dma_wait3A_1258 : memref<1x64x128xf32, #tpu.memory_space<vmem>> -> memref<64x128xf32, #tpu.memory_space<vmem>>
        %dma_wait3A_1260 = arith.constant 0 : i32
        %dma_wait3A_1261 = arith.constant 0 : i32
        %dma_wait3A_1262 = tpu.memref_slice %arg3[%dma_wait3A_1260, %dma_wait3A_1261] : memref<64x1000000xf32, #tpu.memory_space<hbm>> -> memref<64x128xf32, #tpu.memory_space<hbm>>
        %dma_wait3A_1263 = tpu.memref_slice %arg10[%dma_wait3A_1255] : memref<8x!tpu.dma_semaphore, #tpu.memory_space<semaphore_mem>> -> memref<1x!tpu.dma_semaphore, #tpu.memory_space<semaphore_mem>>
        %dma_wait3A_1264 = tpu.memref_squeeze %dma_wait3A_1263 : memref<1x!tpu.dma_semaphore, #tpu.memory_space<semaphore_mem>> -> memref<!tpu.dma_semaphore, #tpu.memory_space<semaphore_mem>>
        %dma_wait3A_1265 = arith.constant 0 : i32
        %dma_wait3A_1266 = arith.constant 0 : i32
        %dma_wait3A_1267 = tpu.memref_slice %arg7[%dma_wait3A_1254, %dma_wait3A_1265, %dma_wait3A_1266] : memref<8x64x128xf32, #tpu.memory_space<vmem>> -> memref<1x64x128xf32, #tpu.memory_space<vmem>>
        %dma_wait3A_1268 = tpu.memref_squeeze %dma_wait3A_1267 : memref<1x64x128xf32, #tpu.memory_space<vmem>> -> memref<64x128xf32, #tpu.memory_space<vmem>>
        %dma_wait3A_1269 = arith.constant 0 : i32
        %dma_wait3A_1270 = arith.constant 0 : i32
        %dma_wait3A_1271 = tpu.memref_slice %arg3[%dma_wait3A_1269, %dma_wait3A_1270] : memref<64x1000000xf32, #tpu.memory_space<hbm>> -> memref<64x128xf32, #tpu.memory_space<hbm>>
        tpu.wait_dma2 semaphore(%dma_wait3A_1264 : memref<!tpu.dma_semaphore, #tpu.memory_space<semaphore_mem>>) src(%dma_wait3A_1271 : memref<64x128xf32, #tpu.memory_space<hbm>>) dst(%dma_wait3A_1268 : memref<64x128xf32, #tpu.memory_space<vmem>>)
        %broadcast_in_dim3A_1272 = arith.constant 5 : i32
        %broadcast_in_dim3A_1273 = vector.broadcast %broadcast_in_dim3A_1272 : i32 to vector<16xi32>
        %broadcast_in_dim3A_1274 = vector.broadcast %add3A_1253 : i32 to vector<16xi32>
        %gather3A_1275 = tpu.vector_load_idx %arg7[%broadcast_in_dim3A_1273, %add3A_13, %gather3A_1245] : memref<8x64x128xf32, #tpu.memory_space<vmem>>[vector<16xi32>, vector<16xi32>, vector<16xi32>], vector<16xf32>,
        %gather3A_1276 = tpu.vector_load_idx %arg9[%add3A_13, %broadcast_in_dim3A_1274] : memref<64x256xf32, #tpu.memory_space<vmem>>[vector<16xi32>, vector<16xi32>], vector<16xf32>,
        %add3A_1277 = arith.addf %gather3A_1275, %gather3A_1276 : vector<16xf32>
        tpu.vector_store_idx %arg8[%add3A_13, %broadcast_in_dim3A_1274], %add3A_1277 : memref<64x256xf32, #tpu.memory_space<vmem>>[vector<16xi32>, vector<16xi32>], vector<16xf32>,
        %gather3A_1278 = tpu.vector_load_idx %arg7[%broadcast_in_dim3A_1273, %add3A_17, %gather3A_1245] : memref<8x64x128xf32, #tpu.memory_space<vmem>>[vector<16xi32>, vector<16xi32>, vector<16xi32>], vector<16xf32>,
        %gather3A_1279 = tpu.vector_load_idx %arg9[%add3A_17, %broadcast_in_dim3A_1274] : memref<64x256xf32, #tpu.memory_space<vmem>>[vector<16xi32>, vector<16xi32>], vector<16xf32>,
        %add3A_1280 = arith.addf %gather3A_1278, %gather3A_1279 : vector<16xf32>
        tpu.vector_store_idx %arg8[%add3A_17, %broadcast_in_dim3A_1274], %add3A_1280 : memref<64x256xf32, #tpu.memory_space<vmem>>[vector<16xi32>, vector<16xi32>], vector<16xf32>,
        %gather3A_1281 = tpu.vector_load_idx %arg7[%broadcast_in_dim3A_1273, %add3A_21, %gather3A_1245] : memref<8x64x128xf32, #tpu.memory_space<vmem>>[vector<16xi32>, vector<16xi32>, vector<16xi32>], vector<16xf32>,
        %gather3A_1282 = tpu.vector_load_idx %arg9[%add3A_21, %broadcast_in_dim3A_1274] : memref<64x256xf32, #tpu.memory_space<vmem>>[vector<16xi32>, vector<16xi32>], vector<16xf32>,
        %add3A_1283 = arith.addf %gather3A_1281, %gather3A_1282 : vector<16xf32>
        tpu.vector_store_idx %arg8[%add3A_21, %broadcast_in_dim3A_1274], %add3A_1283 : memref<64x256xf32, #tpu.memory_space<vmem>>[vector<16xi32>, vector<16xi32>], vector<16xf32>,
        %gather3A_1284 = tpu.vector_load_idx %arg7[%broadcast_in_dim3A_1273, %add3A_25, %gather3A_1245] : memref<8x64x128xf32, #tpu.memory_space<vmem>>[vector<16xi32>, vector<16xi32>, vector<16xi32>], vector<16xf32>,
        %gather3A_1285 = tpu.vector_load_idx %arg9[%add3A_25, %broadcast_in_dim3A_1274] : memref<64x256xf32, #tpu.memory_space<vmem>>[vector<16xi32>, vector<16xi32>], vector<16xf32>,
        %add3A_1286 = arith.addf %gather3A_1284, %gather3A_1285 : vector<16xf32>
        tpu.vector_store_idx %arg8[%add3A_25, %broadcast_in_dim3A_1274], %add3A_1286 : memref<64x256xf32, #tpu.memory_space<vmem>>[vector<16xi32>, vector<16xi32>], vector<16xf32>,
      } else {
      }
      %shift_right_logical3A_585 = arith.constant 7 : i32
      %shift_right_logical3A_586 = arith.shrui %squeeze3A_434, %shift_right_logical3A_585 : i32
      %mul3A_587 = arith.constant 128 : i32
      %mul3A_588 = arith.muli %shift_right_logical3A_586, %mul3A_587 : i32
      %multiple_of3A_589 = tpu.assume_multiple %mul3A_588, 128 : i32
      %dma_start3A_590 = arith.constant 5 : i32
      %dma_start3A_591 = arith.constant 5 : i32
      %dma_start3A_592 = arith.constant 0 : i32
      %dma_start3A_593 = arith.constant 0 : i32
      %dma_start3A_594 = tpu.memref_slice %arg7[%dma_start3A_590, %dma_start3A_592, %dma_start3A_593] : memref<8x64x128xf32, #tpu.memory_space<vmem>> -> memref<1x64x128xf32, #tpu.memory_space<vmem>>
      %dma_start3A_595 = tpu.memref_squeeze %dma_start3A_594 : memref<1x64x128xf32, #tpu.memory_space<vmem>> -> memref<64x128xf32, #tpu.memory_space<vmem>>
      %dma_start3A_596 = arith.constant 0 : i32
      %dma_start3A_597 = tpu.memref_slice %arg3[%dma_start3A_596, %multiple_of3A_589] : memref<64x1000000xf32, #tpu.memory_space<hbm>> -> memref<64x128xf32, #tpu.memory_space<hbm>>
      %dma_start3A_598 = tpu.memref_slice %arg10[%dma_start3A_591] : memref<8x!tpu.dma_semaphore, #tpu.memory_space<semaphore_mem>> -> memref<1x!tpu.dma_semaphore, #tpu.memory_space<semaphore_mem>>
      %dma_start3A_599 = tpu.memref_squeeze %dma_start3A_598 : memref<1x!tpu.dma_semaphore, #tpu.memory_space<semaphore_mem>> -> memref<!tpu.dma_semaphore, #tpu.memory_space<semaphore_mem>>
      %dma_start3A_600 = arith.constant 0 : i32
      %dma_start3A_601 = arith.constant 0 : i32
      %dma_start3A_602 = tpu.memref_slice %arg7[%dma_start3A_590, %dma_start3A_600, %dma_start3A_601] : memref<8x64x128xf32, #tpu.memory_space<vmem>> -> memref<1x64x128xf32, #tpu.memory_space<vmem>>
      %dma_start3A_603 = tpu.memref_squeeze %dma_start3A_602 : memref<1x64x128xf32, #tpu.memory_space<vmem>> -> memref<64x128xf32, #tpu.memory_space<vmem>>
      %dma_start3A_604 = arith.constant 0 : i32
      %dma_start3A_605 = tpu.memref_slice %arg3[%dma_start3A_604, %multiple_of3A_589] : memref<64x1000000xf32, #tpu.memory_space<hbm>> -> memref<64x128xf32, #tpu.memory_space<hbm>>
      tpu.enqueue_dma source(%dma_start3A_605 : memref<64x128xf32, #tpu.memory_space<hbm>>) target(%dma_start3A_603 : memref<64x128xf32, #tpu.memory_space<vmem>>) target_semaphore(%dma_start3A_599 : memref<!tpu.dma_semaphore, #tpu.memory_space<semaphore_mem>>)
      %gt3A_606 = arith.constant 0 : i32
      %gt3A_607 = arith.cmpi sgt, %scan3A_403, %gt3A_606 : i32
      %convert_element_type3A_608 = arith.extui %gt3A_607 : i1 to i32
      %cond3A_609 = arith.constant 0 : i32
      %cond3A_610 = arith.cmpi ne, %convert_element_type3A_608, %cond3A_609 : i32
      scf.if %cond3A_610 {
        %broadcast_in_dim3A_1234 = arith.constant 14 : i32
        %broadcast_in_dim3A_1235 = vector.broadcast %broadcast_in_dim3A_1234 : i32 to vector<16xi32>
        %lt3A_1236 = arith.constant 0 : i32
        %lt3A_1237 = vector.broadcast %lt3A_1236 : i32 to vector<16xi32>
        %lt3A_1238 = arith.cmpi slt, %broadcast_in_dim3A_1235, %lt3A_1237 : vector<16xi32>
        %add3A_1239 = arith.constant 16 : i32
        %add3A_1240 = vector.broadcast %add3A_1239 : i32 to vector<16xi32>
        %add3A_1241 = arith.addi %broadcast_in_dim3A_1235, %add3A_1240 : vector<16xi32>
        %select_n3A_1242 = arith.select %lt3A_1238, %add3A_1241, %broadcast_in_dim3A_1235 : vector<16xi1>, vector<16xi32>
        %broadcast_in_dim3A_1243 = vector.shape_cast %select_n3A_1242 : vector<16xi32> to vector<16x1xi32>
        %gather3A_1244 = vector.shape_cast %broadcast_in_dim3A_1243 : vector<16x1xi32> to vector<16xi32>
        %gather3A_1245 = tpu.dynamic_gather %rem3A_424[%gather3A_1244] in [0] : vector<16xi32>, vector<16xi32> -> vector<16xi32>
        %sub3A_1246 = arith.constant 1 : i32
        %sub3A_1247 = arith.subi %scan3A_403, %sub3A_1246 : i32
        %mul3A_1248 = arith.constant 16 : i32
        %mul3A_1249 = arith.muli %sub3A_1247, %mul3A_1248 : i32
        %add3A_1250 = arith.constant 6 : i32
        %add3A_1251 = arith.addi %mul3A_1249, %add3A_1250 : i32
        %add3A_1252 = arith.constant 8 : i32
        %add3A_1253 = arith.addi %add3A_1251, %add3A_1252 : i32
        %dma_wait3A_1254 = arith.constant 6 : i32
        %dma_wait3A_1255 = arith.constant 6 : i32
        %dma_wait3A_1256 = arith.constant 0 : i32
        %dma_wait3A_1257 = arith.constant 0 : i32
        %dma_wait3A_1258 = tpu.memref_slice %arg7[%dma_wait3A_1254, %dma_wait3A_1256, %dma_wait3A_1257] : memref<8x64x128xf32, #tpu.memory_space<vmem>> -> memref<1x64x128xf32, #tpu.memory_space<vmem>>
        %dma_wait3A_1259 = tpu.memref_squeeze %dma_wait3A_1258 : memref<1x64x128xf32, #tpu.memory_space<vmem>> -> memref<64x128xf32, #tpu.memory_space<vmem>>
        %dma_wait3A_1260 = arith.constant 0 : i32
        %dma_wait3A_1261 = arith.constant 0 : i32
        %dma_wait3A_1262 = tpu.memref_slice %arg3[%dma_wait3A_1260, %dma_wait3A_1261] : memref<64x1000000xf32, #tpu.memory_space<hbm>> -> memref<64x128xf32, #tpu.memory_space<hbm>>
        %dma_wait3A_1263 = tpu.memref_slice %arg10[%dma_wait3A_1255] : memref<8x!tpu.dma_semaphore, #tpu.memory_space<semaphore_mem>> -> memref<1x!tpu.dma_semaphore, #tpu.memory_space<semaphore_mem>>
        %dma_wait3A_1264 = tpu.memref_squeeze %dma_wait3A_1263 : memref<1x!tpu.dma_semaphore, #tpu.memory_space<semaphore_mem>> -> memref<!tpu.dma_semaphore, #tpu.memory_space<semaphore_mem>>
        %dma_wait3A_1265 = arith.constant 0 : i32
        %dma_wait3A_1266 = arith.constant 0 : i32
        %dma_wait3A_1267 = tpu.memref_slice %arg7[%dma_wait3A_1254, %dma_wait3A_1265, %dma_wait3A_1266] : memref<8x64x128xf32, #tpu.memory_space<vmem>> -> memref<1x64x128xf32, #tpu.memory_space<vmem>>
        %dma_wait3A_1268 = tpu.memref_squeeze %dma_wait3A_1267 : memref<1x64x128xf32, #tpu.memory_space<vmem>> -> memref<64x128xf32, #tpu.memory_space<vmem>>
        %dma_wait3A_1269 = arith.constant 0 : i32
        %dma_wait3A_1270 = arith.constant 0 : i32
        %dma_wait3A_1271 = tpu.memref_slice %arg3[%dma_wait3A_1269, %dma_wait3A_1270] : memref<64x1000000xf32, #tpu.memory_space<hbm>> -> memref<64x128xf32, #tpu.memory_space<hbm>>
        tpu.wait_dma2 semaphore(%dma_wait3A_1264 : memref<!tpu.dma_semaphore, #tpu.memory_space<semaphore_mem>>) src(%dma_wait3A_1271 : memref<64x128xf32, #tpu.memory_space<hbm>>) dst(%dma_wait3A_1268 : memref<64x128xf32, #tpu.memory_space<vmem>>)
        %broadcast_in_dim3A_1272 = arith.constant 6 : i32
        %broadcast_in_dim3A_1273 = vector.broadcast %broadcast_in_dim3A_1272 : i32 to vector<16xi32>
        %broadcast_in_dim3A_1274 = vector.broadcast %add3A_1253 : i32 to vector<16xi32>
        %gather3A_1275 = tpu.vector_load_idx %arg7[%broadcast_in_dim3A_1273, %add3A_13, %gather3A_1245] : memref<8x64x128xf32, #tpu.memory_space<vmem>>[vector<16xi32>, vector<16xi32>, vector<16xi32>], vector<16xf32>,
        %gather3A_1276 = tpu.vector_load_idx %arg9[%add3A_13, %broadcast_in_dim3A_1274] : memref<64x256xf32, #tpu.memory_space<vmem>>[vector<16xi32>, vector<16xi32>], vector<16xf32>,
        %add3A_1277 = arith.addf %gather3A_1275, %gather3A_1276 : vector<16xf32>
        tpu.vector_store_idx %arg8[%add3A_13, %broadcast_in_dim3A_1274], %add3A_1277 : memref<64x256xf32, #tpu.memory_space<vmem>>[vector<16xi32>, vector<16xi32>], vector<16xf32>,
        %gather3A_1278 = tpu.vector_load_idx %arg7[%broadcast_in_dim3A_1273, %add3A_17, %gather3A_1245] : memref<8x64x128xf32, #tpu.memory_space<vmem>>[vector<16xi32>, vector<16xi32>, vector<16xi32>], vector<16xf32>,
        %gather3A_1279 = tpu.vector_load_idx %arg9[%add3A_17, %broadcast_in_dim3A_1274] : memref<64x256xf32, #tpu.memory_space<vmem>>[vector<16xi32>, vector<16xi32>], vector<16xf32>,
        %add3A_1280 = arith.addf %gather3A_1278, %gather3A_1279 : vector<16xf32>
        tpu.vector_store_idx %arg8[%add3A_17, %broadcast_in_dim3A_1274], %add3A_1280 : memref<64x256xf32, #tpu.memory_space<vmem>>[vector<16xi32>, vector<16xi32>], vector<16xf32>,
        %gather3A_1281 = tpu.vector_load_idx %arg7[%broadcast_in_dim3A_1273, %add3A_21, %gather3A_1245] : memref<8x64x128xf32, #tpu.memory_space<vmem>>[vector<16xi32>, vector<16xi32>, vector<16xi32>], vector<16xf32>,
        %gather3A_1282 = tpu.vector_load_idx %arg9[%add3A_21, %broadcast_in_dim3A_1274] : memref<64x256xf32, #tpu.memory_space<vmem>>[vector<16xi32>, vector<16xi32>], vector<16xf32>,
        %add3A_1283 = arith.addf %gather3A_1281, %gather3A_1282 : vector<16xf32>
        tpu.vector_store_idx %arg8[%add3A_21, %broadcast_in_dim3A_1274], %add3A_1283 : memref<64x256xf32, #tpu.memory_space<vmem>>[vector<16xi32>, vector<16xi32>], vector<16xf32>,
        %gather3A_1284 = tpu.vector_load_idx %arg7[%broadcast_in_dim3A_1273, %add3A_25, %gather3A_1245] : memref<8x64x128xf32, #tpu.memory_space<vmem>>[vector<16xi32>, vector<16xi32>, vector<16xi32>], vector<16xf32>,
        %gather3A_1285 = tpu.vector_load_idx %arg9[%add3A_25, %broadcast_in_dim3A_1274] : memref<64x256xf32, #tpu.memory_space<vmem>>[vector<16xi32>, vector<16xi32>], vector<16xf32>,
        %add3A_1286 = arith.addf %gather3A_1284, %gather3A_1285 : vector<16xf32>
        tpu.vector_store_idx %arg8[%add3A_25, %broadcast_in_dim3A_1274], %add3A_1286 : memref<64x256xf32, #tpu.memory_space<vmem>>[vector<16xi32>, vector<16xi32>], vector<16xf32>,
      } else {
      }
      %shift_right_logical3A_611 = arith.constant 7 : i32
      %shift_right_logical3A_612 = arith.shrui %squeeze3A_436, %shift_right_logical3A_611 : i32
      %mul3A_613 = arith.constant 128 : i32
      %mul3A_614 = arith.muli %shift_right_logical3A_612, %mul3A_613 : i32
      %multiple_of3A_615 = tpu.assume_multiple %mul3A_614, 128 : i32
      %dma_start3A_616 = arith.constant 6 : i32
      %dma_start3A_617 = arith.constant 6 : i32
      %dma_start3A_618 = arith.constant 0 : i32
      %dma_start3A_619 = arith.constant 0 : i32
      %dma_start3A_620 = tpu.memref_slice %arg7[%dma_start3A_616, %dma_start3A_618, %dma_start3A_619] : memref<8x64x128xf32, #tpu.memory_space<vmem>> -> memref<1x64x128xf32, #tpu.memory_space<vmem>>
      %dma_start3A_621 = tpu.memref_squeeze %dma_start3A_620 : memref<1x64x128xf32, #tpu.memory_space<vmem>> -> memref<64x128xf32, #tpu.memory_space<vmem>>
      %dma_start3A_622 = arith.constant 0 : i32
      %dma_start3A_623 = tpu.memref_slice %arg3[%dma_start3A_622, %multiple_of3A_615] : memref<64x1000000xf32, #tpu.memory_space<hbm>> -> memref<64x128xf32, #tpu.memory_space<hbm>>
      %dma_start3A_624 = tpu.memref_slice %arg10[%dma_start3A_617] : memref<8x!tpu.dma_semaphore, #tpu.memory_space<semaphore_mem>> -> memref<1x!tpu.dma_semaphore, #tpu.memory_space<semaphore_mem>>
      %dma_start3A_625 = tpu.memref_squeeze %dma_start3A_624 : memref<1x!tpu.dma_semaphore, #tpu.memory_space<semaphore_mem>> -> memref<!tpu.dma_semaphore, #tpu.memory_space<semaphore_mem>>
      %dma_start3A_626 = arith.constant 0 : i32
      %dma_start3A_627 = arith.constant 0 : i32
      %dma_start3A_628 = tpu.memref_slice %arg7[%dma_start3A_616, %dma_start3A_626, %dma_start3A_627] : memref<8x64x128xf32, #tpu.memory_space<vmem>> -> memref<1x64x128xf32, #tpu.memory_space<vmem>>
      %dma_start3A_629 = tpu.memref_squeeze %dma_start3A_628 : memref<1x64x128xf32, #tpu.memory_space<vmem>> -> memref<64x128xf32, #tpu.memory_space<vmem>>
      %dma_start3A_630 = arith.constant 0 : i32
      %dma_start3A_631 = tpu.memref_slice %arg3[%dma_start3A_630, %multiple_of3A_615] : memref<64x1000000xf32, #tpu.memory_space<hbm>> -> memref<64x128xf32, #tpu.memory_space<hbm>>
      tpu.enqueue_dma source(%dma_start3A_631 : memref<64x128xf32, #tpu.memory_space<hbm>>) target(%dma_start3A_629 : memref<64x128xf32, #tpu.memory_space<vmem>>) target_semaphore(%dma_start3A_625 : memref<!tpu.dma_semaphore, #tpu.memory_space<semaphore_mem>>)
      %gt3A_632 = arith.constant 0 : i32
      %gt3A_633 = arith.cmpi sgt, %scan3A_403, %gt3A_632 : i32
      %convert_element_type3A_634 = arith.extui %gt3A_633 : i1 to i32
      %cond3A_635 = arith.constant 0 : i32
      %cond3A_636 = arith.cmpi ne, %convert_element_type3A_634, %cond3A_635 : i32
      scf.if %cond3A_636 {
        %broadcast_in_dim3A_1234 = arith.constant 15 : i32
        %broadcast_in_dim3A_1235 = vector.broadcast %broadcast_in_dim3A_1234 : i32 to vector<16xi32>
        %lt3A_1236 = arith.constant 0 : i32
        %lt3A_1237 = vector.broadcast %lt3A_1236 : i32 to vector<16xi32>
        %lt3A_1238 = arith.cmpi slt, %broadcast_in_dim3A_1235, %lt3A_1237 : vector<16xi32>
        %add3A_1239 = arith.constant 16 : i32
        %add3A_1240 = vector.broadcast %add3A_1239 : i32 to vector<16xi32>
        %add3A_1241 = arith.addi %broadcast_in_dim3A_1235, %add3A_1240 : vector<16xi32>
        %select_n3A_1242 = arith.select %lt3A_1238, %add3A_1241, %broadcast_in_dim3A_1235 : vector<16xi1>, vector<16xi32>
        %broadcast_in_dim3A_1243 = vector.shape_cast %select_n3A_1242 : vector<16xi32> to vector<16x1xi32>
        %gather3A_1244 = vector.shape_cast %broadcast_in_dim3A_1243 : vector<16x1xi32> to vector<16xi32>
        %gather3A_1245 = tpu.dynamic_gather %rem3A_424[%gather3A_1244] in [0] : vector<16xi32>, vector<16xi32> -> vector<16xi32>
        %sub3A_1246 = arith.constant 1 : i32
        %sub3A_1247 = arith.subi %scan3A_403, %sub3A_1246 : i32
        %mul3A_1248 = arith.constant 16 : i32
        %mul3A_1249 = arith.muli %sub3A_1247, %mul3A_1248 : i32
        %add3A_1250 = arith.constant 7 : i32
        %add3A_1251 = arith.addi %mul3A_1249, %add3A_1250 : i32
        %add3A_1252 = arith.constant 8 : i32
        %add3A_1253 = arith.addi %add3A_1251, %add3A_1252 : i32
        %dma_wait3A_1254 = arith.constant 7 : i32
        %dma_wait3A_1255 = arith.constant 7 : i32
        %dma_wait3A_1256 = arith.constant 0 : i32
        %dma_wait3A_1257 = arith.constant 0 : i32
        %dma_wait3A_1258 = tpu.memref_slice %arg7[%dma_wait3A_1254, %dma_wait3A_1256, %dma_wait3A_1257] : memref<8x64x128xf32, #tpu.memory_space<vmem>> -> memref<1x64x128xf32, #tpu.memory_space<vmem>>
        %dma_wait3A_1259 = tpu.memref_squeeze %dma_wait3A_1258 : memref<1x64x128xf32, #tpu.memory_space<vmem>> -> memref<64x128xf32, #tpu.memory_space<vmem>>
        %dma_wait3A_1260 = arith.constant 0 : i32
        %dma_wait3A_1261 = arith.constant 0 : i32
        %dma_wait3A_1262 = tpu.memref_slice %arg3[%dma_wait3A_1260, %dma_wait3A_1261] : memref<64x1000000xf32, #tpu.memory_space<hbm>> -> memref<64x128xf32, #tpu.memory_space<hbm>>
        %dma_wait3A_1263 = tpu.memref_slice %arg10[%dma_wait3A_1255] : memref<8x!tpu.dma_semaphore, #tpu.memory_space<semaphore_mem>> -> memref<1x!tpu.dma_semaphore, #tpu.memory_space<semaphore_mem>>
        %dma_wait3A_1264 = tpu.memref_squeeze %dma_wait3A_1263 : memref<1x!tpu.dma_semaphore, #tpu.memory_space<semaphore_mem>> -> memref<!tpu.dma_semaphore, #tpu.memory_space<semaphore_mem>>
        %dma_wait3A_1265 = arith.constant 0 : i32
        %dma_wait3A_1266 = arith.constant 0 : i32
        %dma_wait3A_1267 = tpu.memref_slice %arg7[%dma_wait3A_1254, %dma_wait3A_1265, %dma_wait3A_1266] : memref<8x64x128xf32, #tpu.memory_space<vmem>> -> memref<1x64x128xf32, #tpu.memory_space<vmem>>
        %dma_wait3A_1268 = tpu.memref_squeeze %dma_wait3A_1267 : memref<1x64x128xf32, #tpu.memory_space<vmem>> -> memref<64x128xf32, #tpu.memory_space<vmem>>
        %dma_wait3A_1269 = arith.constant 0 : i32
        %dma_wait3A_1270 = arith.constant 0 : i32
        %dma_wait3A_1271 = tpu.memref_slice %arg3[%dma_wait3A_1269, %dma_wait3A_1270] : memref<64x1000000xf32, #tpu.memory_space<hbm>> -> memref<64x128xf32, #tpu.memory_space<hbm>>
        tpu.wait_dma2 semaphore(%dma_wait3A_1264 : memref<!tpu.dma_semaphore, #tpu.memory_space<semaphore_mem>>) src(%dma_wait3A_1271 : memref<64x128xf32, #tpu.memory_space<hbm>>) dst(%dma_wait3A_1268 : memref<64x128xf32, #tpu.memory_space<vmem>>)
        %broadcast_in_dim3A_1272 = arith.constant 7 : i32
        %broadcast_in_dim3A_1273 = vector.broadcast %broadcast_in_dim3A_1272 : i32 to vector<16xi32>
        %broadcast_in_dim3A_1274 = vector.broadcast %add3A_1253 : i32 to vector<16xi32>
        %gather3A_1275 = tpu.vector_load_idx %arg7[%broadcast_in_dim3A_1273, %add3A_13, %gather3A_1245] : memref<8x64x128xf32, #tpu.memory_space<vmem>>[vector<16xi32>, vector<16xi32>, vector<16xi32>], vector<16xf32>,
        %gather3A_1276 = tpu.vector_load_idx %arg9[%add3A_13, %broadcast_in_dim3A_1274] : memref<64x256xf32, #tpu.memory_space<vmem>>[vector<16xi32>, vector<16xi32>], vector<16xf32>,
        %add3A_1277 = arith.addf %gather3A_1275, %gather3A_1276 : vector<16xf32>
        tpu.vector_store_idx %arg8[%add3A_13, %broadcast_in_dim3A_1274], %add3A_1277 : memref<64x256xf32, #tpu.memory_space<vmem>>[vector<16xi32>, vector<16xi32>], vector<16xf32>,
        %gather3A_1278 = tpu.vector_load_idx %arg7[%broadcast_in_dim3A_1273, %add3A_17, %gather3A_1245] : memref<8x64x128xf32, #tpu.memory_space<vmem>>[vector<16xi32>, vector<16xi32>, vector<16xi32>], vector<16xf32>,
        %gather3A_1279 = tpu.vector_load_idx %arg9[%add3A_17, %broadcast_in_dim3A_1274] : memref<64x256xf32, #tpu.memory_space<vmem>>[vector<16xi32>, vector<16xi32>], vector<16xf32>,
        %add3A_1280 = arith.addf %gather3A_1278, %gather3A_1279 : vector<16xf32>
        tpu.vector_store_idx %arg8[%add3A_17, %broadcast_in_dim3A_1274], %add3A_1280 : memref<64x256xf32, #tpu.memory_space<vmem>>[vector<16xi32>, vector<16xi32>], vector<16xf32>,
        %gather3A_1281 = tpu.vector_load_idx %arg7[%broadcast_in_dim3A_1273, %add3A_21, %gather3A_1245] : memref<8x64x128xf32, #tpu.memory_space<vmem>>[vector<16xi32>, vector<16xi32>, vector<16xi32>], vector<16xf32>,
        %gather3A_1282 = tpu.vector_load_idx %arg9[%add3A_21, %broadcast_in_dim3A_1274] : memref<64x256xf32, #tpu.memory_space<vmem>>[vector<16xi32>, vector<16xi32>], vector<16xf32>,
        %add3A_1283 = arith.addf %gather3A_1281, %gather3A_1282 : vector<16xf32>
        tpu.vector_store_idx %arg8[%add3A_21, %broadcast_in_dim3A_1274], %add3A_1283 : memref<64x256xf32, #tpu.memory_space<vmem>>[vector<16xi32>, vector<16xi32>], vector<16xf32>,
        %gather3A_1284 = tpu.vector_load_idx %arg7[%broadcast_in_dim3A_1273, %add3A_25, %gather3A_1245] : memref<8x64x128xf32, #tpu.memory_space<vmem>>[vector<16xi32>, vector<16xi32>, vector<16xi32>], vector<16xf32>,
        %gather3A_1285 = tpu.vector_load_idx %arg9[%add3A_25, %broadcast_in_dim3A_1274] : memref<64x256xf32, #tpu.memory_space<vmem>>[vector<16xi32>, vector<16xi32>], vector<16xf32>,
        %add3A_1286 = arith.addf %gather3A_1284, %gather3A_1285 : vector<16xf32>
        tpu.vector_store_idx %arg8[%add3A_25, %broadcast_in_dim3A_1274], %add3A_1286 : memref<64x256xf32, #tpu.memory_space<vmem>>[vector<16xi32>, vector<16xi32>], vector<16xf32>,
      } else {
      }
      %shift_right_logical3A_637 = arith.constant 7 : i32
      %shift_right_logical3A_638 = arith.shrui %squeeze3A_438, %shift_right_logical3A_637 : i32
      %mul3A_639 = arith.constant 128 : i32
      %mul3A_640 = arith.muli %shift_right_logical3A_638, %mul3A_639 : i32
      %multiple_of3A_641 = tpu.assume_multiple %mul3A_640, 128 : i32
      %dma_start3A_642 = arith.constant 7 : i32
      %dma_start3A_643 = arith.constant 7 : i32
      %dma_start3A_644 = arith.constant 0 : i32
      %dma_start3A_645 = arith.constant 0 : i32
      %dma_start3A_646 = tpu.memref_slice %arg7[%dma_start3A_642, %dma_start3A_644, %dma_start3A_645] : memref<8x64x128xf32, #tpu.memory_space<vmem>> -> memref<1x64x128xf32, #tpu.memory_space<vmem>>
      %dma_start3A_647 = tpu.memref_squeeze %dma_start3A_646 : memref<1x64x128xf32, #tpu.memory_space<vmem>> -> memref<64x128xf32, #tpu.memory_space<vmem>>
      %dma_start3A_648 = arith.constant 0 : i32
      %dma_start3A_649 = tpu.memref_slice %arg3[%dma_start3A_648, %multiple_of3A_641] : memref<64x1000000xf32, #tpu.memory_space<hbm>> -> memref<64x128xf32, #tpu.memory_space<hbm>>
      %dma_start3A_650 = tpu.memref_slice %arg10[%dma_start3A_643] : memref<8x!tpu.dma_semaphore, #tpu.memory_space<semaphore_mem>> -> memref<1x!tpu.dma_semaphore, #tpu.memory_space<semaphore_mem>>
      %dma_start3A_651 = tpu.memref_squeeze %dma_start3A_650 : memref<1x!tpu.dma_semaphore, #tpu.memory_space<semaphore_mem>> -> memref<!tpu.dma_semaphore, #tpu.memory_space<semaphore_mem>>
      %dma_start3A_652 = arith.constant 0 : i32
      %dma_start3A_653 = arith.constant 0 : i32
      %dma_start3A_654 = tpu.memref_slice %arg7[%dma_start3A_642, %dma_start3A_652, %dma_start3A_653] : memref<8x64x128xf32, #tpu.memory_space<vmem>> -> memref<1x64x128xf32, #tpu.memory_space<vmem>>
      %dma_start3A_655 = tpu.memref_squeeze %dma_start3A_654 : memref<1x64x128xf32, #tpu.memory_space<vmem>> -> memref<64x128xf32, #tpu.memory_space<vmem>>
      %dma_start3A_656 = arith.constant 0 : i32
      %dma_start3A_657 = tpu.memref_slice %arg3[%dma_start3A_656, %multiple_of3A_641] : memref<64x1000000xf32, #tpu.memory_space<hbm>> -> memref<64x128xf32, #tpu.memory_space<hbm>>
      tpu.enqueue_dma source(%dma_start3A_657 : memref<64x128xf32, #tpu.memory_space<hbm>>) target(%dma_start3A_655 : memref<64x128xf32, #tpu.memory_space<vmem>>) target_semaphore(%dma_start3A_651 : memref<!tpu.dma_semaphore, #tpu.memory_space<semaphore_mem>>)
      %broadcast_in_dim3A_658 = arith.constant 0 : i32
      %broadcast_in_dim3A_659 = vector.broadcast %broadcast_in_dim3A_658 : i32 to vector<16xi32>
      %lt3A_660 = arith.constant 0 : i32
      %lt3A_661 = vector.broadcast %lt3A_660 : i32 to vector<16xi32>
      %lt3A_662 = arith.cmpi slt, %broadcast_in_dim3A_659, %lt3A_661 : vector<16xi32>
      %add3A_663 = arith.constant 16 : i32
      %add3A_664 = vector.broadcast %add3A_663 : i32 to vector<16xi32>
      %add3A_665 = arith.addi %broadcast_in_dim3A_659, %add3A_664 : vector<16xi32>
      %select_n3A_666 = arith.select %lt3A_662, %add3A_665, %broadcast_in_dim3A_659 : vector<16xi1>, vector<16xi32>
      %broadcast_in_dim3A_667 = vector.shape_cast %select_n3A_666 : vector<16xi32> to vector<16x1xi32>
      %gather3A_668 = vector.shape_cast %broadcast_in_dim3A_667 : vector<16x1xi32> to vector<16xi32>
      %gather3A_669 = tpu.dynamic_gather %rem3A_421[%gather3A_668] in [0] : vector<16xi32>, vector<16xi32> -> vector<16xi32>
      %mul3A_670 = arith.constant 16 : i32
      %mul3A_671 = arith.muli %scan3A_403, %mul3A_670 : i32
      %add3A_672 = arith.constant 8 : i32
      %add3A_673 = arith.addi %mul3A_671, %add3A_672 : i32
      %sub3A_674 = arith.constant 8 : i32
      %sub3A_675 = arith.subi %add3A_673, %sub3A_674 : i32
      %dma_wait3A_676 = arith.constant 0 : i32
      %dma_wait3A_677 = arith.constant 0 : i32
      %dma_wait3A_678 = arith.constant 0 : i32
      %dma_wait3A_679 = arith.constant 0 : i32
      %dma_wait3A_680 = tpu.memref_slice %arg7[%dma_wait3A_676, %dma_wait3A_678, %dma_wait3A_679] : memref<8x64x128xf32, #tpu.memory_space<vmem>> -> memref<1x64x128xf32, #tpu.memory_space<vmem>>
      %dma_wait3A_681 = tpu.memref_squeeze %dma_wait3A_680 : memref<1x64x128xf32, #tpu.memory_space<vmem>> -> memref<64x128xf32, #tpu.memory_space<vmem>>
      %dma_wait3A_682 = arith.constant 0 : i32
      %dma_wait3A_683 = arith.constant 0 : i32
      %dma_wait3A_684 = tpu.memref_slice %arg3[%dma_wait3A_682, %dma_wait3A_683] : memref<64x1000000xf32, #tpu.memory_space<hbm>> -> memref<64x128xf32, #tpu.memory_space<hbm>>
      %dma_wait3A_685 = tpu.memref_slice %arg10[%dma_wait3A_677] : memref<8x!tpu.dma_semaphore, #tpu.memory_space<semaphore_mem>> -> memref<1x!tpu.dma_semaphore, #tpu.memory_space<semaphore_mem>>
      %dma_wait3A_686 = tpu.memref_squeeze %dma_wait3A_685 : memref<1x!tpu.dma_semaphore, #tpu.memory_space<semaphore_mem>> -> memref<!tpu.dma_semaphore, #tpu.memory_space<semaphore_mem>>
      %dma_wait3A_687 = arith.constant 0 : i32
      %dma_wait3A_688 = arith.constant 0 : i32
      %dma_wait3A_689 = tpu.memref_slice %arg7[%dma_wait3A_676, %dma_wait3A_687, %dma_wait3A_688] : memref<8x64x128xf32, #tpu.memory_space<vmem>> -> memref<1x64x128xf32, #tpu.memory_space<vmem>>
      %dma_wait3A_690 = tpu.memref_squeeze %dma_wait3A_689 : memref<1x64x128xf32, #tpu.memory_space<vmem>> -> memref<64x128xf32, #tpu.memory_space<vmem>>
      %dma_wait3A_691 = arith.constant 0 : i32
      %dma_wait3A_692 = arith.constant 0 : i32
      %dma_wait3A_693 = tpu.memref_slice %arg3[%dma_wait3A_691, %dma_wait3A_692] : memref<64x1000000xf32, #tpu.memory_space<hbm>> -> memref<64x128xf32, #tpu.memory_space<hbm>>
      tpu.wait_dma2 semaphore(%dma_wait3A_686 : memref<!tpu.dma_semaphore, #tpu.memory_space<semaphore_mem>>) src(%dma_wait3A_693 : memref<64x128xf32, #tpu.memory_space<hbm>>) dst(%dma_wait3A_690 : memref<64x128xf32, #tpu.memory_space<vmem>>)
      %broadcast_in_dim3A_694 = arith.constant 0 : i32
      %broadcast_in_dim3A_695 = vector.broadcast %broadcast_in_dim3A_694 : i32 to vector<16xi32>
      %broadcast_in_dim3A_696 = vector.broadcast %sub3A_675 : i32 to vector<16xi32>
      %gather3A_697 = tpu.vector_load_idx %arg7[%broadcast_in_dim3A_695, %add3A_13, %gather3A_669] : memref<8x64x128xf32, #tpu.memory_space<vmem>>[vector<16xi32>, vector<16xi32>, vector<16xi32>], vector<16xf32>,
      %gather3A_698 = tpu.vector_load_idx %arg9[%add3A_13, %broadcast_in_dim3A_696] : memref<64x256xf32, #tpu.memory_space<vmem>>[vector<16xi32>, vector<16xi32>], vector<16xf32>,
      %add3A_699 = arith.addf %gather3A_697, %gather3A_698 : vector<16xf32>
      tpu.vector_store_idx %arg8[%add3A_13, %broadcast_in_dim3A_696], %add3A_699 : memref<64x256xf32, #tpu.memory_space<vmem>>[vector<16xi32>, vector<16xi32>], vector<16xf32>,
      %gather3A_700 = tpu.vector_load_idx %arg7[%broadcast_in_dim3A_695, %add3A_17, %gather3A_669] : memref<8x64x128xf32, #tpu.memory_space<vmem>>[vector<16xi32>, vector<16xi32>, vector<16xi32>], vector<16xf32>,
      %gather3A_701 = tpu.vector_load_idx %arg9[%add3A_17, %broadcast_in_dim3A_696] : memref<64x256xf32, #tpu.memory_space<vmem>>[vector<16xi32>, vector<16xi32>], vector<16xf32>,
      %add3A_702 = arith.addf %gather3A_700, %gather3A_701 : vector<16xf32>
      tpu.vector_store_idx %arg8[%add3A_17, %broadcast_in_dim3A_696], %add3A_702 : memref<64x256xf32, #tpu.memory_space<vmem>>[vector<16xi32>, vector<16xi32>], vector<16xf32>,
      %gather3A_703 = tpu.vector_load_idx %arg7[%broadcast_in_dim3A_695, %add3A_21, %gather3A_669] : memref<8x64x128xf32, #tpu.memory_space<vmem>>[vector<16xi32>, vector<16xi32>, vector<16xi32>], vector<16xf32>,
      %gather3A_704 = tpu.vector_load_idx %arg9[%add3A_21, %broadcast_in_dim3A_696] : memref<64x256xf32, #tpu.memory_space<vmem>>[vector<16xi32>, vector<16xi32>], vector<16xf32>,
      %add3A_705 = arith.addf %gather3A_703, %gather3A_704 : vector<16xf32>
      tpu.vector_store_idx %arg8[%add3A_21, %broadcast_in_dim3A_696], %add3A_705 : memref<64x256xf32, #tpu.memory_space<vmem>>[vector<16xi32>, vector<16xi32>], vector<16xf32>,
      %gather3A_706 = tpu.vector_load_idx %arg7[%broadcast_in_dim3A_695, %add3A_25, %gather3A_669] : memref<8x64x128xf32, #tpu.memory_space<vmem>>[vector<16xi32>, vector<16xi32>, vector<16xi32>], vector<16xf32>,
      %gather3A_707 = tpu.vector_load_idx %arg9[%add3A_25, %broadcast_in_dim3A_696] : memref<64x256xf32, #tpu.memory_space<vmem>>[vector<16xi32>, vector<16xi32>], vector<16xf32>,
      %add3A_708 = arith.addf %gather3A_706, %gather3A_707 : vector<16xf32>
      tpu.vector_store_idx %arg8[%add3A_25, %broadcast_in_dim3A_696], %add3A_708 : memref<64x256xf32, #tpu.memory_space<vmem>>[vector<16xi32>, vector<16xi32>], vector<16xf32>,
      %shift_right_logical3A_709 = arith.constant 7 : i32
      %shift_right_logical3A_710 = arith.shrui %squeeze3A_440, %shift_right_logical3A_709 : i32
      %mul3A_711 = arith.constant 128 : i32
      %mul3A_712 = arith.muli %shift_right_logical3A_710, %mul3A_711 : i32
      %multiple_of3A_713 = tpu.assume_multiple %mul3A_712, 128 : i32
      %dma_start3A_714 = arith.constant 0 : i32
      %dma_start3A_715 = arith.constant 0 : i32
      %dma_start3A_716 = arith.constant 0 : i32
      %dma_start3A_717 = arith.constant 0 : i32
      %dma_start3A_718 = tpu.memref_slice %arg7[%dma_start3A_714, %dma_start3A_716, %dma_start3A_717] : memref<8x64x128xf32, #tpu.memory_space<vmem>> -> memref<1x64x128xf32, #tpu.memory_space<vmem>>
      %dma_start3A_719 = tpu.memref_squeeze %dma_start3A_718 : memref<1x64x128xf32, #tpu.memory_space<vmem>> -> memref<64x128xf32, #tpu.memory_space<vmem>>
      %dma_start3A_720 = arith.constant 0 : i32
      %dma_start3A_721 = tpu.memref_slice %arg3[%dma_start3A_720, %multiple_of3A_713] : memref<64x1000000xf32, #tpu.memory_space<hbm>> -> memref<64x128xf32, #tpu.memory_space<hbm>>
      %dma_start3A_722 = tpu.memref_slice %arg10[%dma_start3A_715] : memref<8x!tpu.dma_semaphore, #tpu.memory_space<semaphore_mem>> -> memref<1x!tpu.dma_semaphore, #tpu.memory_space<semaphore_mem>>
      %dma_start3A_723 = tpu.memref_squeeze %dma_start3A_722 : memref<1x!tpu.dma_semaphore, #tpu.memory_space<semaphore_mem>> -> memref<!tpu.dma_semaphore, #tpu.memory_space<semaphore_mem>>
      %dma_start3A_724 = arith.constant 0 : i32
      %dma_start3A_725 = arith.constant 0 : i32
      %dma_start3A_726 = tpu.memref_slice %arg7[%dma_start3A_714, %dma_start3A_724, %dma_start3A_725] : memref<8x64x128xf32, #tpu.memory_space<vmem>> -> memref<1x64x128xf32, #tpu.memory_space<vmem>>
      %dma_start3A_727 = tpu.memref_squeeze %dma_start3A_726 : memref<1x64x128xf32, #tpu.memory_space<vmem>> -> memref<64x128xf32, #tpu.memory_space<vmem>>
      %dma_start3A_728 = arith.constant 0 : i32
      %dma_start3A_729 = tpu.memref_slice %arg3[%dma_start3A_728, %multiple_of3A_713] : memref<64x1000000xf32, #tpu.memory_space<hbm>> -> memref<64x128xf32, #tpu.memory_space<hbm>>
      tpu.enqueue_dma source(%dma_start3A_729 : memref<64x128xf32, #tpu.memory_space<hbm>>) target(%dma_start3A_727 : memref<64x128xf32, #tpu.memory_space<vmem>>) target_semaphore(%dma_start3A_723 : memref<!tpu.dma_semaphore, #tpu.memory_space<semaphore_mem>>)
      %broadcast_in_dim3A_730 = arith.constant 1 : i32
      %broadcast_in_dim3A_731 = vector.broadcast %broadcast_in_dim3A_730 : i32 to vector<16xi32>
      %lt3A_732 = arith.constant 0 : i32
      %lt3A_733 = vector.broadcast %lt3A_732 : i32 to vector<16xi32>
      %lt3A_734 = arith.cmpi slt, %broadcast_in_dim3A_731, %lt3A_733 : vector<16xi32>
      %add3A_735 = arith.constant 16 : i32
      %add3A_736 = vector.broadcast %add3A_735 : i32 to vector<16xi32>
      %add3A_737 = arith.addi %broadcast_in_dim3A_731, %add3A_736 : vector<16xi32>
      %select_n3A_738 = arith.select %lt3A_734, %add3A_737, %broadcast_in_dim3A_731 : vector<16xi1>, vector<16xi32>
      %broadcast_in_dim3A_739 = vector.shape_cast %select_n3A_738 : vector<16xi32> to vector<16x1xi32>
      %gather3A_740 = vector.shape_cast %broadcast_in_dim3A_739 : vector<16x1xi32> to vector<16xi32>
      %gather3A_741 = tpu.dynamic_gather %rem3A_421[%gather3A_740] in [0] : vector<16xi32>, vector<16xi32> -> vector<16xi32>
      %mul3A_742 = arith.constant 16 : i32
      %mul3A_743 = arith.muli %scan3A_403, %mul3A_742 : i32
      %add3A_744 = arith.constant 9 : i32
      %add3A_745 = arith.addi %mul3A_743, %add3A_744 : i32
      %sub3A_746 = arith.constant 8 : i32
      %sub3A_747 = arith.subi %add3A_745, %sub3A_746 : i32
      %dma_wait3A_748 = arith.constant 1 : i32
      %dma_wait3A_749 = arith.constant 1 : i32
      %dma_wait3A_750 = arith.constant 0 : i32
      %dma_wait3A_751 = arith.constant 0 : i32
      %dma_wait3A_752 = tpu.memref_slice %arg7[%dma_wait3A_748, %dma_wait3A_750, %dma_wait3A_751] : memref<8x64x128xf32, #tpu.memory_space<vmem>> -> memref<1x64x128xf32, #tpu.memory_space<vmem>>
      %dma_wait3A_753 = tpu.memref_squeeze %dma_wait3A_752 : memref<1x64x128xf32, #tpu.memory_space<vmem>> -> memref<64x128xf32, #tpu.memory_space<vmem>>
      %dma_wait3A_754 = arith.constant 0 : i32
      %dma_wait3A_755 = arith.constant 0 : i32
      %dma_wait3A_756 = tpu.memref_slice %arg3[%dma_wait3A_754, %dma_wait3A_755] : memref<64x1000000xf32, #tpu.memory_space<hbm>> -> memref<64x128xf32, #tpu.memory_space<hbm>>
      %dma_wait3A_757 = tpu.memref_slice %arg10[%dma_wait3A_749] : memref<8x!tpu.dma_semaphore, #tpu.memory_space<semaphore_mem>> -> memref<1x!tpu.dma_semaphore, #tpu.memory_space<semaphore_mem>>
      %dma_wait3A_758 = tpu.memref_squeeze %dma_wait3A_757 : memref<1x!tpu.dma_semaphore, #tpu.memory_space<semaphore_mem>> -> memref<!tpu.dma_semaphore, #tpu.memory_space<semaphore_mem>>
      %dma_wait3A_759 = arith.constant 0 : i32
      %dma_wait3A_760 = arith.constant 0 : i32
      %dma_wait3A_761 = tpu.memref_slice %arg7[%dma_wait3A_748, %dma_wait3A_759, %dma_wait3A_760] : memref<8x64x128xf32, #tpu.memory_space<vmem>> -> memref<1x64x128xf32, #tpu.memory_space<vmem>>
      %dma_wait3A_762 = tpu.memref_squeeze %dma_wait3A_761 : memref<1x64x128xf32, #tpu.memory_space<vmem>> -> memref<64x128xf32, #tpu.memory_space<vmem>>
      %dma_wait3A_763 = arith.constant 0 : i32
      %dma_wait3A_764 = arith.constant 0 : i32
      %dma_wait3A_765 = tpu.memref_slice %arg3[%dma_wait3A_763, %dma_wait3A_764] : memref<64x1000000xf32, #tpu.memory_space<hbm>> -> memref<64x128xf32, #tpu.memory_space<hbm>>
      tpu.wait_dma2 semaphore(%dma_wait3A_758 : memref<!tpu.dma_semaphore, #tpu.memory_space<semaphore_mem>>) src(%dma_wait3A_765 : memref<64x128xf32, #tpu.memory_space<hbm>>) dst(%dma_wait3A_762 : memref<64x128xf32, #tpu.memory_space<vmem>>)
      %broadcast_in_dim3A_766 = arith.constant 1 : i32
      %broadcast_in_dim3A_767 = vector.broadcast %broadcast_in_dim3A_766 : i32 to vector<16xi32>
      %broadcast_in_dim3A_768 = vector.broadcast %sub3A_747 : i32 to vector<16xi32>
      %gather3A_769 = tpu.vector_load_idx %arg7[%broadcast_in_dim3A_767, %add3A_13, %gather3A_741] : memref<8x64x128xf32, #tpu.memory_space<vmem>>[vector<16xi32>, vector<16xi32>, vector<16xi32>], vector<16xf32>,
      %gather3A_770 = tpu.vector_load_idx %arg9[%add3A_13, %broadcast_in_dim3A_768] : memref<64x256xf32, #tpu.memory_space<vmem>>[vector<16xi32>, vector<16xi32>], vector<16xf32>,
      %add3A_771 = arith.addf %gather3A_769, %gather3A_770 : vector<16xf32>
      tpu.vector_store_idx %arg8[%add3A_13, %broadcast_in_dim3A_768], %add3A_771 : memref<64x256xf32, #tpu.memory_space<vmem>>[vector<16xi32>, vector<16xi32>], vector<16xf32>,
      %gather3A_772 = tpu.vector_load_idx %arg7[%broadcast_in_dim3A_767, %add3A_17, %gather3A_741] : memref<8x64x128xf32, #tpu.memory_space<vmem>>[vector<16xi32>, vector<16xi32>, vector<16xi32>], vector<16xf32>,
      %gather3A_773 = tpu.vector_load_idx %arg9[%add3A_17, %broadcast_in_dim3A_768] : memref<64x256xf32, #tpu.memory_space<vmem>>[vector<16xi32>, vector<16xi32>], vector<16xf32>,
      %add3A_774 = arith.addf %gather3A_772, %gather3A_773 : vector<16xf32>
      tpu.vector_store_idx %arg8[%add3A_17, %broadcast_in_dim3A_768], %add3A_774 : memref<64x256xf32, #tpu.memory_space<vmem>>[vector<16xi32>, vector<16xi32>], vector<16xf32>,
      %gather3A_775 = tpu.vector_load_idx %arg7[%broadcast_in_dim3A_767, %add3A_21, %gather3A_741] : memref<8x64x128xf32, #tpu.memory_space<vmem>>[vector<16xi32>, vector<16xi32>, vector<16xi32>], vector<16xf32>,
      %gather3A_776 = tpu.vector_load_idx %arg9[%add3A_21, %broadcast_in_dim3A_768] : memref<64x256xf32, #tpu.memory_space<vmem>>[vector<16xi32>, vector<16xi32>], vector<16xf32>,
      %add3A_777 = arith.addf %gather3A_775, %gather3A_776 : vector<16xf32>
      tpu.vector_store_idx %arg8[%add3A_21, %broadcast_in_dim3A_768], %add3A_777 : memref<64x256xf32, #tpu.memory_space<vmem>>[vector<16xi32>, vector<16xi32>], vector<16xf32>,
      %gather3A_778 = tpu.vector_load_idx %arg7[%broadcast_in_dim3A_767, %add3A_25, %gather3A_741] : memref<8x64x128xf32, #tpu.memory_space<vmem>>[vector<16xi32>, vector<16xi32>, vector<16xi32>], vector<16xf32>,
      %gather3A_779 = tpu.vector_load_idx %arg9[%add3A_25, %broadcast_in_dim3A_768] : memref<64x256xf32, #tpu.memory_space<vmem>>[vector<16xi32>, vector<16xi32>], vector<16xf32>,
      %add3A_780 = arith.addf %gather3A_778, %gather3A_779 : vector<16xf32>
      tpu.vector_store_idx %arg8[%add3A_25, %broadcast_in_dim3A_768], %add3A_780 : memref<64x256xf32, #tpu.memory_space<vmem>>[vector<16xi32>, vector<16xi32>], vector<16xf32>,
      %shift_right_logical3A_781 = arith.constant 7 : i32
      %shift_right_logical3A_782 = arith.shrui %squeeze3A_442, %shift_right_logical3A_781 : i32
      %mul3A_783 = arith.constant 128 : i32
      %mul3A_784 = arith.muli %shift_right_logical3A_782, %mul3A_783 : i32
      %multiple_of3A_785 = tpu.assume_multiple %mul3A_784, 128 : i32
      %dma_start3A_786 = arith.constant 1 : i32
      %dma_start3A_787 = arith.constant 1 : i32
      %dma_start3A_788 = arith.constant 0 : i32
      %dma_start3A_789 = arith.constant 0 : i32
      %dma_start3A_790 = tpu.memref_slice %arg7[%dma_start3A_786, %dma_start3A_788, %dma_start3A_789] : memref<8x64x128xf32, #tpu.memory_space<vmem>> -> memref<1x64x128xf32, #tpu.memory_space<vmem>>
      %dma_start3A_791 = tpu.memref_squeeze %dma_start3A_790 : memref<1x64x128xf32, #tpu.memory_space<vmem>> -> memref<64x128xf32, #tpu.memory_space<vmem>>
      %dma_start3A_792 = arith.constant 0 : i32
      %dma_start3A_793 = tpu.memref_slice %arg3[%dma_start3A_792, %multiple_of3A_785] : memref<64x1000000xf32, #tpu.memory_space<hbm>> -> memref<64x128xf32, #tpu.memory_space<hbm>>
      %dma_start3A_794 = tpu.memref_slice %arg10[%dma_start3A_787] : memref<8x!tpu.dma_semaphore, #tpu.memory_space<semaphore_mem>> -> memref<1x!tpu.dma_semaphore, #tpu.memory_space<semaphore_mem>>
      %dma_start3A_795 = tpu.memref_squeeze %dma_start3A_794 : memref<1x!tpu.dma_semaphore, #tpu.memory_space<semaphore_mem>> -> memref<!tpu.dma_semaphore, #tpu.memory_space<semaphore_mem>>
      %dma_start3A_796 = arith.constant 0 : i32
      %dma_start3A_797 = arith.constant 0 : i32
      %dma_start3A_798 = tpu.memref_slice %arg7[%dma_start3A_786, %dma_start3A_796, %dma_start3A_797] : memref<8x64x128xf32, #tpu.memory_space<vmem>> -> memref<1x64x128xf32, #tpu.memory_space<vmem>>
      %dma_start3A_799 = tpu.memref_squeeze %dma_start3A_798 : memref<1x64x128xf32, #tpu.memory_space<vmem>> -> memref<64x128xf32, #tpu.memory_space<vmem>>
      %dma_start3A_800 = arith.constant 0 : i32
      %dma_start3A_801 = tpu.memref_slice %arg3[%dma_start3A_800, %multiple_of3A_785] : memref<64x1000000xf32, #tpu.memory_space<hbm>> -> memref<64x128xf32, #tpu.memory_space<hbm>>
      tpu.enqueue_dma source(%dma_start3A_801 : memref<64x128xf32, #tpu.memory_space<hbm>>) target(%dma_start3A_799 : memref<64x128xf32, #tpu.memory_space<vmem>>) target_semaphore(%dma_start3A_795 : memref<!tpu.dma_semaphore, #tpu.memory_space<semaphore_mem>>)
      %broadcast_in_dim3A_802 = arith.constant 2 : i32
      %broadcast_in_dim3A_803 = vector.broadcast %broadcast_in_dim3A_802 : i32 to vector<16xi32>
      %lt3A_804 = arith.constant 0 : i32
      %lt3A_805 = vector.broadcast %lt3A_804 : i32 to vector<16xi32>
      %lt3A_806 = arith.cmpi slt, %broadcast_in_dim3A_803, %lt3A_805 : vector<16xi32>
      %add3A_807 = arith.constant 16 : i32
      %add3A_808 = vector.broadcast %add3A_807 : i32 to vector<16xi32>
      %add3A_809 = arith.addi %broadcast_in_dim3A_803, %add3A_808 : vector<16xi32>
      %select_n3A_810 = arith.select %lt3A_806, %add3A_809, %broadcast_in_dim3A_803 : vector<16xi1>, vector<16xi32>
      %broadcast_in_dim3A_811 = vector.shape_cast %select_n3A_810 : vector<16xi32> to vector<16x1xi32>
      %gather3A_812 = vector.shape_cast %broadcast_in_dim3A_811 : vector<16x1xi32> to vector<16xi32>
      %gather3A_813 = tpu.dynamic_gather %rem3A_421[%gather3A_812] in [0] : vector<16xi32>, vector<16xi32> -> vector<16xi32>
      %mul3A_814 = arith.constant 16 : i32
      %mul3A_815 = arith.muli %scan3A_403, %mul3A_814 : i32
      %add3A_816 = arith.constant 10 : i32
      %add3A_817 = arith.addi %mul3A_815, %add3A_816 : i32
      %sub3A_818 = arith.constant 8 : i32
      %sub3A_819 = arith.subi %add3A_817, %sub3A_818 : i32
      %dma_wait3A_820 = arith.constant 2 : i32
      %dma_wait3A_821 = arith.constant 2 : i32
      %dma_wait3A_822 = arith.constant 0 : i32
      %dma_wait3A_823 = arith.constant 0 : i32
      %dma_wait3A_824 = tpu.memref_slice %arg7[%dma_wait3A_820, %dma_wait3A_822, %dma_wait3A_823] : memref<8x64x128xf32, #tpu.memory_space<vmem>> -> memref<1x64x128xf32, #tpu.memory_space<vmem>>
      %dma_wait3A_825 = tpu.memref_squeeze %dma_wait3A_824 : memref<1x64x128xf32, #tpu.memory_space<vmem>> -> memref<64x128xf32, #tpu.memory_space<vmem>>
      %dma_wait3A_826 = arith.constant 0 : i32
      %dma_wait3A_827 = arith.constant 0 : i32
      %dma_wait3A_828 = tpu.memref_slice %arg3[%dma_wait3A_826, %dma_wait3A_827] : memref<64x1000000xf32, #tpu.memory_space<hbm>> -> memref<64x128xf32, #tpu.memory_space<hbm>>
      %dma_wait3A_829 = tpu.memref_slice %arg10[%dma_wait3A_821] : memref<8x!tpu.dma_semaphore, #tpu.memory_space<semaphore_mem>> -> memref<1x!tpu.dma_semaphore, #tpu.memory_space<semaphore_mem>>
      %dma_wait3A_830 = tpu.memref_squeeze %dma_wait3A_829 : memref<1x!tpu.dma_semaphore, #tpu.memory_space<semaphore_mem>> -> memref<!tpu.dma_semaphore, #tpu.memory_space<semaphore_mem>>
      %dma_wait3A_831 = arith.constant 0 : i32
      %dma_wait3A_832 = arith.constant 0 : i32
      %dma_wait3A_833 = tpu.memref_slice %arg7[%dma_wait3A_820, %dma_wait3A_831, %dma_wait3A_832] : memref<8x64x128xf32, #tpu.memory_space<vmem>> -> memref<1x64x128xf32, #tpu.memory_space<vmem>>
      %dma_wait3A_834 = tpu.memref_squeeze %dma_wait3A_833 : memref<1x64x128xf32, #tpu.memory_space<vmem>> -> memref<64x128xf32, #tpu.memory_space<vmem>>
      %dma_wait3A_835 = arith.constant 0 : i32
      %dma_wait3A_836 = arith.constant 0 : i32
      %dma_wait3A_837 = tpu.memref_slice %arg3[%dma_wait3A_835, %dma_wait3A_836] : memref<64x1000000xf32, #tpu.memory_space<hbm>> -> memref<64x128xf32, #tpu.memory_space<hbm>>
      tpu.wait_dma2 semaphore(%dma_wait3A_830 : memref<!tpu.dma_semaphore, #tpu.memory_space<semaphore_mem>>) src(%dma_wait3A_837 : memref<64x128xf32, #tpu.memory_space<hbm>>) dst(%dma_wait3A_834 : memref<64x128xf32, #tpu.memory_space<vmem>>)
      %broadcast_in_dim3A_838 = arith.constant 2 : i32
      %broadcast_in_dim3A_839 = vector.broadcast %broadcast_in_dim3A_838 : i32 to vector<16xi32>
      %broadcast_in_dim3A_840 = vector.broadcast %sub3A_819 : i32 to vector<16xi32>
      %gather3A_841 = tpu.vector_load_idx %arg7[%broadcast_in_dim3A_839, %add3A_13, %gather3A_813] : memref<8x64x128xf32, #tpu.memory_space<vmem>>[vector<16xi32>, vector<16xi32>, vector<16xi32>], vector<16xf32>,
      %gather3A_842 = tpu.vector_load_idx %arg9[%add3A_13, %broadcast_in_dim3A_840] : memref<64x256xf32, #tpu.memory_space<vmem>>[vector<16xi32>, vector<16xi32>], vector<16xf32>,
      %add3A_843 = arith.addf %gather3A_841, %gather3A_842 : vector<16xf32>
      tpu.vector_store_idx %arg8[%add3A_13, %broadcast_in_dim3A_840], %add3A_843 : memref<64x256xf32, #tpu.memory_space<vmem>>[vector<16xi32>, vector<16xi32>], vector<16xf32>,
      %gather3A_844 = tpu.vector_load_idx %arg7[%broadcast_in_dim3A_839, %add3A_17, %gather3A_813] : memref<8x64x128xf32, #tpu.memory_space<vmem>>[vector<16xi32>, vector<16xi32>, vector<16xi32>], vector<16xf32>,
      %gather3A_845 = tpu.vector_load_idx %arg9[%add3A_17, %broadcast_in_dim3A_840] : memref<64x256xf32, #tpu.memory_space<vmem>>[vector<16xi32>, vector<16xi32>], vector<16xf32>,
      %add3A_846 = arith.addf %gather3A_844, %gather3A_845 : vector<16xf32>
      tpu.vector_store_idx %arg8[%add3A_17, %broadcast_in_dim3A_840], %add3A_846 : memref<64x256xf32, #tpu.memory_space<vmem>>[vector<16xi32>, vector<16xi32>], vector<16xf32>,
      %gather3A_847 = tpu.vector_load_idx %arg7[%broadcast_in_dim3A_839, %add3A_21, %gather3A_813] : memref<8x64x128xf32, #tpu.memory_space<vmem>>[vector<16xi32>, vector<16xi32>, vector<16xi32>], vector<16xf32>,
      %gather3A_848 = tpu.vector_load_idx %arg9[%add3A_21, %broadcast_in_dim3A_840] : memref<64x256xf32, #tpu.memory_space<vmem>>[vector<16xi32>, vector<16xi32>], vector<16xf32>,
      %add3A_849 = arith.addf %gather3A_847, %gather3A_848 : vector<16xf32>
      tpu.vector_store_idx %arg8[%add3A_21, %broadcast_in_dim3A_840], %add3A_849 : memref<64x256xf32, #tpu.memory_space<vmem>>[vector<16xi32>, vector<16xi32>], vector<16xf32>,
      %gather3A_850 = tpu.vector_load_idx %arg7[%broadcast_in_dim3A_839, %add3A_25, %gather3A_813] : memref<8x64x128xf32, #tpu.memory_space<vmem>>[vector<16xi32>, vector<16xi32>, vector<16xi32>], vector<16xf32>,
      %gather3A_851 = tpu.vector_load_idx %arg9[%add3A_25, %broadcast_in_dim3A_840] : memref<64x256xf32, #tpu.memory_space<vmem>>[vector<16xi32>, vector<16xi32>], vector<16xf32>,
      %add3A_852 = arith.addf %gather3A_850, %gather3A_851 : vector<16xf32>
      tpu.vector_store_idx %arg8[%add3A_25, %broadcast_in_dim3A_840], %add3A_852 : memref<64x256xf32, #tpu.memory_space<vmem>>[vector<16xi32>, vector<16xi32>], vector<16xf32>,
      %shift_right_logical3A_853 = arith.constant 7 : i32
      %shift_right_logical3A_854 = arith.shrui %squeeze3A_444, %shift_right_logical3A_853 : i32
      %mul3A_855 = arith.constant 128 : i32
      %mul3A_856 = arith.muli %shift_right_logical3A_854, %mul3A_855 : i32
      %multiple_of3A_857 = tpu.assume_multiple %mul3A_856, 128 : i32
      %dma_start3A_858 = arith.constant 2 : i32
      %dma_start3A_859 = arith.constant 2 : i32
      %dma_start3A_860 = arith.constant 0 : i32
      %dma_start3A_861 = arith.constant 0 : i32
      %dma_start3A_862 = tpu.memref_slice %arg7[%dma_start3A_858, %dma_start3A_860, %dma_start3A_861] : memref<8x64x128xf32, #tpu.memory_space<vmem>> -> memref<1x64x128xf32, #tpu.memory_space<vmem>>
      %dma_start3A_863 = tpu.memref_squeeze %dma_start3A_862 : memref<1x64x128xf32, #tpu.memory_space<vmem>> -> memref<64x128xf32, #tpu.memory_space<vmem>>
      %dma_start3A_864 = arith.constant 0 : i32
      %dma_start3A_865 = tpu.memref_slice %arg3[%dma_start3A_864, %multiple_of3A_857] : memref<64x1000000xf32, #tpu.memory_space<hbm>> -> memref<64x128xf32, #tpu.memory_space<hbm>>
      %dma_start3A_866 = tpu.memref_slice %arg10[%dma_start3A_859] : memref<8x!tpu.dma_semaphore, #tpu.memory_space<semaphore_mem>> -> memref<1x!tpu.dma_semaphore, #tpu.memory_space<semaphore_mem>>
      %dma_start3A_867 = tpu.memref_squeeze %dma_start3A_866 : memref<1x!tpu.dma_semaphore, #tpu.memory_space<semaphore_mem>> -> memref<!tpu.dma_semaphore, #tpu.memory_space<semaphore_mem>>
      %dma_start3A_868 = arith.constant 0 : i32
      %dma_start3A_869 = arith.constant 0 : i32
      %dma_start3A_870 = tpu.memref_slice %arg7[%dma_start3A_858, %dma_start3A_868, %dma_start3A_869] : memref<8x64x128xf32, #tpu.memory_space<vmem>> -> memref<1x64x128xf32, #tpu.memory_space<vmem>>
      %dma_start3A_871 = tpu.memref_squeeze %dma_start3A_870 : memref<1x64x128xf32, #tpu.memory_space<vmem>> -> memref<64x128xf32, #tpu.memory_space<vmem>>
      %dma_start3A_872 = arith.constant 0 : i32
      %dma_start3A_873 = tpu.memref_slice %arg3[%dma_start3A_872, %multiple_of3A_857] : memref<64x1000000xf32, #tpu.memory_space<hbm>> -> memref<64x128xf32, #tpu.memory_space<hbm>>
      tpu.enqueue_dma source(%dma_start3A_873 : memref<64x128xf32, #tpu.memory_space<hbm>>) target(%dma_start3A_871 : memref<64x128xf32, #tpu.memory_space<vmem>>) target_semaphore(%dma_start3A_867 : memref<!tpu.dma_semaphore, #tpu.memory_space<semaphore_mem>>)
      %broadcast_in_dim3A_874 = arith.constant 3 : i32
      %broadcast_in_dim3A_875 = vector.broadcast %broadcast_in_dim3A_874 : i32 to vector<16xi32>
      %lt3A_876 = arith.constant 0 : i32
      %lt3A_877 = vector.broadcast %lt3A_876 : i32 to vector<16xi32>
      %lt3A_878 = arith.cmpi slt, %broadcast_in_dim3A_875, %lt3A_877 : vector<16xi32>
      %add3A_879 = arith.constant 16 : i32
      %add3A_880 = vector.broadcast %add3A_879 : i32 to vector<16xi32>
      %add3A_881 = arith.addi %broadcast_in_dim3A_875, %add3A_880 : vector<16xi32>
      %select_n3A_882 = arith.select %lt3A_878, %add3A_881, %broadcast_in_dim3A_875 : vector<16xi1>, vector<16xi32>
      %broadcast_in_dim3A_883 = vector.shape_cast %select_n3A_882 : vector<16xi32> to vector<16x1xi32>
      %gather3A_884 = vector.shape_cast %broadcast_in_dim3A_883 : vector<16x1xi32> to vector<16xi32>
      %gather3A_885 = tpu.dynamic_gather %rem3A_421[%gather3A_884] in [0] : vector<16xi32>, vector<16xi32> -> vector<16xi32>
      %mul3A_886 = arith.constant 16 : i32
      %mul3A_887 = arith.muli %scan3A_403, %mul3A_886 : i32
      %add3A_888 = arith.constant 11 : i32
      %add3A_889 = arith.addi %mul3A_887, %add3A_888 : i32
      %sub3A_890 = arith.constant 8 : i32
      %sub3A_891 = arith.subi %add3A_889, %sub3A_890 : i32
      %dma_wait3A_892 = arith.constant 3 : i32
      %dma_wait3A_893 = arith.constant 3 : i32
      %dma_wait3A_894 = arith.constant 0 : i32
      %dma_wait3A_895 = arith.constant 0 : i32
      %dma_wait3A_896 = tpu.memref_slice %arg7[%dma_wait3A_892, %dma_wait3A_894, %dma_wait3A_895] : memref<8x64x128xf32, #tpu.memory_space<vmem>> -> memref<1x64x128xf32, #tpu.memory_space<vmem>>
      %dma_wait3A_897 = tpu.memref_squeeze %dma_wait3A_896 : memref<1x64x128xf32, #tpu.memory_space<vmem>> -> memref<64x128xf32, #tpu.memory_space<vmem>>
      %dma_wait3A_898 = arith.constant 0 : i32
      %dma_wait3A_899 = arith.constant 0 : i32
      %dma_wait3A_900 = tpu.memref_slice %arg3[%dma_wait3A_898, %dma_wait3A_899] : memref<64x1000000xf32, #tpu.memory_space<hbm>> -> memref<64x128xf32, #tpu.memory_space<hbm>>
      %dma_wait3A_901 = tpu.memref_slice %arg10[%dma_wait3A_893] : memref<8x!tpu.dma_semaphore, #tpu.memory_space<semaphore_mem>> -> memref<1x!tpu.dma_semaphore, #tpu.memory_space<semaphore_mem>>
      %dma_wait3A_902 = tpu.memref_squeeze %dma_wait3A_901 : memref<1x!tpu.dma_semaphore, #tpu.memory_space<semaphore_mem>> -> memref<!tpu.dma_semaphore, #tpu.memory_space<semaphore_mem>>
      %dma_wait3A_903 = arith.constant 0 : i32
      %dma_wait3A_904 = arith.constant 0 : i32
      %dma_wait3A_905 = tpu.memref_slice %arg7[%dma_wait3A_892, %dma_wait3A_903, %dma_wait3A_904] : memref<8x64x128xf32, #tpu.memory_space<vmem>> -> memref<1x64x128xf32, #tpu.memory_space<vmem>>
      %dma_wait3A_906 = tpu.memref_squeeze %dma_wait3A_905 : memref<1x64x128xf32, #tpu.memory_space<vmem>> -> memref<64x128xf32, #tpu.memory_space<vmem>>
      %dma_wait3A_907 = arith.constant 0 : i32
      %dma_wait3A_908 = arith.constant 0 : i32
      %dma_wait3A_909 = tpu.memref_slice %arg3[%dma_wait3A_907, %dma_wait3A_908] : memref<64x1000000xf32, #tpu.memory_space<hbm>> -> memref<64x128xf32, #tpu.memory_space<hbm>>
      tpu.wait_dma2 semaphore(%dma_wait3A_902 : memref<!tpu.dma_semaphore, #tpu.memory_space<semaphore_mem>>) src(%dma_wait3A_909 : memref<64x128xf32, #tpu.memory_space<hbm>>) dst(%dma_wait3A_906 : memref<64x128xf32, #tpu.memory_space<vmem>>)
      %broadcast_in_dim3A_910 = arith.constant 3 : i32
      %broadcast_in_dim3A_911 = vector.broadcast %broadcast_in_dim3A_910 : i32 to vector<16xi32>
      %broadcast_in_dim3A_912 = vector.broadcast %sub3A_891 : i32 to vector<16xi32>
      %gather3A_913 = tpu.vector_load_idx %arg7[%broadcast_in_dim3A_911, %add3A_13, %gather3A_885] : memref<8x64x128xf32, #tpu.memory_space<vmem>>[vector<16xi32>, vector<16xi32>, vector<16xi32>], vector<16xf32>,
      %gather3A_914 = tpu.vector_load_idx %arg9[%add3A_13, %broadcast_in_dim3A_912] : memref<64x256xf32, #tpu.memory_space<vmem>>[vector<16xi32>, vector<16xi32>], vector<16xf32>,
      %add3A_915 = arith.addf %gather3A_913, %gather3A_914 : vector<16xf32>
      tpu.vector_store_idx %arg8[%add3A_13, %broadcast_in_dim3A_912], %add3A_915 : memref<64x256xf32, #tpu.memory_space<vmem>>[vector<16xi32>, vector<16xi32>], vector<16xf32>,
      %gather3A_916 = tpu.vector_load_idx %arg7[%broadcast_in_dim3A_911, %add3A_17, %gather3A_885] : memref<8x64x128xf32, #tpu.memory_space<vmem>>[vector<16xi32>, vector<16xi32>, vector<16xi32>], vector<16xf32>,
      %gather3A_917 = tpu.vector_load_idx %arg9[%add3A_17, %broadcast_in_dim3A_912] : memref<64x256xf32, #tpu.memory_space<vmem>>[vector<16xi32>, vector<16xi32>], vector<16xf32>,
      %add3A_918 = arith.addf %gather3A_916, %gather3A_917 : vector<16xf32>
      tpu.vector_store_idx %arg8[%add3A_17, %broadcast_in_dim3A_912], %add3A_918 : memref<64x256xf32, #tpu.memory_space<vmem>>[vector<16xi32>, vector<16xi32>], vector<16xf32>,
      %gather3A_919 = tpu.vector_load_idx %arg7[%broadcast_in_dim3A_911, %add3A_21, %gather3A_885] : memref<8x64x128xf32, #tpu.memory_space<vmem>>[vector<16xi32>, vector<16xi32>, vector<16xi32>], vector<16xf32>,
      %gather3A_920 = tpu.vector_load_idx %arg9[%add3A_21, %broadcast_in_dim3A_912] : memref<64x256xf32, #tpu.memory_space<vmem>>[vector<16xi32>, vector<16xi32>], vector<16xf32>,
      %add3A_921 = arith.addf %gather3A_919, %gather3A_920 : vector<16xf32>
      tpu.vector_store_idx %arg8[%add3A_21, %broadcast_in_dim3A_912], %add3A_921 : memref<64x256xf32, #tpu.memory_space<vmem>>[vector<16xi32>, vector<16xi32>], vector<16xf32>,
      %gather3A_922 = tpu.vector_load_idx %arg7[%broadcast_in_dim3A_911, %add3A_25, %gather3A_885] : memref<8x64x128xf32, #tpu.memory_space<vmem>>[vector<16xi32>, vector<16xi32>, vector<16xi32>], vector<16xf32>,
      %gather3A_923 = tpu.vector_load_idx %arg9[%add3A_25, %broadcast_in_dim3A_912] : memref<64x256xf32, #tpu.memory_space<vmem>>[vector<16xi32>, vector<16xi32>], vector<16xf32>,
      %add3A_924 = arith.addf %gather3A_922, %gather3A_923 : vector<16xf32>
      tpu.vector_store_idx %arg8[%add3A_25, %broadcast_in_dim3A_912], %add3A_924 : memref<64x256xf32, #tpu.memory_space<vmem>>[vector<16xi32>, vector<16xi32>], vector<16xf32>,
      %shift_right_logical3A_925 = arith.constant 7 : i32
      %shift_right_logical3A_926 = arith.shrui %squeeze3A_446, %shift_right_logical3A_925 : i32
      %mul3A_927 = arith.constant 128 : i32
      %mul3A_928 = arith.muli %shift_right_logical3A_926, %mul3A_927 : i32
      %multiple_of3A_929 = tpu.assume_multiple %mul3A_928, 128 : i32
      %dma_start3A_930 = arith.constant 3 : i32
      %dma_start3A_931 = arith.constant 3 : i32
      %dma_start3A_932 = arith.constant 0 : i32
      %dma_start3A_933 = arith.constant 0 : i32
      %dma_start3A_934 = tpu.memref_slice %arg7[%dma_start3A_930, %dma_start3A_932, %dma_start3A_933] : memref<8x64x128xf32, #tpu.memory_space<vmem>> -> memref<1x64x128xf32, #tpu.memory_space<vmem>>
      %dma_start3A_935 = tpu.memref_squeeze %dma_start3A_934 : memref<1x64x128xf32, #tpu.memory_space<vmem>> -> memref<64x128xf32, #tpu.memory_space<vmem>>
      %dma_start3A_936 = arith.constant 0 : i32
      %dma_start3A_937 = tpu.memref_slice %arg3[%dma_start3A_936, %multiple_of3A_929] : memref<64x1000000xf32, #tpu.memory_space<hbm>> -> memref<64x128xf32, #tpu.memory_space<hbm>>
      %dma_start3A_938 = tpu.memref_slice %arg10[%dma_start3A_931] : memref<8x!tpu.dma_semaphore, #tpu.memory_space<semaphore_mem>> -> memref<1x!tpu.dma_semaphore, #tpu.memory_space<semaphore_mem>>
      %dma_start3A_939 = tpu.memref_squeeze %dma_start3A_938 : memref<1x!tpu.dma_semaphore, #tpu.memory_space<semaphore_mem>> -> memref<!tpu.dma_semaphore, #tpu.memory_space<semaphore_mem>>
      %dma_start3A_940 = arith.constant 0 : i32
      %dma_start3A_941 = arith.constant 0 : i32
      %dma_start3A_942 = tpu.memref_slice %arg7[%dma_start3A_930, %dma_start3A_940, %dma_start3A_941] : memref<8x64x128xf32, #tpu.memory_space<vmem>> -> memref<1x64x128xf32, #tpu.memory_space<vmem>>
      %dma_start3A_943 = tpu.memref_squeeze %dma_start3A_942 : memref<1x64x128xf32, #tpu.memory_space<vmem>> -> memref<64x128xf32, #tpu.memory_space<vmem>>
      %dma_start3A_944 = arith.constant 0 : i32
      %dma_start3A_945 = tpu.memref_slice %arg3[%dma_start3A_944, %multiple_of3A_929] : memref<64x1000000xf32, #tpu.memory_space<hbm>> -> memref<64x128xf32, #tpu.memory_space<hbm>>
      tpu.enqueue_dma source(%dma_start3A_945 : memref<64x128xf32, #tpu.memory_space<hbm>>) target(%dma_start3A_943 : memref<64x128xf32, #tpu.memory_space<vmem>>) target_semaphore(%dma_start3A_939 : memref<!tpu.dma_semaphore, #tpu.memory_space<semaphore_mem>>)
      %broadcast_in_dim3A_946 = arith.constant 4 : i32
      %broadcast_in_dim3A_947 = vector.broadcast %broadcast_in_dim3A_946 : i32 to vector<16xi32>
      %lt3A_948 = arith.constant 0 : i32
      %lt3A_949 = vector.broadcast %lt3A_948 : i32 to vector<16xi32>
      %lt3A_950 = arith.cmpi slt, %broadcast_in_dim3A_947, %lt3A_949 : vector<16xi32>
      %add3A_951 = arith.constant 16 : i32
      %add3A_952 = vector.broadcast %add3A_951 : i32 to vector<16xi32>
      %add3A_953 = arith.addi %broadcast_in_dim3A_947, %add3A_952 : vector<16xi32>
      %select_n3A_954 = arith.select %lt3A_950, %add3A_953, %broadcast_in_dim3A_947 : vector<16xi1>, vector<16xi32>
      %broadcast_in_dim3A_955 = vector.shape_cast %select_n3A_954 : vector<16xi32> to vector<16x1xi32>
      %gather3A_956 = vector.shape_cast %broadcast_in_dim3A_955 : vector<16x1xi32> to vector<16xi32>
      %gather3A_957 = tpu.dynamic_gather %rem3A_421[%gather3A_956] in [0] : vector<16xi32>, vector<16xi32> -> vector<16xi32>
      %mul3A_958 = arith.constant 16 : i32
      %mul3A_959 = arith.muli %scan3A_403, %mul3A_958 : i32
      %add3A_960 = arith.constant 12 : i32
      %add3A_961 = arith.addi %mul3A_959, %add3A_960 : i32
      %sub3A_962 = arith.constant 8 : i32
      %sub3A_963 = arith.subi %add3A_961, %sub3A_962 : i32
      %dma_wait3A_964 = arith.constant 4 : i32
      %dma_wait3A_965 = arith.constant 4 : i32
      %dma_wait3A_966 = arith.constant 0 : i32
      %dma_wait3A_967 = arith.constant 0 : i32
      %dma_wait3A_968 = tpu.memref_slice %arg7[%dma_wait3A_964, %dma_wait3A_966, %dma_wait3A_967] : memref<8x64x128xf32, #tpu.memory_space<vmem>> -> memref<1x64x128xf32, #tpu.memory_space<vmem>>
      %dma_wait3A_969 = tpu.memref_squeeze %dma_wait3A_968 : memref<1x64x128xf32, #tpu.memory_space<vmem>> -> memref<64x128xf32, #tpu.memory_space<vmem>>
      %dma_wait3A_970 = arith.constant 0 : i32
      %dma_wait3A_971 = arith.constant 0 : i32
      %dma_wait3A_972 = tpu.memref_slice %arg3[%dma_wait3A_970, %dma_wait3A_971] : memref<64x1000000xf32, #tpu.memory_space<hbm>> -> memref<64x128xf32, #tpu.memory_space<hbm>>
      %dma_wait3A_973 = tpu.memref_slice %arg10[%dma_wait3A_965] : memref<8x!tpu.dma_semaphore, #tpu.memory_space<semaphore_mem>> -> memref<1x!tpu.dma_semaphore, #tpu.memory_space<semaphore_mem>>
      %dma_wait3A_974 = tpu.memref_squeeze %dma_wait3A_973 : memref<1x!tpu.dma_semaphore, #tpu.memory_space<semaphore_mem>> -> memref<!tpu.dma_semaphore, #tpu.memory_space<semaphore_mem>>
      %dma_wait3A_975 = arith.constant 0 : i32
      %dma_wait3A_976 = arith.constant 0 : i32
      %dma_wait3A_977 = tpu.memref_slice %arg7[%dma_wait3A_964, %dma_wait3A_975, %dma_wait3A_976] : memref<8x64x128xf32, #tpu.memory_space<vmem>> -> memref<1x64x128xf32, #tpu.memory_space<vmem>>
      %dma_wait3A_978 = tpu.memref_squeeze %dma_wait3A_977 : memref<1x64x128xf32, #tpu.memory_space<vmem>> -> memref<64x128xf32, #tpu.memory_space<vmem>>
      %dma_wait3A_979 = arith.constant 0 : i32
      %dma_wait3A_980 = arith.constant 0 : i32
      %dma_wait3A_981 = tpu.memref_slice %arg3[%dma_wait3A_979, %dma_wait3A_980] : memref<64x1000000xf32, #tpu.memory_space<hbm>> -> memref<64x128xf32, #tpu.memory_space<hbm>>
      tpu.wait_dma2 semaphore(%dma_wait3A_974 : memref<!tpu.dma_semaphore, #tpu.memory_space<semaphore_mem>>) src(%dma_wait3A_981 : memref<64x128xf32, #tpu.memory_space<hbm>>) dst(%dma_wait3A_978 : memref<64x128xf32, #tpu.memory_space<vmem>>)
      %broadcast_in_dim3A_982 = arith.constant 4 : i32
      %broadcast_in_dim3A_983 = vector.broadcast %broadcast_in_dim3A_982 : i32 to vector<16xi32>
      %broadcast_in_dim3A_984 = vector.broadcast %sub3A_963 : i32 to vector<16xi32>
      %gather3A_985 = tpu.vector_load_idx %arg7[%broadcast_in_dim3A_983, %add3A_13, %gather3A_957] : memref<8x64x128xf32, #tpu.memory_space<vmem>>[vector<16xi32>, vector<16xi32>, vector<16xi32>], vector<16xf32>,
      %gather3A_986 = tpu.vector_load_idx %arg9[%add3A_13, %broadcast_in_dim3A_984] : memref<64x256xf32, #tpu.memory_space<vmem>>[vector<16xi32>, vector<16xi32>], vector<16xf32>,
      %add3A_987 = arith.addf %gather3A_985, %gather3A_986 : vector<16xf32>
      tpu.vector_store_idx %arg8[%add3A_13, %broadcast_in_dim3A_984], %add3A_987 : memref<64x256xf32, #tpu.memory_space<vmem>>[vector<16xi32>, vector<16xi32>], vector<16xf32>,
      %gather3A_988 = tpu.vector_load_idx %arg7[%broadcast_in_dim3A_983, %add3A_17, %gather3A_957] : memref<8x64x128xf32, #tpu.memory_space<vmem>>[vector<16xi32>, vector<16xi32>, vector<16xi32>], vector<16xf32>,
      %gather3A_989 = tpu.vector_load_idx %arg9[%add3A_17, %broadcast_in_dim3A_984] : memref<64x256xf32, #tpu.memory_space<vmem>>[vector<16xi32>, vector<16xi32>], vector<16xf32>,
      %add3A_990 = arith.addf %gather3A_988, %gather3A_989 : vector<16xf32>
      tpu.vector_store_idx %arg8[%add3A_17, %broadcast_in_dim3A_984], %add3A_990 : memref<64x256xf32, #tpu.memory_space<vmem>>[vector<16xi32>, vector<16xi32>], vector<16xf32>,
      %gather3A_991 = tpu.vector_load_idx %arg7[%broadcast_in_dim3A_983, %add3A_21, %gather3A_957] : memref<8x64x128xf32, #tpu.memory_space<vmem>>[vector<16xi32>, vector<16xi32>, vector<16xi32>], vector<16xf32>,
      %gather3A_992 = tpu.vector_load_idx %arg9[%add3A_21, %broadcast_in_dim3A_984] : memref<64x256xf32, #tpu.memory_space<vmem>>[vector<16xi32>, vector<16xi32>], vector<16xf32>,
      %add3A_993 = arith.addf %gather3A_991, %gather3A_992 : vector<16xf32>
      tpu.vector_store_idx %arg8[%add3A_21, %broadcast_in_dim3A_984], %add3A_993 : memref<64x256xf32, #tpu.memory_space<vmem>>[vector<16xi32>, vector<16xi32>], vector<16xf32>,
      %gather3A_994 = tpu.vector_load_idx %arg7[%broadcast_in_dim3A_983, %add3A_25, %gather3A_957] : memref<8x64x128xf32, #tpu.memory_space<vmem>>[vector<16xi32>, vector<16xi32>, vector<16xi32>], vector<16xf32>,
      %gather3A_995 = tpu.vector_load_idx %arg9[%add3A_25, %broadcast_in_dim3A_984] : memref<64x256xf32, #tpu.memory_space<vmem>>[vector<16xi32>, vector<16xi32>], vector<16xf32>,
      %add3A_996 = arith.addf %gather3A_994, %gather3A_995 : vector<16xf32>
      tpu.vector_store_idx %arg8[%add3A_25, %broadcast_in_dim3A_984], %add3A_996 : memref<64x256xf32, #tpu.memory_space<vmem>>[vector<16xi32>, vector<16xi32>], vector<16xf32>,
      %shift_right_logical3A_997 = arith.constant 7 : i32
      %shift_right_logical3A_998 = arith.shrui %squeeze3A_448, %shift_right_logical3A_997 : i32
      %mul3A_999 = arith.constant 128 : i32
      %mul3A_1000 = arith.muli %shift_right_logical3A_998, %mul3A_999 : i32
      %multiple_of3A_1001 = tpu.assume_multiple %mul3A_1000, 128 : i32
      %dma_start3A_1002 = arith.constant 4 : i32
      %dma_start3A_1003 = arith.constant 4 : i32
      %dma_start3A_1004 = arith.constant 0 : i32
      %dma_start3A_1005 = arith.constant 0 : i32
      %dma_start3A_1006 = tpu.memref_slice %arg7[%dma_start3A_1002, %dma_start3A_1004, %dma_start3A_1005] : memref<8x64x128xf32, #tpu.memory_space<vmem>> -> memref<1x64x128xf32, #tpu.memory_space<vmem>>
      %dma_start3A_1007 = tpu.memref_squeeze %dma_start3A_1006 : memref<1x64x128xf32, #tpu.memory_space<vmem>> -> memref<64x128xf32, #tpu.memory_space<vmem>>
      %dma_start3A_1008 = arith.constant 0 : i32
      %dma_start3A_1009 = tpu.memref_slice %arg3[%dma_start3A_1008, %multiple_of3A_1001] : memref<64x1000000xf32, #tpu.memory_space<hbm>> -> memref<64x128xf32, #tpu.memory_space<hbm>>
      %dma_start3A_1010 = tpu.memref_slice %arg10[%dma_start3A_1003] : memref<8x!tpu.dma_semaphore, #tpu.memory_space<semaphore_mem>> -> memref<1x!tpu.dma_semaphore, #tpu.memory_space<semaphore_mem>>
      %dma_start3A_1011 = tpu.memref_squeeze %dma_start3A_1010 : memref<1x!tpu.dma_semaphore, #tpu.memory_space<semaphore_mem>> -> memref<!tpu.dma_semaphore, #tpu.memory_space<semaphore_mem>>
      %dma_start3A_1012 = arith.constant 0 : i32
      %dma_start3A_1013 = arith.constant 0 : i32
      %dma_start3A_1014 = tpu.memref_slice %arg7[%dma_start3A_1002, %dma_start3A_1012, %dma_start3A_1013] : memref<8x64x128xf32, #tpu.memory_space<vmem>> -> memref<1x64x128xf32, #tpu.memory_space<vmem>>
      %dma_start3A_1015 = tpu.memref_squeeze %dma_start3A_1014 : memref<1x64x128xf32, #tpu.memory_space<vmem>> -> memref<64x128xf32, #tpu.memory_space<vmem>>
      %dma_start3A_1016 = arith.constant 0 : i32
      %dma_start3A_1017 = tpu.memref_slice %arg3[%dma_start3A_1016, %multiple_of3A_1001] : memref<64x1000000xf32, #tpu.memory_space<hbm>> -> memref<64x128xf32, #tpu.memory_space<hbm>>
      tpu.enqueue_dma source(%dma_start3A_1017 : memref<64x128xf32, #tpu.memory_space<hbm>>) target(%dma_start3A_1015 : memref<64x128xf32, #tpu.memory_space<vmem>>) target_semaphore(%dma_start3A_1011 : memref<!tpu.dma_semaphore, #tpu.memory_space<semaphore_mem>>)
      %broadcast_in_dim3A_1018 = arith.constant 5 : i32
      %broadcast_in_dim3A_1019 = vector.broadcast %broadcast_in_dim3A_1018 : i32 to vector<16xi32>
      %lt3A_1020 = arith.constant 0 : i32
      %lt3A_1021 = vector.broadcast %lt3A_1020 : i32 to vector<16xi32>
      %lt3A_1022 = arith.cmpi slt, %broadcast_in_dim3A_1019, %lt3A_1021 : vector<16xi32>
      %add3A_1023 = arith.constant 16 : i32
      %add3A_1024 = vector.broadcast %add3A_1023 : i32 to vector<16xi32>
      %add3A_1025 = arith.addi %broadcast_in_dim3A_1019, %add3A_1024 : vector<16xi32>
      %select_n3A_1026 = arith.select %lt3A_1022, %add3A_1025, %broadcast_in_dim3A_1019 : vector<16xi1>, vector<16xi32>
      %broadcast_in_dim3A_1027 = vector.shape_cast %select_n3A_1026 : vector<16xi32> to vector<16x1xi32>
      %gather3A_1028 = vector.shape_cast %broadcast_in_dim3A_1027 : vector<16x1xi32> to vector<16xi32>
      %gather3A_1029 = tpu.dynamic_gather %rem3A_421[%gather3A_1028] in [0] : vector<16xi32>, vector<16xi32> -> vector<16xi32>
      %mul3A_1030 = arith.constant 16 : i32
      %mul3A_1031 = arith.muli %scan3A_403, %mul3A_1030 : i32
      %add3A_1032 = arith.constant 13 : i32
      %add3A_1033 = arith.addi %mul3A_1031, %add3A_1032 : i32
      %sub3A_1034 = arith.constant 8 : i32
      %sub3A_1035 = arith.subi %add3A_1033, %sub3A_1034 : i32
      %dma_wait3A_1036 = arith.constant 5 : i32
      %dma_wait3A_1037 = arith.constant 5 : i32
      %dma_wait3A_1038 = arith.constant 0 : i32
      %dma_wait3A_1039 = arith.constant 0 : i32
      %dma_wait3A_1040 = tpu.memref_slice %arg7[%dma_wait3A_1036, %dma_wait3A_1038, %dma_wait3A_1039] : memref<8x64x128xf32, #tpu.memory_space<vmem>> -> memref<1x64x128xf32, #tpu.memory_space<vmem>>
      %dma_wait3A_1041 = tpu.memref_squeeze %dma_wait3A_1040 : memref<1x64x128xf32, #tpu.memory_space<vmem>> -> memref<64x128xf32, #tpu.memory_space<vmem>>
      %dma_wait3A_1042 = arith.constant 0 : i32
      %dma_wait3A_1043 = arith.constant 0 : i32
      %dma_wait3A_1044 = tpu.memref_slice %arg3[%dma_wait3A_1042, %dma_wait3A_1043] : memref<64x1000000xf32, #tpu.memory_space<hbm>> -> memref<64x128xf32, #tpu.memory_space<hbm>>
      %dma_wait3A_1045 = tpu.memref_slice %arg10[%dma_wait3A_1037] : memref<8x!tpu.dma_semaphore, #tpu.memory_space<semaphore_mem>> -> memref<1x!tpu.dma_semaphore, #tpu.memory_space<semaphore_mem>>
      %dma_wait3A_1046 = tpu.memref_squeeze %dma_wait3A_1045 : memref<1x!tpu.dma_semaphore, #tpu.memory_space<semaphore_mem>> -> memref<!tpu.dma_semaphore, #tpu.memory_space<semaphore_mem>>
      %dma_wait3A_1047 = arith.constant 0 : i32
      %dma_wait3A_1048 = arith.constant 0 : i32
      %dma_wait3A_1049 = tpu.memref_slice %arg7[%dma_wait3A_1036, %dma_wait3A_1047, %dma_wait3A_1048] : memref<8x64x128xf32, #tpu.memory_space<vmem>> -> memref<1x64x128xf32, #tpu.memory_space<vmem>>
      %dma_wait3A_1050 = tpu.memref_squeeze %dma_wait3A_1049 : memref<1x64x128xf32, #tpu.memory_space<vmem>> -> memref<64x128xf32, #tpu.memory_space<vmem>>
      %dma_wait3A_1051 = arith.constant 0 : i32
      %dma_wait3A_1052 = arith.constant 0 : i32
      %dma_wait3A_1053 = tpu.memref_slice %arg3[%dma_wait3A_1051, %dma_wait3A_1052] : memref<64x1000000xf32, #tpu.memory_space<hbm>> -> memref<64x128xf32, #tpu.memory_space<hbm>>
      tpu.wait_dma2 semaphore(%dma_wait3A_1046 : memref<!tpu.dma_semaphore, #tpu.memory_space<semaphore_mem>>) src(%dma_wait3A_1053 : memref<64x128xf32, #tpu.memory_space<hbm>>) dst(%dma_wait3A_1050 : memref<64x128xf32, #tpu.memory_space<vmem>>)
      %broadcast_in_dim3A_1054 = arith.constant 5 : i32
      %broadcast_in_dim3A_1055 = vector.broadcast %broadcast_in_dim3A_1054 : i32 to vector<16xi32>
      %broadcast_in_dim3A_1056 = vector.broadcast %sub3A_1035 : i32 to vector<16xi32>
      %gather3A_1057 = tpu.vector_load_idx %arg7[%broadcast_in_dim3A_1055, %add3A_13, %gather3A_1029] : memref<8x64x128xf32, #tpu.memory_space<vmem>>[vector<16xi32>, vector<16xi32>, vector<16xi32>], vector<16xf32>,
      %gather3A_1058 = tpu.vector_load_idx %arg9[%add3A_13, %broadcast_in_dim3A_1056] : memref<64x256xf32, #tpu.memory_space<vmem>>[vector<16xi32>, vector<16xi32>], vector<16xf32>,
      %add3A_1059 = arith.addf %gather3A_1057, %gather3A_1058 : vector<16xf32>
      tpu.vector_store_idx %arg8[%add3A_13, %broadcast_in_dim3A_1056], %add3A_1059 : memref<64x256xf32, #tpu.memory_space<vmem>>[vector<16xi32>, vector<16xi32>], vector<16xf32>,
      %gather3A_1060 = tpu.vector_load_idx %arg7[%broadcast_in_dim3A_1055, %add3A_17, %gather3A_1029] : memref<8x64x128xf32, #tpu.memory_space<vmem>>[vector<16xi32>, vector<16xi32>, vector<16xi32>], vector<16xf32>,
      %gather3A_1061 = tpu.vector_load_idx %arg9[%add3A_17, %broadcast_in_dim3A_1056] : memref<64x256xf32, #tpu.memory_space<vmem>>[vector<16xi32>, vector<16xi32>], vector<16xf32>,
      %add3A_1062 = arith.addf %gather3A_1060, %gather3A_1061 : vector<16xf32>
      tpu.vector_store_idx %arg8[%add3A_17, %broadcast_in_dim3A_1056], %add3A_1062 : memref<64x256xf32, #tpu.memory_space<vmem>>[vector<16xi32>, vector<16xi32>], vector<16xf32>,
      %gather3A_1063 = tpu.vector_load_idx %arg7[%broadcast_in_dim3A_1055, %add3A_21, %gather3A_1029] : memref<8x64x128xf32, #tpu.memory_space<vmem>>[vector<16xi32>, vector<16xi32>, vector<16xi32>], vector<16xf32>,
      %gather3A_1064 = tpu.vector_load_idx %arg9[%add3A_21, %broadcast_in_dim3A_1056] : memref<64x256xf32, #tpu.memory_space<vmem>>[vector<16xi32>, vector<16xi32>], vector<16xf32>,
      %add3A_1065 = arith.addf %gather3A_1063, %gather3A_1064 : vector<16xf32>
      tpu.vector_store_idx %arg8[%add3A_21, %broadcast_in_dim3A_1056], %add3A_1065 : memref<64x256xf32, #tpu.memory_space<vmem>>[vector<16xi32>, vector<16xi32>], vector<16xf32>,
      %gather3A_1066 = tpu.vector_load_idx %arg7[%broadcast_in_dim3A_1055, %add3A_25, %gather3A_1029] : memref<8x64x128xf32, #tpu.memory_space<vmem>>[vector<16xi32>, vector<16xi32>, vector<16xi32>], vector<16xf32>,
      %gather3A_1067 = tpu.vector_load_idx %arg9[%add3A_25, %broadcast_in_dim3A_1056] : memref<64x256xf32, #tpu.memory_space<vmem>>[vector<16xi32>, vector<16xi32>], vector<16xf32>,
      %add3A_1068 = arith.addf %gather3A_1066, %gather3A_1067 : vector<16xf32>
      tpu.vector_store_idx %arg8[%add3A_25, %broadcast_in_dim3A_1056], %add3A_1068 : memref<64x256xf32, #tpu.memory_space<vmem>>[vector<16xi32>, vector<16xi32>], vector<16xf32>,
      %shift_right_logical3A_1069 = arith.constant 7 : i32
      %shift_right_logical3A_1070 = arith.shrui %squeeze3A_450, %shift_right_logical3A_1069 : i32
      %mul3A_1071 = arith.constant 128 : i32
      %mul3A_1072 = arith.muli %shift_right_logical3A_1070, %mul3A_1071 : i32
      %multiple_of3A_1073 = tpu.assume_multiple %mul3A_1072, 128 : i32
      %dma_start3A_1074 = arith.constant 5 : i32
      %dma_start3A_1075 = arith.constant 5 : i32
      %dma_start3A_1076 = arith.constant 0 : i32
      %dma_start3A_1077 = arith.constant 0 : i32
      %dma_start3A_1078 = tpu.memref_slice %arg7[%dma_start3A_1074, %dma_start3A_1076, %dma_start3A_1077] : memref<8x64x128xf32, #tpu.memory_space<vmem>> -> memref<1x64x128xf32, #tpu.memory_space<vmem>>
      %dma_start3A_1079 = tpu.memref_squeeze %dma_start3A_1078 : memref<1x64x128xf32, #tpu.memory_space<vmem>> -> memref<64x128xf32, #tpu.memory_space<vmem>>
      %dma_start3A_1080 = arith.constant 0 : i32
      %dma_start3A_1081 = tpu.memref_slice %arg3[%dma_start3A_1080, %multiple_of3A_1073] : memref<64x1000000xf32, #tpu.memory_space<hbm>> -> memref<64x128xf32, #tpu.memory_space<hbm>>
      %dma_start3A_1082 = tpu.memref_slice %arg10[%dma_start3A_1075] : memref<8x!tpu.dma_semaphore, #tpu.memory_space<semaphore_mem>> -> memref<1x!tpu.dma_semaphore, #tpu.memory_space<semaphore_mem>>
      %dma_start3A_1083 = tpu.memref_squeeze %dma_start3A_1082 : memref<1x!tpu.dma_semaphore, #tpu.memory_space<semaphore_mem>> -> memref<!tpu.dma_semaphore, #tpu.memory_space<semaphore_mem>>
      %dma_start3A_1084 = arith.constant 0 : i32
      %dma_start3A_1085 = arith.constant 0 : i32
      %dma_start3A_1086 = tpu.memref_slice %arg7[%dma_start3A_1074, %dma_start3A_1084, %dma_start3A_1085] : memref<8x64x128xf32, #tpu.memory_space<vmem>> -> memref<1x64x128xf32, #tpu.memory_space<vmem>>
      %dma_start3A_1087 = tpu.memref_squeeze %dma_start3A_1086 : memref<1x64x128xf32, #tpu.memory_space<vmem>> -> memref<64x128xf32, #tpu.memory_space<vmem>>
      %dma_start3A_1088 = arith.constant 0 : i32
      %dma_start3A_1089 = tpu.memref_slice %arg3[%dma_start3A_1088, %multiple_of3A_1073] : memref<64x1000000xf32, #tpu.memory_space<hbm>> -> memref<64x128xf32, #tpu.memory_space<hbm>>
      tpu.enqueue_dma source(%dma_start3A_1089 : memref<64x128xf32, #tpu.memory_space<hbm>>) target(%dma_start3A_1087 : memref<64x128xf32, #tpu.memory_space<vmem>>) target_semaphore(%dma_start3A_1083 : memref<!tpu.dma_semaphore, #tpu.memory_space<semaphore_mem>>)
      %broadcast_in_dim3A_1090 = arith.constant 6 : i32
      %broadcast_in_dim3A_1091 = vector.broadcast %broadcast_in_dim3A_1090 : i32 to vector<16xi32>
      %lt3A_1092 = arith.constant 0 : i32
      %lt3A_1093 = vector.broadcast %lt3A_1092 : i32 to vector<16xi32>
      %lt3A_1094 = arith.cmpi slt, %broadcast_in_dim3A_1091, %lt3A_1093 : vector<16xi32>
      %add3A_1095 = arith.constant 16 : i32
      %add3A_1096 = vector.broadcast %add3A_1095 : i32 to vector<16xi32>
      %add3A_1097 = arith.addi %broadcast_in_dim3A_1091, %add3A_1096 : vector<16xi32>
      %select_n3A_1098 = arith.select %lt3A_1094, %add3A_1097, %broadcast_in_dim3A_1091 : vector<16xi1>, vector<16xi32>
      %broadcast_in_dim3A_1099 = vector.shape_cast %select_n3A_1098 : vector<16xi32> to vector<16x1xi32>
      %gather3A_1100 = vector.shape_cast %broadcast_in_dim3A_1099 : vector<16x1xi32> to vector<16xi32>
      %gather3A_1101 = tpu.dynamic_gather %rem3A_421[%gather3A_1100] in [0] : vector<16xi32>, vector<16xi32> -> vector<16xi32>
      %mul3A_1102 = arith.constant 16 : i32
      %mul3A_1103 = arith.muli %scan3A_403, %mul3A_1102 : i32
      %add3A_1104 = arith.constant 14 : i32
      %add3A_1105 = arith.addi %mul3A_1103, %add3A_1104 : i32
      %sub3A_1106 = arith.constant 8 : i32
      %sub3A_1107 = arith.subi %add3A_1105, %sub3A_1106 : i32
      %dma_wait3A_1108 = arith.constant 6 : i32
      %dma_wait3A_1109 = arith.constant 6 : i32
      %dma_wait3A_1110 = arith.constant 0 : i32
      %dma_wait3A_1111 = arith.constant 0 : i32
      %dma_wait3A_1112 = tpu.memref_slice %arg7[%dma_wait3A_1108, %dma_wait3A_1110, %dma_wait3A_1111] : memref<8x64x128xf32, #tpu.memory_space<vmem>> -> memref<1x64x128xf32, #tpu.memory_space<vmem>>
      %dma_wait3A_1113 = tpu.memref_squeeze %dma_wait3A_1112 : memref<1x64x128xf32, #tpu.memory_space<vmem>> -> memref<64x128xf32, #tpu.memory_space<vmem>>
      %dma_wait3A_1114 = arith.constant 0 : i32
      %dma_wait3A_1115 = arith.constant 0 : i32
      %dma_wait3A_1116 = tpu.memref_slice %arg3[%dma_wait3A_1114, %dma_wait3A_1115] : memref<64x1000000xf32, #tpu.memory_space<hbm>> -> memref<64x128xf32, #tpu.memory_space<hbm>>
      %dma_wait3A_1117 = tpu.memref_slice %arg10[%dma_wait3A_1109] : memref<8x!tpu.dma_semaphore, #tpu.memory_space<semaphore_mem>> -> memref<1x!tpu.dma_semaphore, #tpu.memory_space<semaphore_mem>>
      %dma_wait3A_1118 = tpu.memref_squeeze %dma_wait3A_1117 : memref<1x!tpu.dma_semaphore, #tpu.memory_space<semaphore_mem>> -> memref<!tpu.dma_semaphore, #tpu.memory_space<semaphore_mem>>
      %dma_wait3A_1119 = arith.constant 0 : i32
      %dma_wait3A_1120 = arith.constant 0 : i32
      %dma_wait3A_1121 = tpu.memref_slice %arg7[%dma_wait3A_1108, %dma_wait3A_1119, %dma_wait3A_1120] : memref<8x64x128xf32, #tpu.memory_space<vmem>> -> memref<1x64x128xf32, #tpu.memory_space<vmem>>
      %dma_wait3A_1122 = tpu.memref_squeeze %dma_wait3A_1121 : memref<1x64x128xf32, #tpu.memory_space<vmem>> -> memref<64x128xf32, #tpu.memory_space<vmem>>
      %dma_wait3A_1123 = arith.constant 0 : i32
      %dma_wait3A_1124 = arith.constant 0 : i32
      %dma_wait3A_1125 = tpu.memref_slice %arg3[%dma_wait3A_1123, %dma_wait3A_1124] : memref<64x1000000xf32, #tpu.memory_space<hbm>> -> memref<64x128xf32, #tpu.memory_space<hbm>>
      tpu.wait_dma2 semaphore(%dma_wait3A_1118 : memref<!tpu.dma_semaphore, #tpu.memory_space<semaphore_mem>>) src(%dma_wait3A_1125 : memref<64x128xf32, #tpu.memory_space<hbm>>) dst(%dma_wait3A_1122 : memref<64x128xf32, #tpu.memory_space<vmem>>)
      %broadcast_in_dim3A_1126 = arith.constant 6 : i32
      %broadcast_in_dim3A_1127 = vector.broadcast %broadcast_in_dim3A_1126 : i32 to vector<16xi32>
      %broadcast_in_dim3A_1128 = vector.broadcast %sub3A_1107 : i32 to vector<16xi32>
      %gather3A_1129 = tpu.vector_load_idx %arg7[%broadcast_in_dim3A_1127, %add3A_13, %gather3A_1101] : memref<8x64x128xf32, #tpu.memory_space<vmem>>[vector<16xi32>, vector<16xi32>, vector<16xi32>], vector<16xf32>,
      %gather3A_1130 = tpu.vector_load_idx %arg9[%add3A_13, %broadcast_in_dim3A_1128] : memref<64x256xf32, #tpu.memory_space<vmem>>[vector<16xi32>, vector<16xi32>], vector<16xf32>,
      %add3A_1131 = arith.addf %gather3A_1129, %gather3A_1130 : vector<16xf32>
      tpu.vector_store_idx %arg8[%add3A_13, %broadcast_in_dim3A_1128], %add3A_1131 : memref<64x256xf32, #tpu.memory_space<vmem>>[vector<16xi32>, vector<16xi32>], vector<16xf32>,
      %gather3A_1132 = tpu.vector_load_idx %arg7[%broadcast_in_dim3A_1127, %add3A_17, %gather3A_1101] : memref<8x64x128xf32, #tpu.memory_space<vmem>>[vector<16xi32>, vector<16xi32>, vector<16xi32>], vector<16xf32>,
      %gather3A_1133 = tpu.vector_load_idx %arg9[%add3A_17, %broadcast_in_dim3A_1128] : memref<64x256xf32, #tpu.memory_space<vmem>>[vector<16xi32>, vector<16xi32>], vector<16xf32>,
      %add3A_1134 = arith.addf %gather3A_1132, %gather3A_1133 : vector<16xf32>
      tpu.vector_store_idx %arg8[%add3A_17, %broadcast_in_dim3A_1128], %add3A_1134 : memref<64x256xf32, #tpu.memory_space<vmem>>[vector<16xi32>, vector<16xi32>], vector<16xf32>,
      %gather3A_1135 = tpu.vector_load_idx %arg7[%broadcast_in_dim3A_1127, %add3A_21, %gather3A_1101] : memref<8x64x128xf32, #tpu.memory_space<vmem>>[vector<16xi32>, vector<16xi32>, vector<16xi32>], vector<16xf32>,
      %gather3A_1136 = tpu.vector_load_idx %arg9[%add3A_21, %broadcast_in_dim3A_1128] : memref<64x256xf32, #tpu.memory_space<vmem>>[vector<16xi32>, vector<16xi32>], vector<16xf32>,
      %add3A_1137 = arith.addf %gather3A_1135, %gather3A_1136 : vector<16xf32>
      tpu.vector_store_idx %arg8[%add3A_21, %broadcast_in_dim3A_1128], %add3A_1137 : memref<64x256xf32, #tpu.memory_space<vmem>>[vector<16xi32>, vector<16xi32>], vector<16xf32>,
      %gather3A_1138 = tpu.vector_load_idx %arg7[%broadcast_in_dim3A_1127, %add3A_25, %gather3A_1101] : memref<8x64x128xf32, #tpu.memory_space<vmem>>[vector<16xi32>, vector<16xi32>, vector<16xi32>], vector<16xf32>,
      %gather3A_1139 = tpu.vector_load_idx %arg9[%add3A_25, %broadcast_in_dim3A_1128] : memref<64x256xf32, #tpu.memory_space<vmem>>[vector<16xi32>, vector<16xi32>], vector<16xf32>,
      %add3A_1140 = arith.addf %gather3A_1138, %gather3A_1139 : vector<16xf32>
      tpu.vector_store_idx %arg8[%add3A_25, %broadcast_in_dim3A_1128], %add3A_1140 : memref<64x256xf32, #tpu.memory_space<vmem>>[vector<16xi32>, vector<16xi32>], vector<16xf32>,
      %shift_right_logical3A_1141 = arith.constant 7 : i32
      %shift_right_logical3A_1142 = arith.shrui %squeeze3A_452, %shift_right_logical3A_1141 : i32
      %mul3A_1143 = arith.constant 128 : i32
      %mul3A_1144 = arith.muli %shift_right_logical3A_1142, %mul3A_1143 : i32
      %multiple_of3A_1145 = tpu.assume_multiple %mul3A_1144, 128 : i32
      %dma_start3A_1146 = arith.constant 6 : i32
      %dma_start3A_1147 = arith.constant 6 : i32
      %dma_start3A_1148 = arith.constant 0 : i32
      %dma_start3A_1149 = arith.constant 0 : i32
      %dma_start3A_1150 = tpu.memref_slice %arg7[%dma_start3A_1146, %dma_start3A_1148, %dma_start3A_1149] : memref<8x64x128xf32, #tpu.memory_space<vmem>> -> memref<1x64x128xf32, #tpu.memory_space<vmem>>
      %dma_start3A_1151 = tpu.memref_squeeze %dma_start3A_1150 : memref<1x64x128xf32, #tpu.memory_space<vmem>> -> memref<64x128xf32, #tpu.memory_space<vmem>>
      %dma_start3A_1152 = arith.constant 0 : i32
      %dma_start3A_1153 = tpu.memref_slice %arg3[%dma_start3A_1152, %multiple_of3A_1145] : memref<64x1000000xf32, #tpu.memory_space<hbm>> -> memref<64x128xf32, #tpu.memory_space<hbm>>
      %dma_start3A_1154 = tpu.memref_slice %arg10[%dma_start3A_1147] : memref<8x!tpu.dma_semaphore, #tpu.memory_space<semaphore_mem>> -> memref<1x!tpu.dma_semaphore, #tpu.memory_space<semaphore_mem>>
      %dma_start3A_1155 = tpu.memref_squeeze %dma_start3A_1154 : memref<1x!tpu.dma_semaphore, #tpu.memory_space<semaphore_mem>> -> memref<!tpu.dma_semaphore, #tpu.memory_space<semaphore_mem>>
      %dma_start3A_1156 = arith.constant 0 : i32
      %dma_start3A_1157 = arith.constant 0 : i32
      %dma_start3A_1158 = tpu.memref_slice %arg7[%dma_start3A_1146, %dma_start3A_1156, %dma_start3A_1157] : memref<8x64x128xf32, #tpu.memory_space<vmem>> -> memref<1x64x128xf32, #tpu.memory_space<vmem>>
      %dma_start3A_1159 = tpu.memref_squeeze %dma_start3A_1158 : memref<1x64x128xf32, #tpu.memory_space<vmem>> -> memref<64x128xf32, #tpu.memory_space<vmem>>
      %dma_start3A_1160 = arith.constant 0 : i32
      %dma_start3A_1161 = tpu.memref_slice %arg3[%dma_start3A_1160, %multiple_of3A_1145] : memref<64x1000000xf32, #tpu.memory_space<hbm>> -> memref<64x128xf32, #tpu.memory_space<hbm>>
      tpu.enqueue_dma source(%dma_start3A_1161 : memref<64x128xf32, #tpu.memory_space<hbm>>) target(%dma_start3A_1159 : memref<64x128xf32, #tpu.memory_space<vmem>>) target_semaphore(%dma_start3A_1155 : memref<!tpu.dma_semaphore, #tpu.memory_space<semaphore_mem>>)
      %broadcast_in_dim3A_1162 = arith.constant 7 : i32
      %broadcast_in_dim3A_1163 = vector.broadcast %broadcast_in_dim3A_1162 : i32 to vector<16xi32>
      %lt3A_1164 = arith.constant 0 : i32
      %lt3A_1165 = vector.broadcast %lt3A_1164 : i32 to vector<16xi32>
      %lt3A_1166 = arith.cmpi slt, %broadcast_in_dim3A_1163, %lt3A_1165 : vector<16xi32>
      %add3A_1167 = arith.constant 16 : i32
      %add3A_1168 = vector.broadcast %add3A_1167 : i32 to vector<16xi32>
      %add3A_1169 = arith.addi %broadcast_in_dim3A_1163, %add3A_1168 : vector<16xi32>
      %select_n3A_1170 = arith.select %lt3A_1166, %add3A_1169, %broadcast_in_dim3A_1163 : vector<16xi1>, vector<16xi32>
      %broadcast_in_dim3A_1171 = vector.shape_cast %select_n3A_1170 : vector<16xi32> to vector<16x1xi32>
      %gather3A_1172 = vector.shape_cast %broadcast_in_dim3A_1171 : vector<16x1xi32> to vector<16xi32>
      %gather3A_1173 = tpu.dynamic_gather %rem3A_421[%gather3A_1172] in [0] : vector<16xi32>, vector<16xi32> -> vector<16xi32>
      %mul3A_1174 = arith.constant 16 : i32
      %mul3A_1175 = arith.muli %scan3A_403, %mul3A_1174 : i32
      %add3A_1176 = arith.constant 15 : i32
      %add3A_1177 = arith.addi %mul3A_1175, %add3A_1176 : i32
      %sub3A_1178 = arith.constant 8 : i32
      %sub3A_1179 = arith.subi %add3A_1177, %sub3A_1178 : i32
      %dma_wait3A_1180 = arith.constant 7 : i32
      %dma_wait3A_1181 = arith.constant 7 : i32
      %dma_wait3A_1182 = arith.constant 0 : i32
      %dma_wait3A_1183 = arith.constant 0 : i32
      %dma_wait3A_1184 = tpu.memref_slice %arg7[%dma_wait3A_1180, %dma_wait3A_1182, %dma_wait3A_1183] : memref<8x64x128xf32, #tpu.memory_space<vmem>> -> memref<1x64x128xf32, #tpu.memory_space<vmem>>
      %dma_wait3A_1185 = tpu.memref_squeeze %dma_wait3A_1184 : memref<1x64x128xf32, #tpu.memory_space<vmem>> -> memref<64x128xf32, #tpu.memory_space<vmem>>
      %dma_wait3A_1186 = arith.constant 0 : i32
      %dma_wait3A_1187 = arith.constant 0 : i32
      %dma_wait3A_1188 = tpu.memref_slice %arg3[%dma_wait3A_1186, %dma_wait3A_1187] : memref<64x1000000xf32, #tpu.memory_space<hbm>> -> memref<64x128xf32, #tpu.memory_space<hbm>>
      %dma_wait3A_1189 = tpu.memref_slice %arg10[%dma_wait3A_1181] : memref<8x!tpu.dma_semaphore, #tpu.memory_space<semaphore_mem>> -> memref<1x!tpu.dma_semaphore, #tpu.memory_space<semaphore_mem>>
      %dma_wait3A_1190 = tpu.memref_squeeze %dma_wait3A_1189 : memref<1x!tpu.dma_semaphore, #tpu.memory_space<semaphore_mem>> -> memref<!tpu.dma_semaphore, #tpu.memory_space<semaphore_mem>>
      %dma_wait3A_1191 = arith.constant 0 : i32
      %dma_wait3A_1192 = arith.constant 0 : i32
      %dma_wait3A_1193 = tpu.memref_slice %arg7[%dma_wait3A_1180, %dma_wait3A_1191, %dma_wait3A_1192] : memref<8x64x128xf32, #tpu.memory_space<vmem>> -> memref<1x64x128xf32, #tpu.memory_space<vmem>>
      %dma_wait3A_1194 = tpu.memref_squeeze %dma_wait3A_1193 : memref<1x64x128xf32, #tpu.memory_space<vmem>> -> memref<64x128xf32, #tpu.memory_space<vmem>>
      %dma_wait3A_1195 = arith.constant 0 : i32
      %dma_wait3A_1196 = arith.constant 0 : i32
      %dma_wait3A_1197 = tpu.memref_slice %arg3[%dma_wait3A_1195, %dma_wait3A_1196] : memref<64x1000000xf32, #tpu.memory_space<hbm>> -> memref<64x128xf32, #tpu.memory_space<hbm>>
      tpu.wait_dma2 semaphore(%dma_wait3A_1190 : memref<!tpu.dma_semaphore, #tpu.memory_space<semaphore_mem>>) src(%dma_wait3A_1197 : memref<64x128xf32, #tpu.memory_space<hbm>>) dst(%dma_wait3A_1194 : memref<64x128xf32, #tpu.memory_space<vmem>>)
      %broadcast_in_dim3A_1198 = arith.constant 7 : i32
      %broadcast_in_dim3A_1199 = vector.broadcast %broadcast_in_dim3A_1198 : i32 to vector<16xi32>
      %broadcast_in_dim3A_1200 = vector.broadcast %sub3A_1179 : i32 to vector<16xi32>
      %gather3A_1201 = tpu.vector_load_idx %arg7[%broadcast_in_dim3A_1199, %add3A_13, %gather3A_1173] : memref<8x64x128xf32, #tpu.memory_space<vmem>>[vector<16xi32>, vector<16xi32>, vector<16xi32>], vector<16xf32>,
      %gather3A_1202 = tpu.vector_load_idx %arg9[%add3A_13, %broadcast_in_dim3A_1200] : memref<64x256xf32, #tpu.memory_space<vmem>>[vector<16xi32>, vector<16xi32>], vector<16xf32>,
      %add3A_1203 = arith.addf %gather3A_1201, %gather3A_1202 : vector<16xf32>
      tpu.vector_store_idx %arg8[%add3A_13, %broadcast_in_dim3A_1200], %add3A_1203 : memref<64x256xf32, #tpu.memory_space<vmem>>[vector<16xi32>, vector<16xi32>], vector<16xf32>,
      %gather3A_1204 = tpu.vector_load_idx %arg7[%broadcast_in_dim3A_1199, %add3A_17, %gather3A_1173] : memref<8x64x128xf32, #tpu.memory_space<vmem>>[vector<16xi32>, vector<16xi32>, vector<16xi32>], vector<16xf32>,
      %gather3A_1205 = tpu.vector_load_idx %arg9[%add3A_17, %broadcast_in_dim3A_1200] : memref<64x256xf32, #tpu.memory_space<vmem>>[vector<16xi32>, vector<16xi32>], vector<16xf32>,
      %add3A_1206 = arith.addf %gather3A_1204, %gather3A_1205 : vector<16xf32>
      tpu.vector_store_idx %arg8[%add3A_17, %broadcast_in_dim3A_1200], %add3A_1206 : memref<64x256xf32, #tpu.memory_space<vmem>>[vector<16xi32>, vector<16xi32>], vector<16xf32>,
      %gather3A_1207 = tpu.vector_load_idx %arg7[%broadcast_in_dim3A_1199, %add3A_21, %gather3A_1173] : memref<8x64x128xf32, #tpu.memory_space<vmem>>[vector<16xi32>, vector<16xi32>, vector<16xi32>], vector<16xf32>,
      %gather3A_1208 = tpu.vector_load_idx %arg9[%add3A_21, %broadcast_in_dim3A_1200] : memref<64x256xf32, #tpu.memory_space<vmem>>[vector<16xi32>, vector<16xi32>], vector<16xf32>,
      %add3A_1209 = arith.addf %gather3A_1207, %gather3A_1208 : vector<16xf32>
      tpu.vector_store_idx %arg8[%add3A_21, %broadcast_in_dim3A_1200], %add3A_1209 : memref<64x256xf32, #tpu.memory_space<vmem>>[vector<16xi32>, vector<16xi32>], vector<16xf32>,
      %gather3A_1210 = tpu.vector_load_idx %arg7[%broadcast_in_dim3A_1199, %add3A_25, %gather3A_1173] : memref<8x64x128xf32, #tpu.memory_space<vmem>>[vector<16xi32>, vector<16xi32>, vector<16xi32>], vector<16xf32>,
      %gather3A_1211 = tpu.vector_load_idx %arg9[%add3A_25, %broadcast_in_dim3A_1200] : memref<64x256xf32, #tpu.memory_space<vmem>>[vector<16xi32>, vector<16xi32>], vector<16xf32>,
      %add3A_1212 = arith.addf %gather3A_1210, %gather3A_1211 : vector<16xf32>
      tpu.vector_store_idx %arg8[%add3A_25, %broadcast_in_dim3A_1200], %add3A_1212 : memref<64x256xf32, #tpu.memory_space<vmem>>[vector<16xi32>, vector<16xi32>], vector<16xf32>,
      %shift_right_logical3A_1213 = arith.constant 7 : i32
      %shift_right_logical3A_1214 = arith.shrui %squeeze3A_454, %shift_right_logical3A_1213 : i32
      %mul3A_1215 = arith.constant 128 : i32
      %mul3A_1216 = arith.muli %shift_right_logical3A_1214, %mul3A_1215 : i32
      %multiple_of3A_1217 = tpu.assume_multiple %mul3A_1216, 128 : i32
      %dma_start3A_1218 = arith.constant 7 : i32
      %dma_start3A_1219 = arith.constant 7 : i32
      %dma_start3A_1220 = arith.constant 0 : i32
      %dma_start3A_1221 = arith.constant 0 : i32
      %dma_start3A_1222 = tpu.memref_slice %arg7[%dma_start3A_1218, %dma_start3A_1220, %dma_start3A_1221] : memref<8x64x128xf32, #tpu.memory_space<vmem>> -> memref<1x64x128xf32, #tpu.memory_space<vmem>>
      %dma_start3A_1223 = tpu.memref_squeeze %dma_start3A_1222 : memref<1x64x128xf32, #tpu.memory_space<vmem>> -> memref<64x128xf32, #tpu.memory_space<vmem>>
      %dma_start3A_1224 = arith.constant 0 : i32
      %dma_start3A_1225 = tpu.memref_slice %arg3[%dma_start3A_1224, %multiple_of3A_1217] : memref<64x1000000xf32, #tpu.memory_space<hbm>> -> memref<64x128xf32, #tpu.memory_space<hbm>>
      %dma_start3A_1226 = tpu.memref_slice %arg10[%dma_start3A_1219] : memref<8x!tpu.dma_semaphore, #tpu.memory_space<semaphore_mem>> -> memref<1x!tpu.dma_semaphore, #tpu.memory_space<semaphore_mem>>
      %dma_start3A_1227 = tpu.memref_squeeze %dma_start3A_1226 : memref<1x!tpu.dma_semaphore, #tpu.memory_space<semaphore_mem>> -> memref<!tpu.dma_semaphore, #tpu.memory_space<semaphore_mem>>
      %dma_start3A_1228 = arith.constant 0 : i32
      %dma_start3A_1229 = arith.constant 0 : i32
      %dma_start3A_1230 = tpu.memref_slice %arg7[%dma_start3A_1218, %dma_start3A_1228, %dma_start3A_1229] : memref<8x64x128xf32, #tpu.memory_space<vmem>> -> memref<1x64x128xf32, #tpu.memory_space<vmem>>
      %dma_start3A_1231 = tpu.memref_squeeze %dma_start3A_1230 : memref<1x64x128xf32, #tpu.memory_space<vmem>> -> memref<64x128xf32, #tpu.memory_space<vmem>>
      %dma_start3A_1232 = arith.constant 0 : i32
      %dma_start3A_1233 = tpu.memref_slice %arg3[%dma_start3A_1232, %multiple_of3A_1217] : memref<64x1000000xf32, #tpu.memory_space<hbm>> -> memref<64x128xf32, #tpu.memory_space<hbm>>
      tpu.enqueue_dma source(%dma_start3A_1233 : memref<64x128xf32, #tpu.memory_space<hbm>>) target(%dma_start3A_1231 : memref<64x128xf32, #tpu.memory_space<vmem>>) target_semaphore(%dma_start3A_1227 : memref<!tpu.dma_semaphore, #tpu.memory_space<semaphore_mem>>)
    }
    %scan3A_30 = arith.constant 16 : i32
    %add3A_31 = arith.constant 256 : i32
    %add3A_32 = arith.addi %rem3A_4, %add3A_31 : i32
    %sub3A = arith.constant 16 : i32
    %sub3A_33 = arith.subi %add3A_32, %sub3A : i32
    %get3A = arith.index_cast %div3A_3 : i32 to index
    %get3A_34 = arith.index_cast %sub3A_33 : i32 to index
    %get3A_35 = tpu.vector_load %arg6[%get3A, %get3A_34] {strides = array<i32>} : memref<4x2048xi32, #tpu.memory_space<vmem>>, vector<16xi32>,
    %rem3A_36 = arith.constant 128 : i32
    %rem3A_37 = vector.broadcast %rem3A_36 : i32 to vector<16xi32>
    %rem3A_38 = arith.remsi %get3A_35, %rem3A_37 : vector<16xi32>
    %broadcast_in_dim3A = arith.constant 8 : i32
    %broadcast_in_dim3A_39 = vector.broadcast %broadcast_in_dim3A : i32 to vector<16xi32>
    %lt3A = arith.constant 0 : i32
    %lt3A_40 = vector.broadcast %lt3A : i32 to vector<16xi32>
    %lt3A_41 = arith.cmpi slt, %broadcast_in_dim3A_39, %lt3A_40 : vector<16xi32>
    %add3A_42 = arith.constant 16 : i32
    %add3A_43 = vector.broadcast %add3A_42 : i32 to vector<16xi32>
    %add3A_44 = arith.addi %broadcast_in_dim3A_39, %add3A_43 : vector<16xi32>
    %select_n3A = arith.select %lt3A_41, %add3A_44, %broadcast_in_dim3A_39 : vector<16xi1>, vector<16xi32>
    %broadcast_in_dim3A_45 = vector.shape_cast %select_n3A : vector<16xi32> to vector<16x1xi32>
    %gather3A = vector.shape_cast %broadcast_in_dim3A_45 : vector<16x1xi32> to vector<16xi32>
    %gather3A_46 = tpu.dynamic_gather %rem3A_38[%gather3A] in [0] : vector<16xi32>, vector<16xi32> -> vector<16xi32>
    %dma_wait3A_47 = arith.constant 0 : i32
    %dma_wait3A_48 = arith.constant 0 : i32
    %dma_wait3A_49 = arith.constant 0 : i32
    %dma_wait3A_50 = arith.constant 0 : i32
    %dma_wait3A_51 = tpu.memref_slice %arg7[%dma_wait3A_47, %dma_wait3A_49, %dma_wait3A_50] : memref<8x64x128xf32, #tpu.memory_space<vmem>> -> memref<1x64x128xf32, #tpu.memory_space<vmem>>
    %dma_wait3A_52 = tpu.memref_squeeze %dma_wait3A_51 : memref<1x64x128xf32, #tpu.memory_space<vmem>> -> memref<64x128xf32, #tpu.memory_space<vmem>>
    %dma_wait3A_53 = arith.constant 0 : i32
    %dma_wait3A_54 = arith.constant 0 : i32
    %dma_wait3A_55 = tpu.memref_slice %arg3[%dma_wait3A_53, %dma_wait3A_54] : memref<64x1000000xf32, #tpu.memory_space<hbm>> -> memref<64x128xf32, #tpu.memory_space<hbm>>
    %dma_wait3A_56 = tpu.memref_slice %arg10[%dma_wait3A_48] : memref<8x!tpu.dma_semaphore, #tpu.memory_space<semaphore_mem>> -> memref<1x!tpu.dma_semaphore, #tpu.memory_space<semaphore_mem>>
    %dma_wait3A_57 = tpu.memref_squeeze %dma_wait3A_56 : memref<1x!tpu.dma_semaphore, #tpu.memory_space<semaphore_mem>> -> memref<!tpu.dma_semaphore, #tpu.memory_space<semaphore_mem>>
    %dma_wait3A_58 = arith.constant 0 : i32
    %dma_wait3A_59 = arith.constant 0 : i32
    %dma_wait3A_60 = tpu.memref_slice %arg7[%dma_wait3A_47, %dma_wait3A_58, %dma_wait3A_59] : memref<8x64x128xf32, #tpu.memory_space<vmem>> -> memref<1x64x128xf32, #tpu.memory_space<vmem>>
    %dma_wait3A_61 = tpu.memref_squeeze %dma_wait3A_60 : memref<1x64x128xf32, #tpu.memory_space<vmem>> -> memref<64x128xf32, #tpu.memory_space<vmem>>
    %dma_wait3A_62 = arith.constant 0 : i32
    %dma_wait3A_63 = arith.constant 0 : i32
    %dma_wait3A_64 = tpu.memref_slice %arg3[%dma_wait3A_62, %dma_wait3A_63] : memref<64x1000000xf32, #tpu.memory_space<hbm>> -> memref<64x128xf32, #tpu.memory_space<hbm>>
    tpu.wait_dma2 semaphore(%dma_wait3A_57 : memref<!tpu.dma_semaphore, #tpu.memory_space<semaphore_mem>>) src(%dma_wait3A_64 : memref<64x128xf32, #tpu.memory_space<hbm>>) dst(%dma_wait3A_61 : memref<64x128xf32, #tpu.memory_space<vmem>>)
    %broadcast_in_dim3A_65 = arith.constant 0 : i32
    %broadcast_in_dim3A_66 = vector.broadcast %broadcast_in_dim3A_65 : i32 to vector<16xi32>
    %broadcast_in_dim3A_67 = arith.constant 248 : i32
    %broadcast_in_dim3A_68 = vector.broadcast %broadcast_in_dim3A_67 : i32 to vector<16xi32>
    %gather3A_69 = tpu.vector_load_idx %arg7[%broadcast_in_dim3A_66, %add3A_13, %gather3A_46] : memref<8x64x128xf32, #tpu.memory_space<vmem>>[vector<16xi32>, vector<16xi32>, vector<16xi32>], vector<16xf32>,
    %gather3A_70 = tpu.vector_load_idx %arg9[%add3A_13, %broadcast_in_dim3A_68] : memref<64x256xf32, #tpu.memory_space<vmem>>[vector<16xi32>, vector<16xi32>], vector<16xf32>,
    %add3A_71 = arith.addf %gather3A_69, %gather3A_70 : vector<16xf32>
    tpu.vector_store_idx %arg8[%add3A_13, %broadcast_in_dim3A_68], %add3A_71 : memref<64x256xf32, #tpu.memory_space<vmem>>[vector<16xi32>, vector<16xi32>], vector<16xf32>,
    %gather3A_72 = tpu.vector_load_idx %arg7[%broadcast_in_dim3A_66, %add3A_17, %gather3A_46] : memref<8x64x128xf32, #tpu.memory_space<vmem>>[vector<16xi32>, vector<16xi32>, vector<16xi32>], vector<16xf32>,
    %gather3A_73 = tpu.vector_load_idx %arg9[%add3A_17, %broadcast_in_dim3A_68] : memref<64x256xf32, #tpu.memory_space<vmem>>[vector<16xi32>, vector<16xi32>], vector<16xf32>,
    %add3A_74 = arith.addf %gather3A_72, %gather3A_73 : vector<16xf32>
    tpu.vector_store_idx %arg8[%add3A_17, %broadcast_in_dim3A_68], %add3A_74 : memref<64x256xf32, #tpu.memory_space<vmem>>[vector<16xi32>, vector<16xi32>], vector<16xf32>,
    %gather3A_75 = tpu.vector_load_idx %arg7[%broadcast_in_dim3A_66, %add3A_21, %gather3A_46] : memref<8x64x128xf32, #tpu.memory_space<vmem>>[vector<16xi32>, vector<16xi32>, vector<16xi32>], vector<16xf32>,
    %gather3A_76 = tpu.vector_load_idx %arg9[%add3A_21, %broadcast_in_dim3A_68] : memref<64x256xf32, #tpu.memory_space<vmem>>[vector<16xi32>, vector<16xi32>], vector<16xf32>,
    %add3A_77 = arith.addf %gather3A_75, %gather3A_76 : vector<16xf32>
    tpu.vector_store_idx %arg8[%add3A_21, %broadcast_in_dim3A_68], %add3A_77 : memref<64x256xf32, #tpu.memory_space<vmem>>[vector<16xi32>, vector<16xi32>], vector<16xf32>,
    %gather3A_78 = tpu.vector_load_idx %arg7[%broadcast_in_dim3A_66, %add3A_25, %gather3A_46] : memref<8x64x128xf32, #tpu.memory_space<vmem>>[vector<16xi32>, vector<16xi32>, vector<16xi32>], vector<16xf32>,
    %gather3A_79 = tpu.vector_load_idx %arg9[%add3A_25, %broadcast_in_dim3A_68] : memref<64x256xf32, #tpu.memory_space<vmem>>[vector<16xi32>, vector<16xi32>], vector<16xf32>,
    %add3A_80 = arith.addf %gather3A_78, %gather3A_79 : vector<16xf32>
    tpu.vector_store_idx %arg8[%add3A_25, %broadcast_in_dim3A_68], %add3A_80 : memref<64x256xf32, #tpu.memory_space<vmem>>[vector<16xi32>, vector<16xi32>], vector<16xf32>,
    %broadcast_in_dim3A_81 = arith.constant 9 : i32
    %broadcast_in_dim3A_82 = vector.broadcast %broadcast_in_dim3A_81 : i32 to vector<16xi32>
    %lt3A_83 = arith.constant 0 : i32
    %lt3A_84 = vector.broadcast %lt3A_83 : i32 to vector<16xi32>
    %lt3A_85 = arith.cmpi slt, %broadcast_in_dim3A_82, %lt3A_84 : vector<16xi32>
    %add3A_86 = arith.constant 16 : i32
    %add3A_87 = vector.broadcast %add3A_86 : i32 to vector<16xi32>
    %add3A_88 = arith.addi %broadcast_in_dim3A_82, %add3A_87 : vector<16xi32>
    %select_n3A_89 = arith.select %lt3A_85, %add3A_88, %broadcast_in_dim3A_82 : vector<16xi1>, vector<16xi32>
    %broadcast_in_dim3A_90 = vector.shape_cast %select_n3A_89 : vector<16xi32> to vector<16x1xi32>
    %gather3A_91 = vector.shape_cast %broadcast_in_dim3A_90 : vector<16x1xi32> to vector<16xi32>
    %gather3A_92 = tpu.dynamic_gather %rem3A_38[%gather3A_91] in [0] : vector<16xi32>, vector<16xi32> -> vector<16xi32>
    %dma_wait3A_93 = arith.constant 1 : i32
    %dma_wait3A_94 = arith.constant 1 : i32
    %dma_wait3A_95 = arith.constant 0 : i32
    %dma_wait3A_96 = arith.constant 0 : i32
    %dma_wait3A_97 = tpu.memref_slice %arg7[%dma_wait3A_93, %dma_wait3A_95, %dma_wait3A_96] : memref<8x64x128xf32, #tpu.memory_space<vmem>> -> memref<1x64x128xf32, #tpu.memory_space<vmem>>
    %dma_wait3A_98 = tpu.memref_squeeze %dma_wait3A_97 : memref<1x64x128xf32, #tpu.memory_space<vmem>> -> memref<64x128xf32, #tpu.memory_space<vmem>>
    %dma_wait3A_99 = arith.constant 0 : i32
    %dma_wait3A_100 = arith.constant 0 : i32
    %dma_wait3A_101 = tpu.memref_slice %arg3[%dma_wait3A_99, %dma_wait3A_100] : memref<64x1000000xf32, #tpu.memory_space<hbm>> -> memref<64x128xf32, #tpu.memory_space<hbm>>
    %dma_wait3A_102 = tpu.memref_slice %arg10[%dma_wait3A_94] : memref<8x!tpu.dma_semaphore, #tpu.memory_space<semaphore_mem>> -> memref<1x!tpu.dma_semaphore, #tpu.memory_space<semaphore_mem>>
    %dma_wait3A_103 = tpu.memref_squeeze %dma_wait3A_102 : memref<1x!tpu.dma_semaphore, #tpu.memory_space<semaphore_mem>> -> memref<!tpu.dma_semaphore, #tpu.memory_space<semaphore_mem>>
    %dma_wait3A_104 = arith.constant 0 : i32
    %dma_wait3A_105 = arith.constant 0 : i32
    %dma_wait3A_106 = tpu.memref_slice %arg7[%dma_wait3A_93, %dma_wait3A_104, %dma_wait3A_105] : memref<8x64x128xf32, #tpu.memory_space<vmem>> -> memref<1x64x128xf32, #tpu.memory_space<vmem>>
    %dma_wait3A_107 = tpu.memref_squeeze %dma_wait3A_106 : memref<1x64x128xf32, #tpu.memory_space<vmem>> -> memref<64x128xf32, #tpu.memory_space<vmem>>
    %dma_wait3A_108 = arith.constant 0 : i32
    %dma_wait3A_109 = arith.constant 0 : i32
    %dma_wait3A_110 = tpu.memref_slice %arg3[%dma_wait3A_108, %dma_wait3A_109] : memref<64x1000000xf32, #tpu.memory_space<hbm>> -> memref<64x128xf32, #tpu.memory_space<hbm>>
    tpu.wait_dma2 semaphore(%dma_wait3A_103 : memref<!tpu.dma_semaphore, #tpu.memory_space<semaphore_mem>>) src(%dma_wait3A_110 : memref<64x128xf32, #tpu.memory_space<hbm>>) dst(%dma_wait3A_107 : memref<64x128xf32, #tpu.memory_space<vmem>>)
    %broadcast_in_dim3A_111 = arith.constant 1 : i32
    %broadcast_in_dim3A_112 = vector.broadcast %broadcast_in_dim3A_111 : i32 to vector<16xi32>
    %broadcast_in_dim3A_113 = arith.constant 249 : i32
    %broadcast_in_dim3A_114 = vector.broadcast %broadcast_in_dim3A_113 : i32 to vector<16xi32>
    %gather3A_115 = tpu.vector_load_idx %arg7[%broadcast_in_dim3A_112, %add3A_13, %gather3A_92] : memref<8x64x128xf32, #tpu.memory_space<vmem>>[vector<16xi32>, vector<16xi32>, vector<16xi32>], vector<16xf32>,
    %gather3A_116 = tpu.vector_load_idx %arg9[%add3A_13, %broadcast_in_dim3A_114] : memref<64x256xf32, #tpu.memory_space<vmem>>[vector<16xi32>, vector<16xi32>], vector<16xf32>,
    %add3A_117 = arith.addf %gather3A_115, %gather3A_116 : vector<16xf32>
    tpu.vector_store_idx %arg8[%add3A_13, %broadcast_in_dim3A_114], %add3A_117 : memref<64x256xf32, #tpu.memory_space<vmem>>[vector<16xi32>, vector<16xi32>], vector<16xf32>,
    %gather3A_118 = tpu.vector_load_idx %arg7[%broadcast_in_dim3A_112, %add3A_17, %gather3A_92] : memref<8x64x128xf32, #tpu.memory_space<vmem>>[vector<16xi32>, vector<16xi32>, vector<16xi32>], vector<16xf32>,
    %gather3A_119 = tpu.vector_load_idx %arg9[%add3A_17, %broadcast_in_dim3A_114] : memref<64x256xf32, #tpu.memory_space<vmem>>[vector<16xi32>, vector<16xi32>], vector<16xf32>,
    %add3A_120 = arith.addf %gather3A_118, %gather3A_119 : vector<16xf32>
    tpu.vector_store_idx %arg8[%add3A_17, %broadcast_in_dim3A_114], %add3A_120 : memref<64x256xf32, #tpu.memory_space<vmem>>[vector<16xi32>, vector<16xi32>], vector<16xf32>,
    %gather3A_121 = tpu.vector_load_idx %arg7[%broadcast_in_dim3A_112, %add3A_21, %gather3A_92] : memref<8x64x128xf32, #tpu.memory_space<vmem>>[vector<16xi32>, vector<16xi32>, vector<16xi32>], vector<16xf32>,
    %gather3A_122 = tpu.vector_load_idx %arg9[%add3A_21, %broadcast_in_dim3A_114] : memref<64x256xf32, #tpu.memory_space<vmem>>[vector<16xi32>, vector<16xi32>], vector<16xf32>,
    %add3A_123 = arith.addf %gather3A_121, %gather3A_122 : vector<16xf32>
    tpu.vector_store_idx %arg8[%add3A_21, %broadcast_in_dim3A_114], %add3A_123 : memref<64x256xf32, #tpu.memory_space<vmem>>[vector<16xi32>, vector<16xi32>], vector<16xf32>,
    %gather3A_124 = tpu.vector_load_idx %arg7[%broadcast_in_dim3A_112, %add3A_25, %gather3A_92] : memref<8x64x128xf32, #tpu.memory_space<vmem>>[vector<16xi32>, vector<16xi32>, vector<16xi32>], vector<16xf32>,
    %gather3A_125 = tpu.vector_load_idx %arg9[%add3A_25, %broadcast_in_dim3A_114] : memref<64x256xf32, #tpu.memory_space<vmem>>[vector<16xi32>, vector<16xi32>], vector<16xf32>,
    %add3A_126 = arith.addf %gather3A_124, %gather3A_125 : vector<16xf32>
    tpu.vector_store_idx %arg8[%add3A_25, %broadcast_in_dim3A_114], %add3A_126 : memref<64x256xf32, #tpu.memory_space<vmem>>[vector<16xi32>, vector<16xi32>], vector<16xf32>,
    %broadcast_in_dim3A_127 = arith.constant 10 : i32
    %broadcast_in_dim3A_128 = vector.broadcast %broadcast_in_dim3A_127 : i32 to vector<16xi32>
    %lt3A_129 = arith.constant 0 : i32
    %lt3A_130 = vector.broadcast %lt3A_129 : i32 to vector<16xi32>
    %lt3A_131 = arith.cmpi slt, %broadcast_in_dim3A_128, %lt3A_130 : vector<16xi32>
    %add3A_132 = arith.constant 16 : i32
    %add3A_133 = vector.broadcast %add3A_132 : i32 to vector<16xi32>
    %add3A_134 = arith.addi %broadcast_in_dim3A_128, %add3A_133 : vector<16xi32>
    %select_n3A_135 = arith.select %lt3A_131, %add3A_134, %broadcast_in_dim3A_128 : vector<16xi1>, vector<16xi32>
    %broadcast_in_dim3A_136 = vector.shape_cast %select_n3A_135 : vector<16xi32> to vector<16x1xi32>
    %gather3A_137 = vector.shape_cast %broadcast_in_dim3A_136 : vector<16x1xi32> to vector<16xi32>
    %gather3A_138 = tpu.dynamic_gather %rem3A_38[%gather3A_137] in [0] : vector<16xi32>, vector<16xi32> -> vector<16xi32>
    %dma_wait3A_139 = arith.constant 2 : i32
    %dma_wait3A_140 = arith.constant 2 : i32
    %dma_wait3A_141 = arith.constant 0 : i32
    %dma_wait3A_142 = arith.constant 0 : i32
    %dma_wait3A_143 = tpu.memref_slice %arg7[%dma_wait3A_139, %dma_wait3A_141, %dma_wait3A_142] : memref<8x64x128xf32, #tpu.memory_space<vmem>> -> memref<1x64x128xf32, #tpu.memory_space<vmem>>
    %dma_wait3A_144 = tpu.memref_squeeze %dma_wait3A_143 : memref<1x64x128xf32, #tpu.memory_space<vmem>> -> memref<64x128xf32, #tpu.memory_space<vmem>>
    %dma_wait3A_145 = arith.constant 0 : i32
    %dma_wait3A_146 = arith.constant 0 : i32
    %dma_wait3A_147 = tpu.memref_slice %arg3[%dma_wait3A_145, %dma_wait3A_146] : memref<64x1000000xf32, #tpu.memory_space<hbm>> -> memref<64x128xf32, #tpu.memory_space<hbm>>
    %dma_wait3A_148 = tpu.memref_slice %arg10[%dma_wait3A_140] : memref<8x!tpu.dma_semaphore, #tpu.memory_space<semaphore_mem>> -> memref<1x!tpu.dma_semaphore, #tpu.memory_space<semaphore_mem>>
    %dma_wait3A_149 = tpu.memref_squeeze %dma_wait3A_148 : memref<1x!tpu.dma_semaphore, #tpu.memory_space<semaphore_mem>> -> memref<!tpu.dma_semaphore, #tpu.memory_space<semaphore_mem>>
    %dma_wait3A_150 = arith.constant 0 : i32
    %dma_wait3A_151 = arith.constant 0 : i32
    %dma_wait3A_152 = tpu.memref_slice %arg7[%dma_wait3A_139, %dma_wait3A_150, %dma_wait3A_151] : memref<8x64x128xf32, #tpu.memory_space<vmem>> -> memref<1x64x128xf32, #tpu.memory_space<vmem>>
    %dma_wait3A_153 = tpu.memref_squeeze %dma_wait3A_152 : memref<1x64x128xf32, #tpu.memory_space<vmem>> -> memref<64x128xf32, #tpu.memory_space<vmem>>
    %dma_wait3A_154 = arith.constant 0 : i32
    %dma_wait3A_155 = arith.constant 0 : i32
    %dma_wait3A_156 = tpu.memref_slice %arg3[%dma_wait3A_154, %dma_wait3A_155] : memref<64x1000000xf32, #tpu.memory_space<hbm>> -> memref<64x128xf32, #tpu.memory_space<hbm>>
    tpu.wait_dma2 semaphore(%dma_wait3A_149 : memref<!tpu.dma_semaphore, #tpu.memory_space<semaphore_mem>>) src(%dma_wait3A_156 : memref<64x128xf32, #tpu.memory_space<hbm>>) dst(%dma_wait3A_153 : memref<64x128xf32, #tpu.memory_space<vmem>>)
    %broadcast_in_dim3A_157 = arith.constant 2 : i32
    %broadcast_in_dim3A_158 = vector.broadcast %broadcast_in_dim3A_157 : i32 to vector<16xi32>
    %broadcast_in_dim3A_159 = arith.constant 250 : i32
    %broadcast_in_dim3A_160 = vector.broadcast %broadcast_in_dim3A_159 : i32 to vector<16xi32>
    %gather3A_161 = tpu.vector_load_idx %arg7[%broadcast_in_dim3A_158, %add3A_13, %gather3A_138] : memref<8x64x128xf32, #tpu.memory_space<vmem>>[vector<16xi32>, vector<16xi32>, vector<16xi32>], vector<16xf32>,
    %gather3A_162 = tpu.vector_load_idx %arg9[%add3A_13, %broadcast_in_dim3A_160] : memref<64x256xf32, #tpu.memory_space<vmem>>[vector<16xi32>, vector<16xi32>], vector<16xf32>,
    %add3A_163 = arith.addf %gather3A_161, %gather3A_162 : vector<16xf32>
    tpu.vector_store_idx %arg8[%add3A_13, %broadcast_in_dim3A_160], %add3A_163 : memref<64x256xf32, #tpu.memory_space<vmem>>[vector<16xi32>, vector<16xi32>], vector<16xf32>,
    %gather3A_164 = tpu.vector_load_idx %arg7[%broadcast_in_dim3A_158, %add3A_17, %gather3A_138] : memref<8x64x128xf32, #tpu.memory_space<vmem>>[vector<16xi32>, vector<16xi32>, vector<16xi32>], vector<16xf32>,
    %gather3A_165 = tpu.vector_load_idx %arg9[%add3A_17, %broadcast_in_dim3A_160] : memref<64x256xf32, #tpu.memory_space<vmem>>[vector<16xi32>, vector<16xi32>], vector<16xf32>,
    %add3A_166 = arith.addf %gather3A_164, %gather3A_165 : vector<16xf32>
    tpu.vector_store_idx %arg8[%add3A_17, %broadcast_in_dim3A_160], %add3A_166 : memref<64x256xf32, #tpu.memory_space<vmem>>[vector<16xi32>, vector<16xi32>], vector<16xf32>,
    %gather3A_167 = tpu.vector_load_idx %arg7[%broadcast_in_dim3A_158, %add3A_21, %gather3A_138] : memref<8x64x128xf32, #tpu.memory_space<vmem>>[vector<16xi32>, vector<16xi32>, vector<16xi32>], vector<16xf32>,
    %gather3A_168 = tpu.vector_load_idx %arg9[%add3A_21, %broadcast_in_dim3A_160] : memref<64x256xf32, #tpu.memory_space<vmem>>[vector<16xi32>, vector<16xi32>], vector<16xf32>,
    %add3A_169 = arith.addf %gather3A_167, %gather3A_168 : vector<16xf32>
    tpu.vector_store_idx %arg8[%add3A_21, %broadcast_in_dim3A_160], %add3A_169 : memref<64x256xf32, #tpu.memory_space<vmem>>[vector<16xi32>, vector<16xi32>], vector<16xf32>,
    %gather3A_170 = tpu.vector_load_idx %arg7[%broadcast_in_dim3A_158, %add3A_25, %gather3A_138] : memref<8x64x128xf32, #tpu.memory_space<vmem>>[vector<16xi32>, vector<16xi32>, vector<16xi32>], vector<16xf32>,
    %gather3A_171 = tpu.vector_load_idx %arg9[%add3A_25, %broadcast_in_dim3A_160] : memref<64x256xf32, #tpu.memory_space<vmem>>[vector<16xi32>, vector<16xi32>], vector<16xf32>,
    %add3A_172 = arith.addf %gather3A_170, %gather3A_171 : vector<16xf32>
    tpu.vector_store_idx %arg8[%add3A_25, %broadcast_in_dim3A_160], %add3A_172 : memref<64x256xf32, #tpu.memory_space<vmem>>[vector<16xi32>, vector<16xi32>], vector<16xf32>,
    %broadcast_in_dim3A_173 = arith.constant 11 : i32
    %broadcast_in_dim3A_174 = vector.broadcast %broadcast_in_dim3A_173 : i32 to vector<16xi32>
    %lt3A_175 = arith.constant 0 : i32
    %lt3A_176 = vector.broadcast %lt3A_175 : i32 to vector<16xi32>
    %lt3A_177 = arith.cmpi slt, %broadcast_in_dim3A_174, %lt3A_176 : vector<16xi32>
    %add3A_178 = arith.constant 16 : i32
    %add3A_179 = vector.broadcast %add3A_178 : i32 to vector<16xi32>
    %add3A_180 = arith.addi %broadcast_in_dim3A_174, %add3A_179 : vector<16xi32>
    %select_n3A_181 = arith.select %lt3A_177, %add3A_180, %broadcast_in_dim3A_174 : vector<16xi1>, vector<16xi32>
    %broadcast_in_dim3A_182 = vector.shape_cast %select_n3A_181 : vector<16xi32> to vector<16x1xi32>
    %gather3A_183 = vector.shape_cast %broadcast_in_dim3A_182 : vector<16x1xi32> to vector<16xi32>
    %gather3A_184 = tpu.dynamic_gather %rem3A_38[%gather3A_183] in [0] : vector<16xi32>, vector<16xi32> -> vector<16xi32>
    %dma_wait3A_185 = arith.constant 3 : i32
    %dma_wait3A_186 = arith.constant 3 : i32
    %dma_wait3A_187 = arith.constant 0 : i32
    %dma_wait3A_188 = arith.constant 0 : i32
    %dma_wait3A_189 = tpu.memref_slice %arg7[%dma_wait3A_185, %dma_wait3A_187, %dma_wait3A_188] : memref<8x64x128xf32, #tpu.memory_space<vmem>> -> memref<1x64x128xf32, #tpu.memory_space<vmem>>
    %dma_wait3A_190 = tpu.memref_squeeze %dma_wait3A_189 : memref<1x64x128xf32, #tpu.memory_space<vmem>> -> memref<64x128xf32, #tpu.memory_space<vmem>>
    %dma_wait3A_191 = arith.constant 0 : i32
    %dma_wait3A_192 = arith.constant 0 : i32
    %dma_wait3A_193 = tpu.memref_slice %arg3[%dma_wait3A_191, %dma_wait3A_192] : memref<64x1000000xf32, #tpu.memory_space<hbm>> -> memref<64x128xf32, #tpu.memory_space<hbm>>
    %dma_wait3A_194 = tpu.memref_slice %arg10[%dma_wait3A_186] : memref<8x!tpu.dma_semaphore, #tpu.memory_space<semaphore_mem>> -> memref<1x!tpu.dma_semaphore, #tpu.memory_space<semaphore_mem>>
    %dma_wait3A_195 = tpu.memref_squeeze %dma_wait3A_194 : memref<1x!tpu.dma_semaphore, #tpu.memory_space<semaphore_mem>> -> memref<!tpu.dma_semaphore, #tpu.memory_space<semaphore_mem>>
    %dma_wait3A_196 = arith.constant 0 : i32
    %dma_wait3A_197 = arith.constant 0 : i32
    %dma_wait3A_198 = tpu.memref_slice %arg7[%dma_wait3A_185, %dma_wait3A_196, %dma_wait3A_197] : memref<8x64x128xf32, #tpu.memory_space<vmem>> -> memref<1x64x128xf32, #tpu.memory_space<vmem>>
    %dma_wait3A_199 = tpu.memref_squeeze %dma_wait3A_198 : memref<1x64x128xf32, #tpu.memory_space<vmem>> -> memref<64x128xf32, #tpu.memory_space<vmem>>
    %dma_wait3A_200 = arith.constant 0 : i32
    %dma_wait3A_201 = arith.constant 0 : i32
    %dma_wait3A_202 = tpu.memref_slice %arg3[%dma_wait3A_200, %dma_wait3A_201] : memref<64x1000000xf32, #tpu.memory_space<hbm>> -> memref<64x128xf32, #tpu.memory_space<hbm>>
    tpu.wait_dma2 semaphore(%dma_wait3A_195 : memref<!tpu.dma_semaphore, #tpu.memory_space<semaphore_mem>>) src(%dma_wait3A_202 : memref<64x128xf32, #tpu.memory_space<hbm>>) dst(%dma_wait3A_199 : memref<64x128xf32, #tpu.memory_space<vmem>>)
    %broadcast_in_dim3A_203 = arith.constant 3 : i32
    %broadcast_in_dim3A_204 = vector.broadcast %broadcast_in_dim3A_203 : i32 to vector<16xi32>
    %broadcast_in_dim3A_205 = arith.constant 251 : i32
    %broadcast_in_dim3A_206 = vector.broadcast %broadcast_in_dim3A_205 : i32 to vector<16xi32>
    %gather3A_207 = tpu.vector_load_idx %arg7[%broadcast_in_dim3A_204, %add3A_13, %gather3A_184] : memref<8x64x128xf32, #tpu.memory_space<vmem>>[vector<16xi32>, vector<16xi32>, vector<16xi32>], vector<16xf32>,
    %gather3A_208 = tpu.vector_load_idx %arg9[%add3A_13, %broadcast_in_dim3A_206] : memref<64x256xf32, #tpu.memory_space<vmem>>[vector<16xi32>, vector<16xi32>], vector<16xf32>,
    %add3A_209 = arith.addf %gather3A_207, %gather3A_208 : vector<16xf32>
    tpu.vector_store_idx %arg8[%add3A_13, %broadcast_in_dim3A_206], %add3A_209 : memref<64x256xf32, #tpu.memory_space<vmem>>[vector<16xi32>, vector<16xi32>], vector<16xf32>,
    %gather3A_210 = tpu.vector_load_idx %arg7[%broadcast_in_dim3A_204, %add3A_17, %gather3A_184] : memref<8x64x128xf32, #tpu.memory_space<vmem>>[vector<16xi32>, vector<16xi32>, vector<16xi32>], vector<16xf32>,
    %gather3A_211 = tpu.vector_load_idx %arg9[%add3A_17, %broadcast_in_dim3A_206] : memref<64x256xf32, #tpu.memory_space<vmem>>[vector<16xi32>, vector<16xi32>], vector<16xf32>,
    %add3A_212 = arith.addf %gather3A_210, %gather3A_211 : vector<16xf32>
    tpu.vector_store_idx %arg8[%add3A_17, %broadcast_in_dim3A_206], %add3A_212 : memref<64x256xf32, #tpu.memory_space<vmem>>[vector<16xi32>, vector<16xi32>], vector<16xf32>,
    %gather3A_213 = tpu.vector_load_idx %arg7[%broadcast_in_dim3A_204, %add3A_21, %gather3A_184] : memref<8x64x128xf32, #tpu.memory_space<vmem>>[vector<16xi32>, vector<16xi32>, vector<16xi32>], vector<16xf32>,
    %gather3A_214 = tpu.vector_load_idx %arg9[%add3A_21, %broadcast_in_dim3A_206] : memref<64x256xf32, #tpu.memory_space<vmem>>[vector<16xi32>, vector<16xi32>], vector<16xf32>,
    %add3A_215 = arith.addf %gather3A_213, %gather3A_214 : vector<16xf32>
    tpu.vector_store_idx %arg8[%add3A_21, %broadcast_in_dim3A_206], %add3A_215 : memref<64x256xf32, #tpu.memory_space<vmem>>[vector<16xi32>, vector<16xi32>], vector<16xf32>,
    %gather3A_216 = tpu.vector_load_idx %arg7[%broadcast_in_dim3A_204, %add3A_25, %gather3A_184] : memref<8x64x128xf32, #tpu.memory_space<vmem>>[vector<16xi32>, vector<16xi32>, vector<16xi32>], vector<16xf32>,
    %gather3A_217 = tpu.vector_load_idx %arg9[%add3A_25, %broadcast_in_dim3A_206] : memref<64x256xf32, #tpu.memory_space<vmem>>[vector<16xi32>, vector<16xi32>], vector<16xf32>,
    %add3A_218 = arith.addf %gather3A_216, %gather3A_217 : vector<16xf32>
    tpu.vector_store_idx %arg8[%add3A_25, %broadcast_in_dim3A_206], %add3A_218 : memref<64x256xf32, #tpu.memory_space<vmem>>[vector<16xi32>, vector<16xi32>], vector<16xf32>,
    %broadcast_in_dim3A_219 = arith.constant 12 : i32
    %broadcast_in_dim3A_220 = vector.broadcast %broadcast_in_dim3A_219 : i32 to vector<16xi32>
    %lt3A_221 = arith.constant 0 : i32
    %lt3A_222 = vector.broadcast %lt3A_221 : i32 to vector<16xi32>
    %lt3A_223 = arith.cmpi slt, %broadcast_in_dim3A_220, %lt3A_222 : vector<16xi32>
    %add3A_224 = arith.constant 16 : i32
    %add3A_225 = vector.broadcast %add3A_224 : i32 to vector<16xi32>
    %add3A_226 = arith.addi %broadcast_in_dim3A_220, %add3A_225 : vector<16xi32>
    %select_n3A_227 = arith.select %lt3A_223, %add3A_226, %broadcast_in_dim3A_220 : vector<16xi1>, vector<16xi32>
    %broadcast_in_dim3A_228 = vector.shape_cast %select_n3A_227 : vector<16xi32> to vector<16x1xi32>
    %gather3A_229 = vector.shape_cast %broadcast_in_dim3A_228 : vector<16x1xi32> to vector<16xi32>
    %gather3A_230 = tpu.dynamic_gather %rem3A_38[%gather3A_229] in [0] : vector<16xi32>, vector<16xi32> -> vector<16xi32>
    %dma_wait3A_231 = arith.constant 4 : i32
    %dma_wait3A_232 = arith.constant 4 : i32
    %dma_wait3A_233 = arith.constant 0 : i32
    %dma_wait3A_234 = arith.constant 0 : i32
    %dma_wait3A_235 = tpu.memref_slice %arg7[%dma_wait3A_231, %dma_wait3A_233, %dma_wait3A_234] : memref<8x64x128xf32, #tpu.memory_space<vmem>> -> memref<1x64x128xf32, #tpu.memory_space<vmem>>
    %dma_wait3A_236 = tpu.memref_squeeze %dma_wait3A_235 : memref<1x64x128xf32, #tpu.memory_space<vmem>> -> memref<64x128xf32, #tpu.memory_space<vmem>>
    %dma_wait3A_237 = arith.constant 0 : i32
    %dma_wait3A_238 = arith.constant 0 : i32
    %dma_wait3A_239 = tpu.memref_slice %arg3[%dma_wait3A_237, %dma_wait3A_238] : memref<64x1000000xf32, #tpu.memory_space<hbm>> -> memref<64x128xf32, #tpu.memory_space<hbm>>
    %dma_wait3A_240 = tpu.memref_slice %arg10[%dma_wait3A_232] : memref<8x!tpu.dma_semaphore, #tpu.memory_space<semaphore_mem>> -> memref<1x!tpu.dma_semaphore, #tpu.memory_space<semaphore_mem>>
    %dma_wait3A_241 = tpu.memref_squeeze %dma_wait3A_240 : memref<1x!tpu.dma_semaphore, #tpu.memory_space<semaphore_mem>> -> memref<!tpu.dma_semaphore, #tpu.memory_space<semaphore_mem>>
    %dma_wait3A_242 = arith.constant 0 : i32
    %dma_wait3A_243 = arith.constant 0 : i32
    %dma_wait3A_244 = tpu.memref_slice %arg7[%dma_wait3A_231, %dma_wait3A_242, %dma_wait3A_243] : memref<8x64x128xf32, #tpu.memory_space<vmem>> -> memref<1x64x128xf32, #tpu.memory_space<vmem>>
    %dma_wait3A_245 = tpu.memref_squeeze %dma_wait3A_244 : memref<1x64x128xf32, #tpu.memory_space<vmem>> -> memref<64x128xf32, #tpu.memory_space<vmem>>
    %dma_wait3A_246 = arith.constant 0 : i32
    %dma_wait3A_247 = arith.constant 0 : i32
    %dma_wait3A_248 = tpu.memref_slice %arg3[%dma_wait3A_246, %dma_wait3A_247] : memref<64x1000000xf32, #tpu.memory_space<hbm>> -> memref<64x128xf32, #tpu.memory_space<hbm>>
    tpu.wait_dma2 semaphore(%dma_wait3A_241 : memref<!tpu.dma_semaphore, #tpu.memory_space<semaphore_mem>>) src(%dma_wait3A_248 : memref<64x128xf32, #tpu.memory_space<hbm>>) dst(%dma_wait3A_245 : memref<64x128xf32, #tpu.memory_space<vmem>>)
    %broadcast_in_dim3A_249 = arith.constant 4 : i32
    %broadcast_in_dim3A_250 = vector.broadcast %broadcast_in_dim3A_249 : i32 to vector<16xi32>
    %broadcast_in_dim3A_251 = arith.constant 252 : i32
    %broadcast_in_dim3A_252 = vector.broadcast %broadcast_in_dim3A_251 : i32 to vector<16xi32>
    %gather3A_253 = tpu.vector_load_idx %arg7[%broadcast_in_dim3A_250, %add3A_13, %gather3A_230] : memref<8x64x128xf32, #tpu.memory_space<vmem>>[vector<16xi32>, vector<16xi32>, vector<16xi32>], vector<16xf32>,
    %gather3A_254 = tpu.vector_load_idx %arg9[%add3A_13, %broadcast_in_dim3A_252] : memref<64x256xf32, #tpu.memory_space<vmem>>[vector<16xi32>, vector<16xi32>], vector<16xf32>,
    %add3A_255 = arith.addf %gather3A_253, %gather3A_254 : vector<16xf32>
    tpu.vector_store_idx %arg8[%add3A_13, %broadcast_in_dim3A_252], %add3A_255 : memref<64x256xf32, #tpu.memory_space<vmem>>[vector<16xi32>, vector<16xi32>], vector<16xf32>,
    %gather3A_256 = tpu.vector_load_idx %arg7[%broadcast_in_dim3A_250, %add3A_17, %gather3A_230] : memref<8x64x128xf32, #tpu.memory_space<vmem>>[vector<16xi32>, vector<16xi32>, vector<16xi32>], vector<16xf32>,
    %gather3A_257 = tpu.vector_load_idx %arg9[%add3A_17, %broadcast_in_dim3A_252] : memref<64x256xf32, #tpu.memory_space<vmem>>[vector<16xi32>, vector<16xi32>], vector<16xf32>,
    %add3A_258 = arith.addf %gather3A_256, %gather3A_257 : vector<16xf32>
    tpu.vector_store_idx %arg8[%add3A_17, %broadcast_in_dim3A_252], %add3A_258 : memref<64x256xf32, #tpu.memory_space<vmem>>[vector<16xi32>, vector<16xi32>], vector<16xf32>,
    %gather3A_259 = tpu.vector_load_idx %arg7[%broadcast_in_dim3A_250, %add3A_21, %gather3A_230] : memref<8x64x128xf32, #tpu.memory_space<vmem>>[vector<16xi32>, vector<16xi32>, vector<16xi32>], vector<16xf32>,
    %gather3A_260 = tpu.vector_load_idx %arg9[%add3A_21, %broadcast_in_dim3A_252] : memref<64x256xf32, #tpu.memory_space<vmem>>[vector<16xi32>, vector<16xi32>], vector<16xf32>,
    %add3A_261 = arith.addf %gather3A_259, %gather3A_260 : vector<16xf32>
    tpu.vector_store_idx %arg8[%add3A_21, %broadcast_in_dim3A_252], %add3A_261 : memref<64x256xf32, #tpu.memory_space<vmem>>[vector<16xi32>, vector<16xi32>], vector<16xf32>,
    %gather3A_262 = tpu.vector_load_idx %arg7[%broadcast_in_dim3A_250, %add3A_25, %gather3A_230] : memref<8x64x128xf32, #tpu.memory_space<vmem>>[vector<16xi32>, vector<16xi32>, vector<16xi32>], vector<16xf32>,
    %gather3A_263 = tpu.vector_load_idx %arg9[%add3A_25, %broadcast_in_dim3A_252] : memref<64x256xf32, #tpu.memory_space<vmem>>[vector<16xi32>, vector<16xi32>], vector<16xf32>,
    %add3A_264 = arith.addf %gather3A_262, %gather3A_263 : vector<16xf32>
    tpu.vector_store_idx %arg8[%add3A_25, %broadcast_in_dim3A_252], %add3A_264 : memref<64x256xf32, #tpu.memory_space<vmem>>[vector<16xi32>, vector<16xi32>], vector<16xf32>,
    %broadcast_in_dim3A_265 = arith.constant 13 : i32
    %broadcast_in_dim3A_266 = vector.broadcast %broadcast_in_dim3A_265 : i32 to vector<16xi32>
    %lt3A_267 = arith.constant 0 : i32
    %lt3A_268 = vector.broadcast %lt3A_267 : i32 to vector<16xi32>
    %lt3A_269 = arith.cmpi slt, %broadcast_in_dim3A_266, %lt3A_268 : vector<16xi32>
    %add3A_270 = arith.constant 16 : i32
    %add3A_271 = vector.broadcast %add3A_270 : i32 to vector<16xi32>
    %add3A_272 = arith.addi %broadcast_in_dim3A_266, %add3A_271 : vector<16xi32>
    %select_n3A_273 = arith.select %lt3A_269, %add3A_272, %broadcast_in_dim3A_266 : vector<16xi1>, vector<16xi32>
    %broadcast_in_dim3A_274 = vector.shape_cast %select_n3A_273 : vector<16xi32> to vector<16x1xi32>
    %gather3A_275 = vector.shape_cast %broadcast_in_dim3A_274 : vector<16x1xi32> to vector<16xi32>
    %gather3A_276 = tpu.dynamic_gather %rem3A_38[%gather3A_275] in [0] : vector<16xi32>, vector<16xi32> -> vector<16xi32>
    %dma_wait3A_277 = arith.constant 5 : i32
    %dma_wait3A_278 = arith.constant 5 : i32
    %dma_wait3A_279 = arith.constant 0 : i32
    %dma_wait3A_280 = arith.constant 0 : i32
    %dma_wait3A_281 = tpu.memref_slice %arg7[%dma_wait3A_277, %dma_wait3A_279, %dma_wait3A_280] : memref<8x64x128xf32, #tpu.memory_space<vmem>> -> memref<1x64x128xf32, #tpu.memory_space<vmem>>
    %dma_wait3A_282 = tpu.memref_squeeze %dma_wait3A_281 : memref<1x64x128xf32, #tpu.memory_space<vmem>> -> memref<64x128xf32, #tpu.memory_space<vmem>>
    %dma_wait3A_283 = arith.constant 0 : i32
    %dma_wait3A_284 = arith.constant 0 : i32
    %dma_wait3A_285 = tpu.memref_slice %arg3[%dma_wait3A_283, %dma_wait3A_284] : memref<64x1000000xf32, #tpu.memory_space<hbm>> -> memref<64x128xf32, #tpu.memory_space<hbm>>
    %dma_wait3A_286 = tpu.memref_slice %arg10[%dma_wait3A_278] : memref<8x!tpu.dma_semaphore, #tpu.memory_space<semaphore_mem>> -> memref<1x!tpu.dma_semaphore, #tpu.memory_space<semaphore_mem>>
    %dma_wait3A_287 = tpu.memref_squeeze %dma_wait3A_286 : memref<1x!tpu.dma_semaphore, #tpu.memory_space<semaphore_mem>> -> memref<!tpu.dma_semaphore, #tpu.memory_space<semaphore_mem>>
    %dma_wait3A_288 = arith.constant 0 : i32
    %dma_wait3A_289 = arith.constant 0 : i32
    %dma_wait3A_290 = tpu.memref_slice %arg7[%dma_wait3A_277, %dma_wait3A_288, %dma_wait3A_289] : memref<8x64x128xf32, #tpu.memory_space<vmem>> -> memref<1x64x128xf32, #tpu.memory_space<vmem>>
    %dma_wait3A_291 = tpu.memref_squeeze %dma_wait3A_290 : memref<1x64x128xf32, #tpu.memory_space<vmem>> -> memref<64x128xf32, #tpu.memory_space<vmem>>
    %dma_wait3A_292 = arith.constant 0 : i32
    %dma_wait3A_293 = arith.constant 0 : i32
    %dma_wait3A_294 = tpu.memref_slice %arg3[%dma_wait3A_292, %dma_wait3A_293] : memref<64x1000000xf32, #tpu.memory_space<hbm>> -> memref<64x128xf32, #tpu.memory_space<hbm>>
    tpu.wait_dma2 semaphore(%dma_wait3A_287 : memref<!tpu.dma_semaphore, #tpu.memory_space<semaphore_mem>>) src(%dma_wait3A_294 : memref<64x128xf32, #tpu.memory_space<hbm>>) dst(%dma_wait3A_291 : memref<64x128xf32, #tpu.memory_space<vmem>>)
    %broadcast_in_dim3A_295 = arith.constant 5 : i32
    %broadcast_in_dim3A_296 = vector.broadcast %broadcast_in_dim3A_295 : i32 to vector<16xi32>
    %broadcast_in_dim3A_297 = arith.constant 253 : i32
    %broadcast_in_dim3A_298 = vector.broadcast %broadcast_in_dim3A_297 : i32 to vector<16xi32>
    %gather3A_299 = tpu.vector_load_idx %arg7[%broadcast_in_dim3A_296, %add3A_13, %gather3A_276] : memref<8x64x128xf32, #tpu.memory_space<vmem>>[vector<16xi32>, vector<16xi32>, vector<16xi32>], vector<16xf32>,
    %gather3A_300 = tpu.vector_load_idx %arg9[%add3A_13, %broadcast_in_dim3A_298] : memref<64x256xf32, #tpu.memory_space<vmem>>[vector<16xi32>, vector<16xi32>], vector<16xf32>,
    %add3A_301 = arith.addf %gather3A_299, %gather3A_300 : vector<16xf32>
    tpu.vector_store_idx %arg8[%add3A_13, %broadcast_in_dim3A_298], %add3A_301 : memref<64x256xf32, #tpu.memory_space<vmem>>[vector<16xi32>, vector<16xi32>], vector<16xf32>,
    %gather3A_302 = tpu.vector_load_idx %arg7[%broadcast_in_dim3A_296, %add3A_17, %gather3A_276] : memref<8x64x128xf32, #tpu.memory_space<vmem>>[vector<16xi32>, vector<16xi32>, vector<16xi32>], vector<16xf32>,
    %gather3A_303 = tpu.vector_load_idx %arg9[%add3A_17, %broadcast_in_dim3A_298] : memref<64x256xf32, #tpu.memory_space<vmem>>[vector<16xi32>, vector<16xi32>], vector<16xf32>,
    %add3A_304 = arith.addf %gather3A_302, %gather3A_303 : vector<16xf32>
    tpu.vector_store_idx %arg8[%add3A_17, %broadcast_in_dim3A_298], %add3A_304 : memref<64x256xf32, #tpu.memory_space<vmem>>[vector<16xi32>, vector<16xi32>], vector<16xf32>,
    %gather3A_305 = tpu.vector_load_idx %arg7[%broadcast_in_dim3A_296, %add3A_21, %gather3A_276] : memref<8x64x128xf32, #tpu.memory_space<vmem>>[vector<16xi32>, vector<16xi32>, vector<16xi32>], vector<16xf32>,
    %gather3A_306 = tpu.vector_load_idx %arg9[%add3A_21, %broadcast_in_dim3A_298] : memref<64x256xf32, #tpu.memory_space<vmem>>[vector<16xi32>, vector<16xi32>], vector<16xf32>,
    %add3A_307 = arith.addf %gather3A_305, %gather3A_306 : vector<16xf32>
    tpu.vector_store_idx %arg8[%add3A_21, %broadcast_in_dim3A_298], %add3A_307 : memref<64x256xf32, #tpu.memory_space<vmem>>[vector<16xi32>, vector<16xi32>], vector<16xf32>,
    %gather3A_308 = tpu.vector_load_idx %arg7[%broadcast_in_dim3A_296, %add3A_25, %gather3A_276] : memref<8x64x128xf32, #tpu.memory_space<vmem>>[vector<16xi32>, vector<16xi32>, vector<16xi32>], vector<16xf32>,
    %gather3A_309 = tpu.vector_load_idx %arg9[%add3A_25, %broadcast_in_dim3A_298] : memref<64x256xf32, #tpu.memory_space<vmem>>[vector<16xi32>, vector<16xi32>], vector<16xf32>,
    %add3A_310 = arith.addf %gather3A_308, %gather3A_309 : vector<16xf32>
    tpu.vector_store_idx %arg8[%add3A_25, %broadcast_in_dim3A_298], %add3A_310 : memref<64x256xf32, #tpu.memory_space<vmem>>[vector<16xi32>, vector<16xi32>], vector<16xf32>,
    %broadcast_in_dim3A_311 = arith.constant 14 : i32
    %broadcast_in_dim3A_312 = vector.broadcast %broadcast_in_dim3A_311 : i32 to vector<16xi32>
    %lt3A_313 = arith.constant 0 : i32
    %lt3A_314 = vector.broadcast %lt3A_313 : i32 to vector<16xi32>
    %lt3A_315 = arith.cmpi slt, %broadcast_in_dim3A_312, %lt3A_314 : vector<16xi32>
    %add3A_316 = arith.constant 16 : i32
    %add3A_317 = vector.broadcast %add3A_316 : i32 to vector<16xi32>
    %add3A_318 = arith.addi %broadcast_in_dim3A_312, %add3A_317 : vector<16xi32>
    %select_n3A_319 = arith.select %lt3A_315, %add3A_318, %broadcast_in_dim3A_312 : vector<16xi1>, vector<16xi32>
    %broadcast_in_dim3A_320 = vector.shape_cast %select_n3A_319 : vector<16xi32> to vector<16x1xi32>
    %gather3A_321 = vector.shape_cast %broadcast_in_dim3A_320 : vector<16x1xi32> to vector<16xi32>
    %gather3A_322 = tpu.dynamic_gather %rem3A_38[%gather3A_321] in [0] : vector<16xi32>, vector<16xi32> -> vector<16xi32>
    %dma_wait3A_323 = arith.constant 6 : i32
    %dma_wait3A_324 = arith.constant 6 : i32
    %dma_wait3A_325 = arith.constant 0 : i32
    %dma_wait3A_326 = arith.constant 0 : i32
    %dma_wait3A_327 = tpu.memref_slice %arg7[%dma_wait3A_323, %dma_wait3A_325, %dma_wait3A_326] : memref<8x64x128xf32, #tpu.memory_space<vmem>> -> memref<1x64x128xf32, #tpu.memory_space<vmem>>
    %dma_wait3A_328 = tpu.memref_squeeze %dma_wait3A_327 : memref<1x64x128xf32, #tpu.memory_space<vmem>> -> memref<64x128xf32, #tpu.memory_space<vmem>>
    %dma_wait3A_329 = arith.constant 0 : i32
    %dma_wait3A_330 = arith.constant 0 : i32
    %dma_wait3A_331 = tpu.memref_slice %arg3[%dma_wait3A_329, %dma_wait3A_330] : memref<64x1000000xf32, #tpu.memory_space<hbm>> -> memref<64x128xf32, #tpu.memory_space<hbm>>
    %dma_wait3A_332 = tpu.memref_slice %arg10[%dma_wait3A_324] : memref<8x!tpu.dma_semaphore, #tpu.memory_space<semaphore_mem>> -> memref<1x!tpu.dma_semaphore, #tpu.memory_space<semaphore_mem>>
    %dma_wait3A_333 = tpu.memref_squeeze %dma_wait3A_332 : memref<1x!tpu.dma_semaphore, #tpu.memory_space<semaphore_mem>> -> memref<!tpu.dma_semaphore, #tpu.memory_space<semaphore_mem>>
    %dma_wait3A_334 = arith.constant 0 : i32
    %dma_wait3A_335 = arith.constant 0 : i32
    %dma_wait3A_336 = tpu.memref_slice %arg7[%dma_wait3A_323, %dma_wait3A_334, %dma_wait3A_335] : memref<8x64x128xf32, #tpu.memory_space<vmem>> -> memref<1x64x128xf32, #tpu.memory_space<vmem>>
    %dma_wait3A_337 = tpu.memref_squeeze %dma_wait3A_336 : memref<1x64x128xf32, #tpu.memory_space<vmem>> -> memref<64x128xf32, #tpu.memory_space<vmem>>
    %dma_wait3A_338 = arith.constant 0 : i32
    %dma_wait3A_339 = arith.constant 0 : i32
    %dma_wait3A_340 = tpu.memref_slice %arg3[%dma_wait3A_338, %dma_wait3A_339] : memref<64x1000000xf32, #tpu.memory_space<hbm>> -> memref<64x128xf32, #tpu.memory_space<hbm>>
    tpu.wait_dma2 semaphore(%dma_wait3A_333 : memref<!tpu.dma_semaphore, #tpu.memory_space<semaphore_mem>>) src(%dma_wait3A_340 : memref<64x128xf32, #tpu.memory_space<hbm>>) dst(%dma_wait3A_337 : memref<64x128xf32, #tpu.memory_space<vmem>>)
    %broadcast_in_dim3A_341 = arith.constant 6 : i32
    %broadcast_in_dim3A_342 = vector.broadcast %broadcast_in_dim3A_341 : i32 to vector<16xi32>
    %broadcast_in_dim3A_343 = arith.constant 254 : i32
    %broadcast_in_dim3A_344 = vector.broadcast %broadcast_in_dim3A_343 : i32 to vector<16xi32>
    %gather3A_345 = tpu.vector_load_idx %arg7[%broadcast_in_dim3A_342, %add3A_13, %gather3A_322] : memref<8x64x128xf32, #tpu.memory_space<vmem>>[vector<16xi32>, vector<16xi32>, vector<16xi32>], vector<16xf32>,
    %gather3A_346 = tpu.vector_load_idx %arg9[%add3A_13, %broadcast_in_dim3A_344] : memref<64x256xf32, #tpu.memory_space<vmem>>[vector<16xi32>, vector<16xi32>], vector<16xf32>,
    %add3A_347 = arith.addf %gather3A_345, %gather3A_346 : vector<16xf32>
    tpu.vector_store_idx %arg8[%add3A_13, %broadcast_in_dim3A_344], %add3A_347 : memref<64x256xf32, #tpu.memory_space<vmem>>[vector<16xi32>, vector<16xi32>], vector<16xf32>,
    %gather3A_348 = tpu.vector_load_idx %arg7[%broadcast_in_dim3A_342, %add3A_17, %gather3A_322] : memref<8x64x128xf32, #tpu.memory_space<vmem>>[vector<16xi32>, vector<16xi32>, vector<16xi32>], vector<16xf32>,
    %gather3A_349 = tpu.vector_load_idx %arg9[%add3A_17, %broadcast_in_dim3A_344] : memref<64x256xf32, #tpu.memory_space<vmem>>[vector<16xi32>, vector<16xi32>], vector<16xf32>,
    %add3A_350 = arith.addf %gather3A_348, %gather3A_349 : vector<16xf32>
    tpu.vector_store_idx %arg8[%add3A_17, %broadcast_in_dim3A_344], %add3A_350 : memref<64x256xf32, #tpu.memory_space<vmem>>[vector<16xi32>, vector<16xi32>], vector<16xf32>,
    %gather3A_351 = tpu.vector_load_idx %arg7[%broadcast_in_dim3A_342, %add3A_21, %gather3A_322] : memref<8x64x128xf32, #tpu.memory_space<vmem>>[vector<16xi32>, vector<16xi32>, vector<16xi32>], vector<16xf32>,
    %gather3A_352 = tpu.vector_load_idx %arg9[%add3A_21, %broadcast_in_dim3A_344] : memref<64x256xf32, #tpu.memory_space<vmem>>[vector<16xi32>, vector<16xi32>], vector<16xf32>,
    %add3A_353 = arith.addf %gather3A_351, %gather3A_352 : vector<16xf32>
    tpu.vector_store_idx %arg8[%add3A_21, %broadcast_in_dim3A_344], %add3A_353 : memref<64x256xf32, #tpu.memory_space<vmem>>[vector<16xi32>, vector<16xi32>], vector<16xf32>,
    %gather3A_354 = tpu.vector_load_idx %arg7[%broadcast_in_dim3A_342, %add3A_25, %gather3A_322] : memref<8x64x128xf32, #tpu.memory_space<vmem>>[vector<16xi32>, vector<16xi32>, vector<16xi32>], vector<16xf32>,
    %gather3A_355 = tpu.vector_load_idx %arg9[%add3A_25, %broadcast_in_dim3A_344] : memref<64x256xf32, #tpu.memory_space<vmem>>[vector<16xi32>, vector<16xi32>], vector<16xf32>,
    %add3A_356 = arith.addf %gather3A_354, %gather3A_355 : vector<16xf32>
    tpu.vector_store_idx %arg8[%add3A_25, %broadcast_in_dim3A_344], %add3A_356 : memref<64x256xf32, #tpu.memory_space<vmem>>[vector<16xi32>, vector<16xi32>], vector<16xf32>,
    %broadcast_in_dim3A_357 = arith.constant 15 : i32
    %broadcast_in_dim3A_358 = vector.broadcast %broadcast_in_dim3A_357 : i32 to vector<16xi32>
    %lt3A_359 = arith.constant 0 : i32
    %lt3A_360 = vector.broadcast %lt3A_359 : i32 to vector<16xi32>
    %lt3A_361 = arith.cmpi slt, %broadcast_in_dim3A_358, %lt3A_360 : vector<16xi32>
    %add3A_362 = arith.constant 16 : i32
    %add3A_363 = vector.broadcast %add3A_362 : i32 to vector<16xi32>
    %add3A_364 = arith.addi %broadcast_in_dim3A_358, %add3A_363 : vector<16xi32>
    %select_n3A_365 = arith.select %lt3A_361, %add3A_364, %broadcast_in_dim3A_358 : vector<16xi1>, vector<16xi32>
    %broadcast_in_dim3A_366 = vector.shape_cast %select_n3A_365 : vector<16xi32> to vector<16x1xi32>
    %gather3A_367 = vector.shape_cast %broadcast_in_dim3A_366 : vector<16x1xi32> to vector<16xi32>
    %gather3A_368 = tpu.dynamic_gather %rem3A_38[%gather3A_367] in [0] : vector<16xi32>, vector<16xi32> -> vector<16xi32>
    %dma_wait3A_369 = arith.constant 7 : i32
    %dma_wait3A_370 = arith.constant 7 : i32
    %dma_wait3A_371 = arith.constant 0 : i32
    %dma_wait3A_372 = arith.constant 0 : i32
    %dma_wait3A_373 = tpu.memref_slice %arg7[%dma_wait3A_369, %dma_wait3A_371, %dma_wait3A_372] : memref<8x64x128xf32, #tpu.memory_space<vmem>> -> memref<1x64x128xf32, #tpu.memory_space<vmem>>
    %dma_wait3A_374 = tpu.memref_squeeze %dma_wait3A_373 : memref<1x64x128xf32, #tpu.memory_space<vmem>> -> memref<64x128xf32, #tpu.memory_space<vmem>>
    %dma_wait3A_375 = arith.constant 0 : i32
    %dma_wait3A_376 = arith.constant 0 : i32
    %dma_wait3A_377 = tpu.memref_slice %arg3[%dma_wait3A_375, %dma_wait3A_376] : memref<64x1000000xf32, #tpu.memory_space<hbm>> -> memref<64x128xf32, #tpu.memory_space<hbm>>
    %dma_wait3A_378 = tpu.memref_slice %arg10[%dma_wait3A_370] : memref<8x!tpu.dma_semaphore, #tpu.memory_space<semaphore_mem>> -> memref<1x!tpu.dma_semaphore, #tpu.memory_space<semaphore_mem>>
    %dma_wait3A_379 = tpu.memref_squeeze %dma_wait3A_378 : memref<1x!tpu.dma_semaphore, #tpu.memory_space<semaphore_mem>> -> memref<!tpu.dma_semaphore, #tpu.memory_space<semaphore_mem>>
    %dma_wait3A_380 = arith.constant 0 : i32
    %dma_wait3A_381 = arith.constant 0 : i32
    %dma_wait3A_382 = tpu.memref_slice %arg7[%dma_wait3A_369, %dma_wait3A_380, %dma_wait3A_381] : memref<8x64x128xf32, #tpu.memory_space<vmem>> -> memref<1x64x128xf32, #tpu.memory_space<vmem>>
    %dma_wait3A_383 = tpu.memref_squeeze %dma_wait3A_382 : memref<1x64x128xf32, #tpu.memory_space<vmem>> -> memref<64x128xf32, #tpu.memory_space<vmem>>
    %dma_wait3A_384 = arith.constant 0 : i32
    %dma_wait3A_385 = arith.constant 0 : i32
    %dma_wait3A_386 = tpu.memref_slice %arg3[%dma_wait3A_384, %dma_wait3A_385] : memref<64x1000000xf32, #tpu.memory_space<hbm>> -> memref<64x128xf32, #tpu.memory_space<hbm>>
    tpu.wait_dma2 semaphore(%dma_wait3A_379 : memref<!tpu.dma_semaphore, #tpu.memory_space<semaphore_mem>>) src(%dma_wait3A_386 : memref<64x128xf32, #tpu.memory_space<hbm>>) dst(%dma_wait3A_383 : memref<64x128xf32, #tpu.memory_space<vmem>>)
    %broadcast_in_dim3A_387 = arith.constant 7 : i32
    %broadcast_in_dim3A_388 = vector.broadcast %broadcast_in_dim3A_387 : i32 to vector<16xi32>
    %broadcast_in_dim3A_389 = arith.constant 255 : i32
    %broadcast_in_dim3A_390 = vector.broadcast %broadcast_in_dim3A_389 : i32 to vector<16xi32>
    %gather3A_391 = tpu.vector_load_idx %arg7[%broadcast_in_dim3A_388, %add3A_13, %gather3A_368] : memref<8x64x128xf32, #tpu.memory_space<vmem>>[vector<16xi32>, vector<16xi32>, vector<16xi32>], vector<16xf32>,
    %gather3A_392 = tpu.vector_load_idx %arg9[%add3A_13, %broadcast_in_dim3A_390] : memref<64x256xf32, #tpu.memory_space<vmem>>[vector<16xi32>, vector<16xi32>], vector<16xf32>,
    %add3A_393 = arith.addf %gather3A_391, %gather3A_392 : vector<16xf32>
    tpu.vector_store_idx %arg8[%add3A_13, %broadcast_in_dim3A_390], %add3A_393 : memref<64x256xf32, #tpu.memory_space<vmem>>[vector<16xi32>, vector<16xi32>], vector<16xf32>,
    %gather3A_394 = tpu.vector_load_idx %arg7[%broadcast_in_dim3A_388, %add3A_17, %gather3A_368] : memref<8x64x128xf32, #tpu.memory_space<vmem>>[vector<16xi32>, vector<16xi32>, vector<16xi32>], vector<16xf32>,
    %gather3A_395 = tpu.vector_load_idx %arg9[%add3A_17, %broadcast_in_dim3A_390] : memref<64x256xf32, #tpu.memory_space<vmem>>[vector<16xi32>, vector<16xi32>], vector<16xf32>,
    %add3A_396 = arith.addf %gather3A_394, %gather3A_395 : vector<16xf32>
    tpu.vector_store_idx %arg8[%add3A_17, %broadcast_in_dim3A_390], %add3A_396 : memref<64x256xf32, #tpu.memory_space<vmem>>[vector<16xi32>, vector<16xi32>], vector<16xf32>,
    %gather3A_397 = tpu.vector_load_idx %arg7[%broadcast_in_dim3A_388, %add3A_21, %gather3A_368] : memref<8x64x128xf32, #tpu.memory_space<vmem>>[vector<16xi32>, vector<16xi32>, vector<16xi32>], vector<16xf32>,
    %gather3A_398 = tpu.vector_load_idx %arg9[%add3A_21, %broadcast_in_dim3A_390] : memref<64x256xf32, #tpu.memory_space<vmem>>[vector<16xi32>, vector<16xi32>], vector<16xf32>,
    %add3A_399 = arith.addf %gather3A_397, %gather3A_398 : vector<16xf32>
    tpu.vector_store_idx %arg8[%add3A_21, %broadcast_in_dim3A_390], %add3A_399 : memref<64x256xf32, #tpu.memory_space<vmem>>[vector<16xi32>, vector<16xi32>], vector<16xf32>,
    %gather3A_400 = tpu.vector_load_idx %arg7[%broadcast_in_dim3A_388, %add3A_25, %gather3A_368] : memref<8x64x128xf32, #tpu.memory_space<vmem>>[vector<16xi32>, vector<16xi32>, vector<16xi32>], vector<16xf32>,
    %gather3A_401 = tpu.vector_load_idx %arg9[%add3A_25, %broadcast_in_dim3A_390] : memref<64x256xf32, #tpu.memory_space<vmem>>[vector<16xi32>, vector<16xi32>], vector<16xf32>,
    %add3A_402 = arith.addf %gather3A_400, %gather3A_401 : vector<16xf32>
    tpu.vector_store_idx %arg8[%add3A_25, %broadcast_in_dim3A_390], %add3A_402 : memref<64x256xf32, #tpu.memory_space<vmem>>[vector<16xi32>, vector<16xi32>], vector<16xf32>,
    "tpu.region"() ({
      %run_scoped3A = tpu.sem_alloc : memref<!tpu.dma_semaphore, #tpu.memory_space<semaphore_mem>>
      %dma_start3A_403 = arith.constant 0 : i32
      %dma_start3A_404 = tpu.memref_slice %arg5[%div3A_3, %dma_start3A_403, %rem3A_4] : memref<4x64x2048xf32, #tpu.memory_space<hbm>> -> memref<1x64x256xf32, #tpu.memory_space<hbm>>
      %dma_start3A_405 = tpu.memref_squeeze %dma_start3A_404 : memref<1x64x256xf32, #tpu.memory_space<hbm>> -> memref<64x256xf32, #tpu.memory_space<hbm>>
      %dma_start3A_406 = arith.constant 0 : i32
      %dma_start3A_407 = tpu.memref_slice %arg5[%div3A_3, %dma_start3A_406, %rem3A_4] : memref<4x64x2048xf32, #tpu.memory_space<hbm>> -> memref<1x64x256xf32, #tpu.memory_space<hbm>>
      %dma_start3A_408 = tpu.memref_squeeze %dma_start3A_407 : memref<1x64x256xf32, #tpu.memory_space<hbm>> -> memref<64x256xf32, #tpu.memory_space<hbm>>
      tpu.enqueue_dma source(%arg8 : memref<64x256xf32, #tpu.memory_space<vmem>>) target(%dma_start3A_408 : memref<64x256xf32, #tpu.memory_space<hbm>>) target_semaphore(%run_scoped3A : memref<!tpu.dma_semaphore, #tpu.memory_space<semaphore_mem>>)
      %dma_wait3A_409 = arith.constant 0 : i32
      %dma_wait3A_410 = tpu.memref_slice %arg5[%div3A_3, %dma_wait3A_409, %rem3A_4] : memref<4x64x2048xf32, #tpu.memory_space<hbm>> -> memref<1x64x256xf32, #tpu.memory_space<hbm>>
      %dma_wait3A_411 = tpu.memref_squeeze %dma_wait3A_410 : memref<1x64x256xf32, #tpu.memory_space<hbm>> -> memref<64x256xf32, #tpu.memory_space<hbm>>
      %dma_wait3A_412 = arith.constant 0 : i32
      %dma_wait3A_413 = tpu.memref_slice %arg5[%div3A_3, %dma_wait3A_412, %rem3A_4] : memref<4x64x2048xf32, #tpu.memory_space<hbm>> -> memref<1x64x256xf32, #tpu.memory_space<hbm>>
      %dma_wait3A_414 = tpu.memref_squeeze %dma_wait3A_413 : memref<1x64x256xf32, #tpu.memory_space<hbm>> -> memref<64x256xf32, #tpu.memory_space<hbm>>
      tpu.wait_dma2 semaphore(%run_scoped3A : memref<!tpu.dma_semaphore, #tpu.memory_space<semaphore_mem>>) src(%arg8 : memref<64x256xf32, #tpu.memory_space<vmem>>) dst(%dma_wait3A_414 : memref<64x256xf32, #tpu.memory_space<hbm>>)
      tpu.yield
    }) : () -> ()
    return
  }
}

</mosaic_0001>

<sc_bundles>
// kernel: kernel.3.cloned.1.call-start
scs
__scs_entry_jumppad:
0x0: {  	(pc) =	sbr.rel $0x88, $3  }
0x1: {  	(tag) =	ssettag $0x0;
	lr =	simm.s32 $0x1  }
0x2: {  	[smem:$0x3F9E] =	sst lr;
	_ =	strace $0xD0000000  }
0x3: {  	_ = 	snop  }
0x4: {  	_ = 	snop  }
0x5: {  	_ = 	snop  }
0x6: {  	_ = 	snop  }
0x7: {  	_ = 	snop  }
__scs_overlays_trampoline_lowered:
0x8: {  	[smem:$0x3FAD] =	sst s0  }
0x9: {  	[smem:$0x3FAE] =	sst s1  }
0xa: {  	[smem:$0x3FAF] =	sst s2  }
0xb: {  	[smem:$0x3FB0] =	sst s3  }
0xc: {  	[smem:$0x3FB1] =	sst s4  }
0xd: {  	[smem:$0x3FB2] =	sst s5  }
0xe: {  	[smem:$0x3FB3] =	sst s6  }
0xf: {  	[smem:$0x3FB4] =	sst s7  }
0x10: {  	[smem:$0x3FB5] =	sst s8  }
0x11: {  	[smem:$0x3FB6] =	sst s9;
	s0 =	simm.s32 @!p0 $0x0  }
0x12: {  	s1 =	sld [smem:$0x3F9C];
	s0 =	simm.s32 @p0 $0x1  }
0x13: {  	[smem:$0x3FB7] =	sst s0;
	s0 =	simm.s32 @!p1 $0x0  }
0x14: {  	s2 =	sld [smem:$0x3F9B];
	s0 =	simm.s32 @p1 $0x1  }
0x15: {  	[smem:$0x3FB8] =	sst s0;
	s0 =	simm.s32 @!p2 $0x0  }
0x16: {  	s3 =	sld [smem:$0x3FDB];
	s0 =	simm.s32 @p2 $0x1  }
0x17: {  	s4 =	simm.s32 $0x1BF5;
	[smem:$0x3FBA] =	sst s0  }
0x18: {  	s0 =	sld [smem:$0x3F9D];
	_ =	swait.ge [sflag:s4], $0x0  }
0x19: {  	s7 =	sld [smem:$0x3F9E]  }
0x1a: {  	s8 =	sadd.s32 $0xFFFFE003, lr  }
0x1b: {  	s9 =	sadd.s32 $0xFFFFFEF7, lr;
	s5 =	simm.s32 $0xFFFFFFFF;
	p2 =	slt.u32 s8, $0xFFFFF086  }
0x1c: {  	p1 =	slt.u32 s9, $0xF7A;
	s5 =	simm.s32 @!p2 $0x0  }
0x1d: {  	s5 =	simm.s32 @p1 $0x1;
	p0 =	seq.s32 s7, s2  }
0x1e: {  	s7 =	smul.u32 @!p0 $0xF7A, s2;
	p2 =	seq.s32 @!p0 s5, $0x0  }
0x1f: {  	s9 =	smul.u32 $0xF7A, s1;
	s8 =	simm.s32 @!p0 $0x1BF5;
	p2 =	por !p2, p0  }
0x20: {  	[sflag:s8] =	ssyncset.s32 @!p0 $0xFFFFF086;
	s6 =	sadd.s32 @!p0 s3, s7;
	s7 =	simm.s32 @!p0 $0x108  }
0x21: {  	s3 =	sadd.s32 s3, s9;
	s6 =	sadd.s32 @!p0 $0x88, s6;
	s7 =	simm.s32 @p2 $0x1082  }
0x22: {  	[simem:s7], [sflag:s8] =	dma.local @!p0 [hbm:s6], $0xF7A  }
0x23: {  	s9 =	sor.u32 $0xD0000000, s2;
	s6 =	simm.s32 $0x108;
	_ =	swait.ge @!p0 [sflag:s8], $0x0  }
0x24: {  	s3 =	sadd.s32 $0x88, s3;
	s6 =	simm.s32 @!p1 $0x1082;
	[sflag:s4] =	ssyncset.s32 $0xFFFFF086  }
0x25: {  	[simem:s6], [sflag:s4] =	dma.local [hbm:s3], $0xF7A  }
0x26: {  	[smem:$0x3F9E] =	sst s1;
	(tag) =	ssettag s2;
	_ =	strace s9  }
0x27: {  	s1 =	sld [smem:$0x3FAE]  }
0x28: {  	s2 =	sld [smem:$0x3FAF]  }
0x29: {  	s4 =	sld [smem:$0x3FB1]  }
0x2a: {  	p0 =	seq.s32 s5, $0x0;
	s5 =	sld [smem:$0x3FB2]  }
0x2b: {  	s6 =	sld [smem:$0x3FB3]  }
0x2c: {  	s7 =	sld [smem:$0x3FB4]  }
0x2d: {  	s3 =	simm.s32 $0x108;
	s8 =	sld [smem:$0x3FB5]  }
0x2e: {  	s3 =	simm.s32 @!p0 $0x1082;
	s9 =	sld [smem:$0x3FB6]  }
0x2f: {  	lr =	sadd.s32 s0, s3;
	s0 =	sld [smem:$0x3FAD]  }
0x30: {  	s3 =	sld [smem:$0x3FB0]  }
0x31: {  	[smem:$0x3FB9] =	sst s10  }
0x32: {  	s10 =	sld [smem:$0x3FB7];
	_ =	sdelay $0x3  }
0x33: {  	p0 =	seq.s32 s10, $0x1;
	s10 =	sld [smem:$0x3FB9];
	_ =	sdelay $0x3  }
0x34: {  	[smem:$0x3FB9] =	sst s10  }
0x35: {  	s10 =	sld [smem:$0x3FB8];
	_ =	sdelay $0x3  }
0x36: {  	p1 =	seq.s32 s10, $0x1;
	s10 =	sld [smem:$0x3FB9];
	_ =	sdelay $0x3  }
0x37: {  	[smem:$0x3FB9] =	sst s10  }
0x38: {  	s10 =	sld [smem:$0x3FBA]  }
0x39: {  	_ = 	snop;
	(pc) =	sbr.ind lr, $3  }
0x3a: {  	_ = 	snop  }
0x3b: {  	_ = 	snop  }
0x3c: {  	p2 =	seq.s32 s10, $0x1;
	s10 =	sld [smem:$0x3FB9]  }
0x3d: {  	_ =	shalt  }
0x3e: {  	_ =	shalt  }
0x3f: {  	_ =	shalt  }
0x40: {  	_ =	shalt  }
0x41: {  	_ =	shalt  }
0x42: {  	_ =	shalt  }
0x43: {  	_ =	shalt  }
0x44: {  	_ =	shalt  }
0x45: {  	_ =	shalt  }
0x46: {  	_ =	shalt  }
0x47: {  	_ =	shalt  }
0x48: {  	_ =	shalt  }
0x49: {  	_ =	shalt  }
0x4a: {  	_ =	shalt  }
0x4b: {  	_ =	shalt  }
0x4c: {  	_ =	shalt  }
0x4d: {  	_ =	shalt  }
0x4e: {  	_ =	shalt  }
0x4f: {  	_ =	shalt  }
0x50: {  	_ =	shalt  }
0x51: {  	_ =	shalt  }
0x52: {  	_ =	shalt  }
0x53: {  	_ =	shalt  }
0x54: {  	_ =	shalt  }
0x55: {  	_ =	shalt  }
0x56: {  	_ =	shalt  }
0x57: {  	_ =	shalt  }
0x58: {  	_ =	shalt  }
0x59: {  	_ =	shalt  }
0x5a: {  	_ =	shalt  }
0x5b: {  	_ =	shalt  }
0x5c: {  	_ =	shalt  }
0x5d: {  	_ =	shalt  }
0x5e: {  	_ =	shalt  }
0x5f: {  	_ =	shalt  }
0x60: {  	_ =	shalt  }
0x61: {  	_ =	shalt  }
0x62: {  	_ =	shalt  }
0x63: {  	_ =	shalt  }
0x64: {  	_ =	shalt  }
0x65: {  	_ =	shalt  }
0x66: {  	_ =	shalt  }
0x67: {  	_ =	shalt  }
0x68: {  	_ =	shalt  }
0x69: {  	_ =	shalt  }
0x6a: {  	_ =	shalt  }
0x6b: {  	_ =	shalt  }
0x6c: {  	_ =	shalt  }
0x6d: {  	_ =	shalt  }
0x6e: {  	_ =	shalt  }
0x6f: {  	_ =	shalt  }
0x70: {  	_ =	shalt  }
0x71: {  	_ =	shalt  }
0x72: {  	_ =	shalt  }
0x73: {  	_ =	shalt  }
0x74: {  	_ =	shalt  }
0x75: {  	_ =	shalt  }
0x76: {  	_ =	shalt  }
0x77: {  	_ =	shalt  }
0x78: {  	_ =	shalt  }
0x79: {  	_ =	shalt  }
0x7a: {  	_ =	shalt  }
0x7b: {  	_ =	shalt  }
0x7c: {  	_ =	shalt  }
0x7d: {  	_ =	shalt  }
0x7e: {  	_ =	shalt  }
0x7f: {  	_ =	shalt  }
0x80: {  	_ =	shalt  }
0x81: {  	_ =	shalt  }
0x82: {  	_ =	shalt  }
0x83: {  	_ =	shalt  }
0x84: {  	_ =	shalt  }
0x85: {  	_ =	shalt  }
0x86: {  	_ =	shalt  }
0x87: {  	_ =	shalt  }
.Lfunc_end0:
.L_simem_size_0:
called_computation_lowered:
.L_overlay_start_0:
0x88: {  	s2 =	sld [smem:$0x3FD9]  }
0x89: {  	s3 =	sld [smem:$0x3FFE];
	_ =	sdelay $0x1  }
0x8a: {  	s1 =	srdreg.scid  }
0x8b: {  	s0 =	sand.u32 $0x1, s1  }
0x8c: {  	s18 =	sshll.u32 s0, $0xA;
	s2 =	sadd.s32 s3, s2  }
0x8d: {  	s2 =	sadd.s32 s2, s18  }
0x8e: {  	[smem:$0x3FC5] =	sst s2  }
0x8f: {  	_ = 	snop  }
0x90: {  	s2 =	sld [smem:$0x3FC9]  }
0x91: {  	s19 =	sld [smem:$0x3FC8]  }
0x92: {  	s4 =	sld [smem:$0x3FC7]  }
0x93: {  	s5 =	sld [smem:$0x3FD0];
	(tm) =	ssettm $0x1  }
0x94: {  	s6 =	sld [smem:$0x3FFB];
	_ =	sdelay $0x3  }
0x95: {  	_ =	strace s6  }
0x96: {  	s6 =	sld [smem:$0x3FFC];
	_ =	sdelay $0x3  }
0x97: {  	_ =	strace s6  }
0x98: {  	s6 =	sld [smem:$0x3FFD];
	_ =	sdelay $0x3  }
0x99: {  	_ =	strace s6  }
0x9a: {  	_ =	strace $0x8FFFFFFF  }
0x9b: {  	s20 =	sld [smem:$0x3FDB];
	_ =	sdelay $0x1  }
0x9c: {  	s7 =	simm.s32 $_scs_section_size  }
0x9d: {  	s8 =	simm.s32 $_size__tile_overlayer_lowered;
	s9 =	simm.s32 $_tile_overlayer_lowered  }
0x9e: {  	s23 =	simm.s32 $0x1BFF;
	s22 =	sshll.u32 s9, $0x1;
	s6 =	sadd.s32 s7, s20  }
0x9f: {  	s10 =	simm.s32 $0x0;
	s21 =	sshll.u32 s8, $0x1;
	s8 =	sadd.s32 s22, s6  }
0xa0: {  	[timem:s10], [sflag:s23] =	dma.local [hbm:s8], s21  }
0xa1: {  	_ =	swait.ge [sflag:s23], s21  }
0xa2: {  	s7 =	ssub.s32 $0x0, s21;
	[sflag:s23] =	ssyncset.done $0x0  }
0xa3: {  	[sflag:s23] =	ssyncadd.s32 s7;
	_ =	sdelay $0x1  }
0xa4: {  	s24 =	simm.s32 $0x1B8B  }
0xa5: {  	_ =	swait.ge [sflag:s24], $0x1  }
0xa6: {  	[sflag:s24] =	ssyncset.done $0x0  }
0xa7: {  	s25 =	simm.s32 $0x1B8E;
	[sflag:s24] =	ssyncadd.s32 $0xFFFFFFFF  }
0xa8: {  	s26 =	simm.s32 $execute0_lowered;
	[smem:$0x3FD2] =	sst s25  }
0xa9: {  	s7 =	sshll.u32 s26, $0x1;
	_ =	strace $0x80000046;
	[dreg:$0x1] =	wrdreg $0xFFFFFFFF  }
0xaa: {  	s28 =	simm.s32 $_size_execute0_lowered;
	s6 =	sadd.s32 s6, s7;
	[dreg:$0x0] =	wrdreg $0x0  }
0xab: {  	s7 =	sshll.u32 s28, $0x1;
	[dreg:$0x2] =	wrdreg s6  }
0xac: {  	[dreg:$0x3] =	wrdreg s7  }
0xad: {  	[dreg:$0x4] =	wrdreg $0xC0  }
0xae: {  	_ =	task [dreg:s10], $0x5FFFF  }
0xaf: {  	[dreg:$0x1] =	wrdreg $0xFFFFFFFF  }
0xb0: {  	[dreg:$0x0] =	wrdreg $0x60  }
0xb1: {  	[dreg:$0x2] =	wrdreg s2  }
0xb2: {  	[dreg:$0x3] =	wrdreg s19  }
0xb3: {  	[dreg:$0x4] =	wrdreg s4  }
0xb4: {  	[dreg:$0x5] =	wrdreg s5  }
0xb5: {  	[dreg:$0x6] =	wrdreg $0x9  }
0xb6: {  	_ =	task.clear_ibuf [dreg:s10], $0x7FFFF;
	_ =	strace $0x90000046  }
0xb7: {  	s29 =	simm.s32 $0x9;
	_ =	strace $0x80000048  }
0xb8: {  	_ =	swait.ge [sflag:s29], $0x1  }
0xb9: {  	[sflag:s29] =	ssyncadd.s32 $0xFFFFFFFF  }
0xba: {  	_ =	strace $0x90000048  }
0xbb: {  	_ =	sfence  }
0xbc: {  	s30 =	sld [smem:$0x0];
	_ =	sdelay $0x2  }
0xbd: {  	s31 =	sshll.u32 s1, $0xD;
	s1 =	sshrl.u32 s1, $0x2  }
0xbe: {  	s3 =	sand.u32 $0x4000, s31;
	s1 =	sadd.s32 s1, s30  }
0xbf: {  	s0 =	sor.u32 s3, s0;
	s1 =	sshll.u32 s1, $0x11  }
0xc0: {  	s0 =	sor.u32 s1, s0  }
0xc1: {  	s0 =	sadd.s32 $0x8F2B, s0  }
0xc2: {  	[sflag:s0] =	ssyncadd.remote.s32 $0x1  }
0xc3: {  	_ =	sfence.sel $0xFFFF  }
0xc4: {  	[dreg:$0x0] =	wrdreg $0xFFFFFFFF;
	(pc) =	sbr.abs _section_cstart, $3  }
0xc5: {  	[dreg:$0x1] =	wrdreg $0xFFFFFFFF  }
0xc6: {  	_ =	task.clear_ibuf [dreg:s10], $0x2FFFF;
	_ =	strace $0x9FFFFFFF  }
0xc7: {  	(tm) =	ssettm $0x7FFFFFFF  }
tec
execute0_lowered:
.L_overlay_start_1:
0x0: {  	(tag) =	ssettag $0x1  }
0x1: {  	v0 =	vimm.s32 $0xB80;
	vm14 =	vcmask $0x300  }
0x2: {  	vm13 =	vcmask $0x704;
	vm12 =	vcmask $0xB08;
	vm11 =	vcmask $0xF0C  }
0x3: {  	vm10 =	vcmask $0x1310;
	vm9 =	vcmask $0x1714;
	vm8 =	vcmask $0x1B18  }
0x4: {  	vm7 =	vcmask $0x1F1C;
	vm6 =	vcmask $0x2320;
	vm5 =	vcmask $0x2724  }
0x5: {  	vm4 =	vcmask $0x2B28;
	v2 =	vlaneseq.u32;
	vm3 =	vcmask $0x2F2C  }
0x6: {  	vm2 =	vcmask $0x3330;
	vm1 =	vcmask $0x3734;
	vm0 =	vcmask $0x3B38  }
0x7: {  	v5 =	vimm.s32 $0x1B80;
	v6 =	vimm.s32 $0x2B80;
	v7 =	vimm.s32 $0x3B80  }
0x8: {  	v10 =	vimm.s32 $0x1;
	v15 =	vimm.s32 $0x2;
	v18 =	vimm.s32 $0xFF8  }
0x9: {  	v19 =	vimm.s32 $0x1FF8;
	v45 =	vimm.s32 $0x2FF8;
	v46 =	vimm.s32 $0x3FF8  }
0xa: {  	v34 =	vimm.s32 $0xFF9;
	v49 =	vimm.s32 $0x1FF9;
	v50 =	vimm.s32 $0x2FF9  }
0xb: {  	v51 =	vimm.s32 $0x3FF9;
	v54 =	vimm.s32 $0xFFA;
	v55 =	vimm.s32 $0x1FFA  }
0xc: {  	v56 =	vimm.s32 $0x2FFA;
	v59 =	vimm.s32 $0x3FFA;
	v60 =	vimm.s32 $0xFFB  }
0xd: {  	v61 =	vimm.s32 $0x1FFB;
	v36 =	vimm.s32 $0x2FFB;
	v37 =	vimm.s32 $0x3FFB  }
0xe: {  	v38 =	vimm.s32 $0xFFC;
	v41 =	vimm.s32 $0x1FFC;
	v42 =	vimm.s32 $0x2FFC  }
0xf: {  	v43 =	vimm.s32 $0x3FFC;
	v0 =	vsel vm14, $0x0, v0;
	v5 =	vsel vm14, $0x1000, v5  }
0x10: {  	v6 =	vsel vm14, $0x2000, v6;
	v7 =	vsel vm14, $0x3000, v7;
	v20 =	vsel vm14, $0x478, v18  }
0x11: {  	v19 =	vsel vm14, $0x1478, v19;
	v34 =	vsel vm14, $0x479, v34;
	v0 =	vsel vm13, $0x80, v0  }
0x12: {  	v5 =	vsel vm13, $0x1080, v5;
	v6 =	vsel vm13, $0x2080, v6;
	v7 =	vsel vm13, $0x3080, v7  }
0x13: {  	v20 =	vsel vm13, $0x4F8, v20;
	v21 =	vsel vm13, $0x14F8, v19;
	v34 =	vsel vm13, $0x4F9, v34  }
0x14: {  	v0 =	vsel vm12, $0x100, v0;
	v5 =	vsel vm12, $0x1100, v5;
	v6 =	vsel vm12, $0x2100, v6  }
0x15: {  	v7 =	vsel vm12, $0x3100, v7;
	v22 =	vsel vm12, $0x578, v20;
	v21 =	vsel vm12, $0x1578, v21  }
0x16: {  	v34 =	vsel vm12, $0x579, v34;
	v0 =	vsel vm11, $0x180, v0;
	v5 =	vsel vm11, $0x1180, v5  }
0x17: {  	v6 =	vsel vm11, $0x2180, v6;
	v7 =	vsel vm11, $0x3180, v7;
	v22 =	vsel vm11, $0x5F8, v22  }
0x18: {  	v23 =	vsel vm11, $0x15F8, v21;
	v34 =	vsel vm11, $0x5F9, v34;
	v0 =	vsel vm10, $0x200, v0  }
0x19: {  	v5 =	vsel vm10, $0x1200, v5;
	v6 =	vsel vm10, $0x2200, v6;
	v7 =	vsel vm10, $0x3200, v7  }
0x1a: {  	v24 =	vsel vm10, $0x678, v22;
	v23 =	vsel vm10, $0x1678, v23;
	v34 =	vsel vm10, $0x679, v34  }
0x1b: {  	v0 =	vsel vm9, $0x280, v0;
	v5 =	vsel vm9, $0x1280, v5;
	v6 =	vsel vm9, $0x2280, v6  }
0x1c: {  	v7 =	vsel vm9, $0x3280, v7;
	v24 =	vsel vm9, $0x6F8, v24;
	v25 =	vsel vm9, $0x16F8, v23  }
0x1d: {  	v34 =	vsel vm9, $0x6F9, v34;
	v0 =	vsel vm8, $0x300, v0;
	v5 =	vsel vm8, $0x1300, v5  }
0x1e: {  	v6 =	vsel vm8, $0x2300, v6;
	v7 =	vsel vm8, $0x3300, v7;
	v26 =	vsel vm8, $0x778, v24  }
0x1f: {  	v25 =	vsel vm8, $0x1778, v25;
	v24 =	vimm.s32 $0x4;
	v34 =	vsel vm8, $0x779, v34  }
0x20: {  	v0 =	vsel vm7, $0x380, v0;
	v5 =	vsel vm7, $0x1380, v5;
	v6 =	vsel vm7, $0x2380, v6  }
0x21: {  	v7 =	vsel vm7, $0x3380, v7;
	v26 =	vsel vm7, $0x7F8, v26;
	v27 =	vsel vm7, $0x17F8, v25  }
0x22: {  	v34 =	vsel vm7, $0x7F9, v34;
	v1 =	vsel vm6, $0x800, v0;
	v0 =	vimm.s32 $0x0  }
0x23: {  	v5 =	vsel vm6, $0x1800, v5;
	v6 =	vsel vm6, $0x2800, v6;
	v7 =	vsel vm6, $0x3800, v7  }
0x24: {  	v28 =	vsel vm6, $0xC78, v26;
	v27 =	vsel vm6, $0x1C78, v27;
	v34 =	vsel vm6, $0xC79, v34  }
0x25: {  	v1 =	vsel vm5, $0x880, v1;
	v5 =	vsel vm5, $0x1880, v5;
	v6 =	vsel vm5, $0x2880, v6  }
0x26: {  	v7 =	vsel vm5, $0x3880, v7;
	v28 =	vsel vm5, $0xCF8, v28;
	v29 =	vsel vm5, $0x1CF8, v27  }
0x27: {  	v34 =	vsel vm5, $0xCF9, v34;
	v3 =	vsel vm4, $0x900, v1;
	v1 =	vmul.u32 $0x80, v2  }
0x28: {  	v2 =	vimm.s32 $0x3;
	v5 =	vsel vm4, $0x1900, v5;
	v6 =	vsel vm4, $0x2900, v6  }
0x29: {  	v7 =	vsel vm4, $0x3900, v7;
	v30 =	vsel vm4, $0xD78, v28;
	v29 =	vsel vm4, $0x1D78, v29  }
0x2a: {  	v34 =	vsel vm4, $0xD79, v34;
	v3 =	vsel vm3, $0x980, v3;
	v5 =	vsel vm3, $0x1980, v5  }
0x2b: {  	v6 =	vsel vm3, $0x2980, v6;
	v7 =	vsel vm3, $0x3980, v7;
	v30 =	vsel vm3, $0xDF8, v30  }
0x2c: {  	v31 =	vsel vm3, $0x1DF8, v29;
	v29 =	vimm.s32 $0x5;
	v34 =	vsel vm3, $0xDF9, v34  }
0x2d: {  	v3 =	vsel vm2, $0xA00, v3;
	v4 =	vor.u32 $0x800, v1;
	v5 =	vsel vm2, $0x1A00, v5  }
0x2e: {  	v8 =	vsel vm2, $0x2A00, v6;
	v7 =	vsel vm2, $0x3A00, v7;
	v6 =	vor.u32 $0x1000, v1  }
0x2f: {  	v11 =	vor.u32 $0x2000, v1;
	v12 =	vor.u32 $0x2800, v1;
	v13 =	vor.u32 $0x3000, v1  }
0x30: {  	v14 =	vor.u32 $0x3800, v1;
	v16 =	vor.u32 $0x4000, v1;
	v17 =	vor.u32 $0x4800, v1  }
0x31: {  	v18 =	vor.u32 $0x5000, v1;
	v19 =	vor.u32 $0x5800, v1;
	v20 =	vor.u32 $0x6000, v1  }
0x32: {  	v21 =	vor.u32 $0x6800, v1;
	v22 =	vor.u32 $0x7000, v1;
	v23 =	vor.u32 $0x7800, v1  }
0x33: {  	v25 =	vor.u32 $0x8000, v1;
	v26 =	vor.u32 $0x8800, v1;
	v27 =	vor.u32 $0x9000, v1  }
0x34: {  	v28 =	vor.u32 $0x9800, v1;
	v32 =	vsel vm2, $0xE78, v30;
	v31 =	vsel vm2, $0x1E78, v31  }
0x35: {  	v30 =	vor.u32 $0xA000, v1;
	v34 =	vsel vm2, $0xE79, v34;
	v35 =	vor.u32 $0xC000, v1  }
0x36: {  	v3 =	vsel vm1, $0xA80, v3;
	v5 =	vsel vm1, $0x1A80, v5;
	v8 =	vsel vm1, $0x2A80, v8  }
0x37: {  	v9 =	vsel vm1, $0x3A80, v7;
	v32 =	vsel vm1, $0xEF8, v32;
	v33 =	vsel vm1, $0x1EF8, v31  }
0x38: {  	v31 =	vor.u32 $0xA800, v1;
	v34 =	vsel vm1, $0xEF9, v34;
	v3 =	vsel vm0, $0xB00, v3  }
0x39: {  	v5 =	vsel vm0, $0x1B00, v5;
	v7 =	vsel vm0, $0x2B00, v8;
	v8 =	vor.u32 $0x1800, v1  }
0x3a: {  	v9 =	vsel vm0, $0x3B00, v9;
	v32 =	vsel vm0, $0xF78, v32;
	v44 =	vsel vm0, $0x1F78, v33  }
0x3b: {  	v33 =	vsel vm14, $0x3478, v46;
	v48 =	vsel vm0, $0xF79, v34;
	v34 =	vsel vm14, $0x3479, v51  }
0x3c: {  	v46 =	vimm.s32 $0xFFD;
	v51 =	vimm.s32 $0x3FFD;
	[tilespmem:$0x1FE20] =	vst v32;
	v32 =	vsel vm14, $0x2478, v45  }
0x3d: {  	v33 =	vsel vm13, $0x34F8, v33;
	[tilespmem:$0x1FE60] =	vst v48;
	v34 =	vsel vm13, $0x34F9, v34;
	v48 =	vimm.s32 $0x2FFD  }
0x3e: {  	v32 =	vsel vm13, $0x24F8, v32;
	v33 =	vsel vm12, $0x3578, v33;
	v34 =	vsel vm12, $0x3579, v34  }
0x3f: {  	v32 =	vsel vm12, $0x2578, v32;
	v33 =	vsel vm11, $0x35F8, v33;
	v34 =	vsel vm11, $0x35F9, v34  }
0x40: {  	v32 =	vsel vm11, $0x25F8, v32;
	v33 =	vsel vm10, $0x3678, v33;
	v34 =	vsel vm10, $0x3679, v34  }
0x41: {  	v32 =	vsel vm10, $0x2678, v32;
	v33 =	vsel vm9, $0x36F8, v33;
	v34 =	vsel vm9, $0x36F9, v34  }
0x42: {  	v32 =	vsel vm9, $0x26F8, v32;
	v33 =	vsel vm8, $0x3778, v33;
	v34 =	vsel vm8, $0x3779, v34  }
0x43: {  	v32 =	vsel vm8, $0x2778, v32;
	v33 =	vsel vm7, $0x37F8, v33;
	v34 =	vsel vm7, $0x37F9, v34  }
0x44: {  	v32 =	vsel vm7, $0x27F8, v32;
	v33 =	vsel vm6, $0x3C78, v33;
	v34 =	vsel vm6, $0x3C79, v34  }
0x45: {  	v32 =	vsel vm6, $0x2C78, v32;
	v33 =	vsel vm5, $0x3CF8, v33;
	v34 =	vsel vm5, $0x3CF9, v34  }
0x46: {  	v32 =	vsel vm5, $0x2CF8, v32;
	v33 =	vsel vm4, $0x3D78, v33;
	v34 =	vsel vm4, $0x3D79, v34  }
0x47: {  	v32 =	vsel vm4, $0x2D78, v32;
	v33 =	vsel vm3, $0x3DF8, v33;
	v34 =	vsel vm3, $0x3DF9, v34  }
0x48: {  	v32 =	vsel vm3, $0x2DF8, v32;
	v33 =	vsel vm2, $0x3E78, v33;
	v34 =	vsel vm2, $0x3E79, v34  }
0x49: {  	v32 =	vsel vm2, $0x2E78, v32;
	v33 =	vsel vm1, $0x3EF8, v33;
	v34 =	vsel vm1, $0x3EF9, v34  }
0x4a: {  	v32 =	vsel vm1, $0x2EF8, v32;
	v47 =	vsel vm0, $0x3F78, v33;
	v33 =	vsel vm14, $0x2479, v50  }
0x4b: {  	v53 =	vsel vm0, $0x3F79, v34;
	v34 =	vsel vm14, $0x247A, v56;
	v56 =	vimm.s32 $0x2FFE;
	[tilespmem:$0x1FE50] =	vst v47  }
0x4c: {  	v32 =	vsel vm0, $0x2F78, v32;
	v33 =	vsel vm13, $0x24F9, v33;
	[tilespmem:$0x1FE90] =	vst v53;
	v34 =	vsel vm13, $0x24FA, v34  }
0x4d: {  	v47 =	vimm.s32 $0x1FFD;
	v53 =	vimm.s32 $0x1FFE;
	[tilespmem:$0x1FE40] =	vst v32;
	v32 =	vsel vm14, $0x1479, v49  }
0x4e: {  	v33 =	vsel vm12, $0x2579, v33;
	v34 =	vsel vm12, $0x257A, v34;
	v32 =	vsel vm13, $0x14F9, v32  }
0x4f: {  	v33 =	vsel vm11, $0x25F9, v33;
	v34 =	vsel vm11, $0x25FA, v34;
	v32 =	vsel vm12, $0x1579, v32  }
0x50: {  	v33 =	vsel vm10, $0x2679, v33;
	v34 =	vsel vm10, $0x267A, v34;
	v32 =	vsel vm11, $0x15F9, v32  }
0x51: {  	v33 =	vsel vm9, $0x26F9, v33;
	v34 =	vsel vm9, $0x26FA, v34;
	v32 =	vsel vm10, $0x1679, v32  }
0x52: {  	v33 =	vsel vm8, $0x2779, v33;
	v34 =	vsel vm8, $0x277A, v34;
	v32 =	vsel vm9, $0x16F9, v32  }
0x53: {  	v33 =	vsel vm7, $0x27F9, v33;
	v34 =	vsel vm7, $0x27FA, v34;
	v32 =	vsel vm8, $0x1779, v32  }
0x54: {  	v33 =	vsel vm6, $0x2C79, v33;
	v34 =	vsel vm6, $0x2C7A, v34;
	v32 =	vsel vm7, $0x17F9, v32  }
0x55: {  	v33 =	vsel vm5, $0x2CF9, v33;
	v34 =	vsel vm5, $0x2CFA, v34;
	v32 =	vsel vm6, $0x1C79, v32  }
0x56: {  	v33 =	vsel vm4, $0x2D79, v33;
	v34 =	vsel vm4, $0x2D7A, v34;
	v32 =	vsel vm5, $0x1CF9, v32  }
0x57: {  	v33 =	vsel vm3, $0x2DF9, v33;
	v34 =	vsel vm3, $0x2DFA, v34;
	v32 =	vsel vm4, $0x1D79, v32  }
0x58: {  	v33 =	vsel vm2, $0x2E79, v33;
	v34 =	vsel vm2, $0x2E7A, v34;
	v32 =	vsel vm3, $0x1DF9, v32  }
0x59: {  	v33 =	vsel vm1, $0x2EF9, v33;
	v34 =	vsel vm1, $0x2EFA, v34;
	v32 =	vsel vm2, $0x1E79, v32  }
0x5a: {  	v52 =	vsel vm0, $0x2F79, v33;
	v33 =	vsel vm14, $0x147A, v55;
	v58 =	vsel vm0, $0x2F7A, v34  }
0x5b: {  	v34 =	vsel vm14, $0x147B, v61;
	v61 =	vimm.s32 $0x1FFF;
	v32 =	vsel vm1, $0x1EF9, v32  }
0x5c: {  	[tilespmem:$0x1FE80] =	vst v52;
	v33 =	vsel vm13, $0x14FA, v33;
	v34 =	vsel vm13, $0x14FB, v34;
	v52 =	vimm.s32 $0xFFE  }
0x5d: {  	[tilespmem:$0x1FEC0] =	vst v58;
	v58 =	vimm.s32 $0xFFF;
	v32 =	vsel vm0, $0x1F79, v32;
	v33 =	vsel vm12, $0x157A, v33  }
0x5e: {  	v34 =	vsel vm12, $0x157B, v34;
	[tilespmem:$0x1FE70] =	vst v32;
	v32 =	vsel vm14, $0x47A, v54;
	v33 =	vsel vm11, $0x15FA, v33  }
0x5f: {  	v34 =	vsel vm11, $0x15FB, v34;
	v32 =	vsel vm13, $0x4FA, v32;
	v33 =	vsel vm10, $0x167A, v33  }
0x60: {  	v34 =	vsel vm10, $0x167B, v34;
	v32 =	vsel vm12, $0x57A, v32;
	v33 =	vsel vm9, $0x16FA, v33  }
0x61: {  	v34 =	vsel vm9, $0x16FB, v34;
	v32 =	vsel vm11, $0x5FA, v32;
	v33 =	vsel vm8, $0x177A, v33  }
0x62: {  	v34 =	vsel vm8, $0x177B, v34;
	v32 =	vsel vm10, $0x67A, v32;
	v33 =	vsel vm7, $0x17FA, v33  }
0x63: {  	v34 =	vsel vm7, $0x17FB, v34;
	v32 =	vsel vm9, $0x6FA, v32;
	v33 =	vsel vm6, $0x1C7A, v33  }
0x64: {  	v34 =	vsel vm6, $0x1C7B, v34;
	v32 =	vsel vm8, $0x77A, v32;
	v33 =	vsel vm5, $0x1CFA, v33  }
0x65: {  	v34 =	vsel vm5, $0x1CFB, v34;
	v32 =	vsel vm7, $0x7FA, v32;
	v33 =	vsel vm4, $0x1D7A, v33  }
0x66: {  	v34 =	vsel vm4, $0x1D7B, v34;
	v32 =	vsel vm6, $0xC7A, v32;
	v33 =	vsel vm3, $0x1DFA, v33  }
0x67: {  	v34 =	vsel vm3, $0x1DFB, v34;
	v32 =	vsel vm5, $0xCFA, v32;
	v33 =	vsel vm2, $0x1E7A, v33  }
0x68: {  	v34 =	vsel vm2, $0x1E7B, v34;
	v32 =	vsel vm4, $0xD7A, v32;
	v33 =	vsel vm1, $0x1EFA, v33  }
0x69: {  	v34 =	vsel vm1, $0x1EFB, v34;
	v32 =	vsel vm3, $0xDFA, v32;
	v57 =	vsel vm0, $0x1F7A, v33  }
0x6a: {  	v33 =	vsel vm14, $0x47B, v60;
	v63 =	vsel vm0, $0x1F7B, v34;
	v32 =	vsel vm2, $0xE7A, v32  }
0x6b: {  	v34 =	vsel vm14, $0x47C, v38;
	v38 =	vor.u32 $0xD800, v1;
	[tilespmem:$0x1FEB0] =	vst v57;
	v32 =	vsel vm1, $0xEFA, v32  }
0x6c: {  	v33 =	vsel vm13, $0x4FB, v33;
	[tilespmem:$0x1FEF0] =	vst v63;
	v34 =	vsel vm13, $0x4FC, v34;
	v32 =	vsel vm0, $0xF7A, v32  }
0x6d: {  	v57 =	vimm.s32 $0x3FFE;
	v63 =	vimm.s32 $0x3FFF;
	[tilespmem:$0x1FEA0] =	vst v32;
	v32 =	vsel vm14, $0x347A, v59  }
0x6e: {  	v33 =	vsel vm12, $0x57B, v33;
	v34 =	vsel vm12, $0x57C, v34;
	v32 =	vsel vm13, $0x34FA, v32  }
0x6f: {  	v33 =	vsel vm11, $0x5FB, v33;
	v34 =	vsel vm11, $0x5FC, v34;
	v32 =	vsel vm12, $0x357A, v32  }
0x70: {  	v33 =	vsel vm10, $0x67B, v33;
	v34 =	vsel vm10, $0x67C, v34;
	v32 =	vsel vm11, $0x35FA, v32  }
0x71: {  	v33 =	vsel vm9, $0x6FB, v33;
	v34 =	vsel vm9, $0x6FC, v34;
	v32 =	vsel vm10, $0x367A, v32  }
0x72: {  	v33 =	vsel vm8, $0x77B, v33;
	v34 =	vsel vm8, $0x77C, v34;
	v32 =	vsel vm9, $0x36FA, v32  }
0x73: {  	v33 =	vsel vm7, $0x7FB, v33;
	v34 =	vsel vm7, $0x7FC, v34;
	v32 =	vsel vm8, $0x377A, v32  }
0x74: {  	v33 =	vsel vm6, $0xC7B, v33;
	v34 =	vsel vm6, $0xC7C, v34;
	v32 =	vsel vm7, $0x37FA, v32  }
0x75: {  	v33 =	vsel vm5, $0xCFB, v33;
	v34 =	vsel vm5, $0xCFC, v34;
	v32 =	vsel vm6, $0x3C7A, v32  }
0x76: {  	v33 =	vsel vm4, $0xD7B, v33;
	v34 =	vsel vm4, $0xD7C, v34;
	v32 =	vsel vm5, $0x3CFA, v32  }
0x77: {  	v33 =	vsel vm3, $0xDFB, v33;
	v34 =	vsel vm3, $0xDFC, v34;
	v32 =	vsel vm4, $0x3D7A, v32  }
0x78: {  	v33 =	vsel vm2, $0xE7B, v33;
	v34 =	vsel vm2, $0xE7C, v34;
	v32 =	vsel vm3, $0x3DFA, v32  }
0x79: {  	v33 =	vsel vm1, $0xEFB, v33;
	v34 =	vsel vm1, $0xEFC, v34;
	v32 =	vsel vm2, $0x3E7A, v32  }
0x7a: {  	v62 =	vsel vm0, $0xF7B, v33;
	v33 =	vsel vm14, $0x347B, v37;
	v32 =	vsel vm1, $0x3EFA, v32  }
0x7b: {  	s8 =	stileid.u32;
	v40 =	vsel vm0, $0xF7C, v34;
	v34 =	vsel vm14, $0x347C, v43;
	v32 =	vsel vm0, $0x3F7A, v32  }
0x7c: {  	s22 =	sshrl.u32 s8, $0x2;
	v37 =	vor.u32 $0xD000, v1;
	v43 =	vor.u32 $0xF000, v1;
	[tilespmem:$0x1FED0] =	vst v32;
	v32 =	vsel vm14, $0x247B, v36  }
0x7d: {  	s23 =	sshll.u32 s22, $0x7;
	[tilespmem:$0x1FEE0] =	vst v62;
	v33 =	vsel vm13, $0x34FB, v33;
	v34 =	vsel vm13, $0x34FC, v34;
	v32 =	vsel vm13, $0x24FB, v32  }
0x7e: {  	[tilespmem:$0x1FF20] =	vst v40;
	v62 =	vimm.s32 $0x2FFF;
	v40 =	vmov s23;
	v32 =	vsel vm12, $0x257B, v32  }
0x7f: {  	v33 =	vsel vm12, $0x357B, v33;
	v34 =	vsel vm12, $0x357C, v34;
	v32 =	vsel vm11, $0x25FB, v32  }
0x80: {  	v33 =	vsel vm11, $0x35FB, v33;
	v34 =	vsel vm11, $0x35FC, v34;
	v32 =	vsel vm10, $0x267B, v32  }
0x81: {  	v33 =	vsel vm10, $0x367B, v33;
	v34 =	vsel vm10, $0x367C, v34;
	v32 =	vsel vm9, $0x26FB, v32  }
0x82: {  	v33 =	vsel vm9, $0x36FB, v33;
	v34 =	vsel vm9, $0x36FC, v34;
	v32 =	vsel vm8, $0x277B, v32  }
0x83: {  	v36 =	vor.u32 $0xC800, v1;
	v33 =	vsel vm8, $0x377B, v33;
	v32 =	vsel vm7, $0x27FB, v32  }
0x84: {  	v34 =	vsel vm8, $0x377C, v34;
	v33 =	vsel vm7, $0x37FB, v33;
	v32 =	vsel vm6, $0x2C7B, v32  }
0x85: {  	v34 =	vsel vm7, $0x37FC, v34;
	v33 =	vsel vm6, $0x3C7B, v33;
	v32 =	vsel vm5, $0x2CFB, v32  }
0x86: {  	v34 =	vsel vm6, $0x3C7C, v34;
	v33 =	vsel vm5, $0x3CFB, v33;
	v32 =	vsel vm4, $0x2D7B, v32  }
0x87: {  	v34 =	vsel vm5, $0x3CFC, v34;
	v33 =	vsel vm4, $0x3D7B, v33;
	v32 =	vsel vm3, $0x2DFB, v32  }
0x88: {  	v34 =	vsel vm4, $0x3D7C, v34;
	v33 =	vsel vm3, $0x3DFB, v33;
	v32 =	vsel vm2, $0x2E7B, v32  }
0x89: {  	v34 =	vsel vm3, $0x3DFC, v34;
	v33 =	vsel vm2, $0x3E7B, v33;
	v32 =	vsel vm1, $0x2EFB, v32  }
0x8a: {  	v34 =	vsel vm2, $0x3E7C, v34;
	v33 =	vsel vm1, $0x3EFB, v33;
	v32 =	vsel vm0, $0x2F7B, v32  }
0x8b: {  	v34 =	vsel vm1, $0x3EFC, v34;
	v39 =	vsel vm0, $0x3F7B, v33;
	[tilespmem:$0x1FF00] =	vst v32;
	v32 =	vsel vm14, $0x147C, v41  }
0x8c: {  	v33 =	vsel vm14, $0x247C, v42;
	v45 =	vsel vm0, $0x3F7C, v34;
	v32 =	vsel vm13, $0x14FC, v32  }
0x8d: {  	v34 =	vsel vm14, $0x247D, v48;
	v42 =	vor.u32 $0xE800, v1;
	v32 =	vsel vm12, $0x157C, v32  }
0x8e: {  	v48 =	vimm.s32 $0xB;
	v33 =	vsel vm13, $0x24FC, v33;
	v32 =	vsel vm11, $0x15FC, v32  }
0x8f: {  	[tilespmem:$0x1FF10] =	vst v39;
	v34 =	vsel vm13, $0x24FD, v34;
	v39 =	vimm.s32 $0x7;
	v32 =	vsel vm10, $0x167C, v32  }
0x90: {  	[tilespmem:$0x1FF50] =	vst v45;
	v45 =	vimm.s32 $0x8;
	v33 =	vsel vm12, $0x257C, v33;
	v32 =	vsel vm9, $0x16FC, v32  }
0x91: {  	v34 =	vsel vm12, $0x257D, v34;
	v33 =	vsel vm11, $0x25FC, v33;
	v32 =	vsel vm8, $0x177C, v32  }
0x92: {  	v34 =	vsel vm11, $0x25FD, v34;
	v33 =	vsel vm10, $0x267C, v33;
	v32 =	vsel vm7, $0x17FC, v32  }
0x93: {  	v34 =	vsel vm10, $0x267D, v34;
	v33 =	vsel vm9, $0x26FC, v33;
	v32 =	vsel vm6, $0x1C7C, v32  }
0x94: {  	v34 =	vsel vm9, $0x26FD, v34;
	v33 =	vsel vm8, $0x277C, v33;
	v32 =	vsel vm5, $0x1CFC, v32  }
0x95: {  	v34 =	vsel vm8, $0x277D, v34;
	v41 =	vor.u32 $0xE000, v1;
	v32 =	vsel vm4, $0x1D7C, v32  }
0x96: {  	v33 =	vsel vm7, $0x27FC, v33;
	v34 =	vsel vm7, $0x27FD, v34;
	v32 =	vsel vm3, $0x1DFC, v32  }
0x97: {  	v33 =	vsel vm6, $0x2C7C, v33;
	v34 =	vsel vm6, $0x2C7D, v34;
	v32 =	vsel vm2, $0x1E7C, v32  }
0x98: {  	v33 =	vsel vm5, $0x2CFC, v33;
	v34 =	vsel vm5, $0x2CFD, v34;
	v32 =	vsel vm1, $0x1EFC, v32  }
0x99: {  	v33 =	vsel vm4, $0x2D7C, v33;
	v34 =	vsel vm4, $0x2D7D, v34;
	v32 =	vsel vm0, $0x1F7C, v32  }
0x9a: {  	v33 =	vsel vm3, $0x2DFC, v33;
	v34 =	vsel vm3, $0x2DFD, v34;
	[tilespmem:$0x1FF30] =	vst v32;
	v32 =	vsel vm14, $0x47D, v46  }
0x9b: {  	v33 =	vsel vm2, $0x2E7C, v33;
	v34 =	vsel vm2, $0x2E7D, v34;
	v32 =	vsel vm13, $0x4FD, v32  }
0x9c: {  	v33 =	vsel vm1, $0x2EFC, v33;
	v34 =	vsel vm1, $0x2EFD, v34;
	v32 =	vsel vm12, $0x57D, v32  }
0x9d: {  	[tilespmem:$0x1FE30] =	vst v44;
	v44 =	vsel vm0, $0x2F7C, v33;
	v33 =	vsel vm14, $0x147D, v47;
	v32 =	vsel vm11, $0x5FD, v32  }
0x9e: {  	v50 =	vsel vm0, $0x2F7D, v34;
	v34 =	vsel vm14, $0x147E, v53;
	v32 =	vsel vm10, $0x67D, v32  }
0x9f: {  	v47 =	vimm.s32 $0xA;
	v33 =	vsel vm13, $0x14FD, v33;
	v32 =	vsel vm9, $0x6FD, v32  }
0xa0: {  	v34 =	vsel vm13, $0x14FE, v34;
	v33 =	vsel vm12, $0x157D, v33;
	v32 =	vsel vm8, $0x77D, v32  }
0xa1: {  	[tilespmem:$0x1FF40] =	vst v44;
	v44 =	vor.u32 $0xF800, v1;
	v33 =	vsel vm11, $0x15FD, v33;
	v32 =	vsel vm7, $0x7FD, v32  }
0xa2: {  	[tilespmem:$0x1FF80] =	vst v50;
	v50 =	vimm.s32 $0xD;
	v33 =	vsel vm10, $0x167D, v33;
	v32 =	vsel vm6, $0xC7D, v32  }
0xa3: {  	v34 =	vsel vm12, $0x157E, v34;
	v33 =	vsel vm9, $0x16FD, v33;
	v32 =	vsel vm5, $0xCFD, v32  }
0xa4: {  	v34 =	vsel vm11, $0x15FE, v34;
	v33 =	vsel vm8, $0x177D, v33;
	v32 =	vsel vm4, $0xD7D, v32  }
0xa5: {  	v34 =	vsel vm10, $0x167E, v34;
	v33 =	vsel vm7, $0x17FD, v33;
	v32 =	vsel vm3, $0xDFD, v32  }
0xa6: {  	v34 =	vsel vm9, $0x16FE, v34;
	v33 =	vsel vm6, $0x1C7D, v33;
	v32 =	vsel vm2, $0xE7D, v32  }
0xa7: {  	v34 =	vsel vm8, $0x177E, v34;
	v33 =	vsel vm5, $0x1CFD, v33;
	v32 =	vsel vm1, $0xEFD, v32  }
0xa8: {  	v34 =	vsel vm7, $0x17FE, v34;
	v33 =	vsel vm4, $0x1D7D, v33;
	v32 =	vsel vm0, $0xF7D, v32  }
0xa9: {  	v46 =	vimm.s32 $0x9;
	v33 =	vsel vm3, $0x1DFD, v33;
	[tilespmem:$0x1FF60] =	vst v32;
	v32 =	vsel vm14, $0x347D, v51  }
0xaa: {  	v34 =	vsel vm6, $0x1C7E, v34;
	v33 =	vsel vm2, $0x1E7D, v33;
	v32 =	vsel vm13, $0x34FD, v32  }
0xab: {  	v34 =	vsel vm5, $0x1CFE, v34;
	v33 =	vsel vm1, $0x1EFD, v33;
	v32 =	vsel vm12, $0x357D, v32  }
0xac: {  	v49 =	vsel vm0, $0x1F7D, v33;
	v33 =	vsel vm14, $0x47E, v52;
	v32 =	vsel vm11, $0x35FD, v32  }
0xad: {  	v34 =	vsel vm4, $0x1D7E, v34;
	v33 =	vsel vm13, $0x4FE, v33;
	v32 =	vsel vm10, $0x367D, v32  }
0xae: {  	v34 =	vsel vm3, $0x1DFE, v34;
	v33 =	vsel vm12, $0x57E, v33;
	v32 =	vsel vm9, $0x36FD, v32  }
0xaf: {  	v34 =	vsel vm2, $0x1E7E, v34;
	v33 =	vsel vm11, $0x5FE, v33;
	v32 =	vsel vm8, $0x377D, v32  }
0xb0: {  	v34 =	vsel vm1, $0x1EFE, v34;
	v33 =	vsel vm10, $0x67E, v33;
	v32 =	vsel vm7, $0x37FD, v32  }
0xb1: {  	v55 =	vsel vm0, $0x1F7E, v34;
	v33 =	vsel vm9, $0x6FE, v33;
	v32 =	vsel vm6, $0x3C7D, v32  }
0xb2: {  	v34 =	vsel vm14, $0x47F, v58;
	v33 =	vsel vm8, $0x77E, v33;
	v32 =	vsel vm5, $0x3CFD, v32  }
0xb3: {  	v52 =	vimm.s32 $0xF;
	v33 =	vsel vm7, $0x7FE, v33;
	v32 =	vsel vm4, $0x3D7D, v32  }
0xb4: {  	v34 =	vsel vm13, $0x4FF, v34;
	v33 =	vsel vm6, $0xC7E, v33;
	v32 =	vsel vm3, $0x3DFD, v32  }
0xb5: {  	[tilespmem:$0x1FF70] =	vst v49;
	v49 =	vimm.s32 $0xC;
	v33 =	vsel vm5, $0xCFE, v33;
	v32 =	vsel vm2, $0x3E7D, v32  }
0xb6: {  	v34 =	vsel vm12, $0x57F, v34;
	v33 =	vsel vm4, $0xD7E, v33;
	v32 =	vsel vm1, $0x3EFD, v32  }
0xb7: {  	v34 =	vsel vm11, $0x5FF, v34;
	v33 =	vsel vm3, $0xDFE, v33;
	v32 =	vsel vm0, $0x3F7D, v32  }
0xb8: {  	v34 =	vsel vm10, $0x67F, v34;
	v33 =	vsel vm2, $0xE7E, v33;
	[tilespmem:$0x1FF90] =	vst v32;
	v32 =	vsel vm14, $0x247E, v56  }
0xb9: {  	v34 =	vsel vm9, $0x6FF, v34;
	v33 =	vsel vm1, $0xEFE, v33;
	v32 =	vsel vm13, $0x24FE, v32  }
0xba: {  	v54 =	vsel vm0, $0xF7E, v33;
	v33 =	vsel vm14, $0x347E, v57;
	v32 =	vsel vm12, $0x257E, v32  }
0xbb: {  	v34 =	vsel vm8, $0x77F, v34;
	v33 =	vsel vm13, $0x34FE, v33;
	v32 =	vsel vm11, $0x25FE, v32  }
0xbc: {  	v34 =	vsel vm7, $0x7FF, v34;
	v33 =	vsel vm12, $0x357E, v33;
	v32 =	vsel vm10, $0x267E, v32  }
0xbd: {  	v34 =	vsel vm6, $0xC7F, v34;
	v33 =	vsel vm11, $0x35FE, v33;
	v32 =	vsel vm9, $0x26FE, v32  }
0xbe: {  	v51 =	vimm.s32 $0xE;
	v33 =	vsel vm10, $0x367E, v33;
	v32 =	vsel vm8, $0x277E, v32  }
0xbf: {  	v34 =	vsel vm5, $0xCFF, v34;
	v33 =	vsel vm9, $0x36FE, v33;
	v32 =	vsel vm7, $0x27FE, v32  }
0xc0: {  	v34 =	vsel vm4, $0xD7F, v34;
	v33 =	vsel vm8, $0x377E, v33;
	v32 =	vsel vm6, $0x2C7E, v32  }
0xc1: {  	v34 =	vsel vm3, $0xDFF, v34;
	v33 =	vsel vm7, $0x37FE, v33;
	v32 =	vsel vm5, $0x2CFE, v32  }
0xc2: {  	v34 =	vsel vm2, $0xE7F, v34;
	v33 =	vsel vm6, $0x3C7E, v33;
	v32 =	vsel vm4, $0x2D7E, v32  }
0xc3: {  	v34 =	vsel vm1, $0xEFF, v34;
	v33 =	vsel vm5, $0x3CFE, v33;
	v32 =	vsel vm3, $0x2DFE, v32  }
0xc4: {  	v60 =	vsel vm0, $0xF7F, v34;
	v33 =	vsel vm4, $0x3D7E, v33;
	v32 =	vsel vm2, $0x2E7E, v32  }
0xc5: {  	v34 =	vsel vm14, $0x347F, v63;
	v33 =	vsel vm3, $0x3DFE, v33;
	v32 =	vsel vm1, $0x2EFE, v32  }
0xc6: {  	v34 =	vsel vm13, $0x34FF, v34;
	v33 =	vsel vm2, $0x3E7E, v33;
	v32 =	vsel vm0, $0x2F7E, v32  }
0xc7: {  	s1 =	rddreg [dreg:$0x1];
	v34 =	vsel vm12, $0x357F, v34;
	v33 =	vsel vm1, $0x3EFE, v33;
	[tilespmem:$0x1FFC0] =	vst v32;
	v32 =	vsel vm14, $0x147F, v61  }
0xc8: {  	s0 =	rddreg [dreg:$0x2];
	v59 =	vsel vm0, $0x3F7E, v33;
	v33 =	vsel vm14, $0x247F, v62;
	v32 =	vsel vm13, $0x14FF, v32  }
0xc9: {  	s2 =	rddreg [dreg:$0x3];
	s4 =	simm.s32 $0x0;
	s31 =	simm.s32 $0x4000;
	v34 =	vsel vm11, $0x35FF, v34;
	v33 =	vsel vm13, $0x24FF, v33;
	v32 =	vsel vm12, $0x157F, v32  }
0xca: {  	s3 =	srdreg.scid;
	s14 =	simm.s32 $0x16000;
	s16 =	simm.s32 $0x7A1400;
	v34 =	vsel vm10, $0x367F, v34;
	v33 =	vsel vm12, $0x257F, v33;
	v32 =	vsel vm11, $0x15FF, v32  }
0xcb: {  	s17 =	simm.s32 $0x400;
	s18 =	simm.s32 $0x2000;
	[smem:$0x7FF] =	sst s4;
	v34 =	vsel vm9, $0x36FF, v34;
	v33 =	vsel vm11, $0x25FF, v33;
	v32 =	vsel vm10, $0x167F, v32  }
0xcc: {  	s3 =	sand.u32 $0x1, s3;
	s5 =	sshll.u32 s8, $0x9;
	s25 =	sand.u32 $0x3, s8;
	v34 =	vsel vm8, $0x377F, v34;
	v33 =	vsel vm10, $0x267F, v33;
	v32 =	vsel vm9, $0x16FF, v32  }
0xcd: {  	s21 =	ssub.s32 $0x2, s3;
	s5 =	sand.u32 $0x600, s5;
	s24 =	sshll.u32 s22, $0xE;
	[tilespmem:$0x1FFB0] =	vst v55;
	v34 =	vsel vm7, $0x37FF, v34;
	v33 =	vsel vm9, $0x26FF, v33;
	v32 =	vsel vm8, $0x177F, v32  }
0xce: {  	s7 =	sshll.u32 s3, $0x8;
	s26 =	sshll.u32 s25, $0xB;
	s3 =	sshll.u32 s3, $0xA;
	[tilespmem:$0x1FFA0] =	vst v54;
	v34 =	vsel vm6, $0x3C7F, v34;
	v33 =	vsel vm8, $0x277F, v33;
	v32 =	vsel vm7, $0x17FF, v32  }
0xcf: {  	s6 =	sshrl.u32 s21, $0x1;
	s30 =	sor.u32 s7, s5;
	s2 =	sadd.s32 s2, s24;
	[tilespmem:$0x1FFE0] =	vst v60;
	v34 =	vsel vm5, $0x3CFF, v34;
	v33 =	vsel vm7, $0x27FF, v33;
	v32 =	vsel vm6, $0x1C7F, v32  }
0xd0: {  	s4 =	ssub.s32 s21, s6;
	s0 =	sadd.s32 s0, s30;
	s5 =	sshll.u32 s30, $0x2;
	v34 =	vsel vm4, $0x3D7F, v34;
	[tilespmem:$0x1FFD0] =	vst v59;
	v33 =	vsel vm6, $0x2C7F, v33;
	v32 =	vsel vm5, $0x1CFF, v32  }
0xd1: {  	s5 =	sor.u32 s23, s5;
	v34 =	vsel vm3, $0x3DFF, v34;
	v33 =	vsel vm5, $0x2CFF, v33;
	_ =	strace $0x80000047;
	[dreg:$0x5] =	wrdreg s0;
	v32 =	vsel vm4, $0x1D7F, v32  }
.Ltmp0:
0xd2: {  	s2 =	sadd.s32 s30, s2;
	v34 =	vsel vm2, $0x3E7F, v34;
	v33 =	vsel vm4, $0x2D7F, v33;
	[dreg:$0x6] =	wrdreg s5;
	v32 =	vsel vm3, $0x1DFF, v32;
	(pc) =	sbr.rel .LBB2_1-.Ltmp0, $4  }
0xd3: {  	s29 =	sor.u32 s3, s26;
	s28 =	smax.u32 s4, $0x1;
	v34 =	vsel vm1, $0x3EFF, v34;
	v33 =	vsel vm3, $0x2DFF, v33;
	[dreg:$0x7] =	wrdreg s2;
	v32 =	vsel vm2, $0x1E7F, v32  }
0xd4: {  	s7 =	simm.s32 $0x800;
	s26 =	simm.s32 $0x12000;
	v63 =	vsel vm0, $0x3F7F, v34;
	[dreg:$0x8] =	wrdreg s28;
	v33 =	vsel vm2, $0x2E7F, v33;
	v32 =	vsel vm1, $0x1EFF, v32  }
0xd5: {  	s6 =	simm.s32 $0xA;
	s4 =	simm.s32 $0x7;
	v34 =	vimm.s32 $0x6;
	[dreg:$0x9] =	wrdreg s29;
	v33 =	vsel vm1, $0x2EFF, v33;
	v32 =	vsel vm0, $0x1F7F, v32  }
0xd6: {  	s2 =	simm.s32 $0x6;
	s0 =	simm.s32 $0x8;
	s5 =	simm.s32 $0x0;
	v62 =	vsel vm0, $0x2F7F, v33;
	v33 =	vor.u32 $0xB800, v1;
	[tilespmem:$0x1FFF0] =	vst v32;
	v32 =	vor.u32 $0xB000, v1  }
.LBB2_15:
0xd7: {  	s3 =	rddreg [dreg:$0x6]  }
0xd8: {  	v53 =	vld [tilespmem:s3+$0x270];
	_ =	sdelay $0x4  }
0xd9: {  	v54 =	vshra.s32 v53, $0x1F  }
0xda: {  	s21 =	simm.s32 $0x1;
	v54 =	vshrl.u32 v54, $0x19  }
0xdb: {  	_ =	swait.ge [sflag:s21], $0x2000;
	v54 =	vadd.s32 v54, v53  }
0xdc: {  	v58 =	vld [tilespmem:$0x1FE20];
	v54 =	vand.u32 $0xFFFFFF80, v54  }
0xdd: {  	v53 =	vsub.s32 v53, v54  }
0xde: {  	v54 =	vperm.xlane v53, v45;
	_ =	sdelay $0x1  }
0xdf: {  	v55 =	vadd.s32 v1, v54;
	_ =	sdelay $0x1  }
0xe0: {  	[sflag:s21] =	ssyncset.done $0x0  }
0xe1: {  	[sflag:s21] =	ssyncadd.s32 $0xFFFFE000  }
0xe2: {  	v56 =	vld.idx.msk [tilespmem:v58+s14+$0x0], $0xffff  }
0xe3: {  	v55 =	vld.idx.msk [tilespmem:v55+s18+$0x0], $0xffff;
	_ =	sdelay $0x4  }
0xe4: {  	v55 =	vadd.f32 v56, v55;
	_ =	sdelay $0x1  }
0xe5: {  	[tilespmem:v58+s26+$0x0] =	vst.idx.msk $0xffff, v55;
	v58 =	vld [tilespmem:$0x1FE30];
	_ =	sdelay $0x1  }
0xe6: {  	v57 =	vadd.s32 v4, v54;
	_ =	sdelay $0x4  }
0xe7: {  	v55 =	vld.idx.msk [tilespmem:v57+s18+$0x0], $0xffff  }
0xe8: {  	v61 =	vld.idx.msk [tilespmem:v58+s14+$0x0], $0xffff;
	_ =	sdelay $0x4  }
0xe9: {  	v55 =	vadd.f32 v61, v55;
	v61 =	vld [tilespmem:$0x1FE40];
	_ =	sdelay $0x1  }
0xea: {  	v60 =	vadd.s32 v6, v54;
	_ =	sdelay $0x3  }
0xeb: {  	[tilespmem:v58+s26+$0x0] =	vst.idx.msk $0xffff, v55  }
0xec: {  	v55 =	vld.idx.msk [tilespmem:v60+s18+$0x0], $0xffff  }
0xed: {  	v60 =	vld.idx.msk [tilespmem:v61+s14+$0x0], $0xffff;
	_ =	sdelay $0x4  }
0xee: {  	v55 =	vadd.f32 v60, v55;
	_ =	sdelay $0x1  }
0xef: {  	[tilespmem:v61+s26+$0x0] =	vst.idx.msk $0xffff, v55;
	v61 =	vld [tilespmem:$0x1FE50];
	_ =	sdelay $0x1  }
0xf0: {  	v54 =	vadd.s32 v8, v54;
	_ =	sdelay $0x4  }
0xf1: {  	v54 =	vld.idx.msk [tilespmem:v54+s18+$0x0], $0xffff  }
0xf2: {  	v55 =	vld.idx.msk [tilespmem:v61+s14+$0x0], $0xffff;
	_ =	sdelay $0x4  }
0xf3: {  	v54 =	vadd.f32 v55, v54;
	_ =	sdelay $0x1  }
0xf4: {  	s22 =	simm.s32 $0x2;
	[tilespmem:v61+s26+$0x0] =	vst.idx.msk $0xffff, v54  }
0xf5: {  	_ =	swait.ge [sflag:s22], $0x2000  }
0xf6: {  	v56 =	vperm.xlane v53, v46;
	v58 =	vld [tilespmem:$0x1FE60];
	_ =	sdelay $0x1  }
0xf7: {  	v60 =	vadd.s32 v11, v56;
	_ =	sdelay $0x2  }
0xf8: {  	[sflag:s22] =	ssyncset.done $0x0  }
0xf9: {  	[sflag:s22] =	ssyncadd.s32 $0xFFFFE000  }
0xfa: {  	v54 =	vld.idx.msk [tilespmem:v60+s18+$0x0], $0xffff  }
0xfb: {  	v61 =	vld.idx.msk [tilespmem:v58+s14+$0x0], $0xffff;
	_ =	sdelay $0x4  }
0xfc: {  	v54 =	vadd.f32 v61, v54;
	_ =	sdelay $0x1  }
0xfd: {  	[tilespmem:v58+s26+$0x0] =	vst.idx.msk $0xffff, v54;
	v58 =	vld [tilespmem:$0x1FE70];
	_ =	sdelay $0x1  }
0xfe: {  	v60 =	vadd.s32 v12, v56;
	_ =	sdelay $0x4  }
0xff: {  	v54 =	vld.idx.msk [tilespmem:v60+s18+$0x0], $0xffff  }
0x100: {  	v61 =	vld.idx.msk [tilespmem:v58+s14+$0x0], $0xffff;
	_ =	sdelay $0x4  }
0x101: {  	v54 =	vadd.f32 v61, v54;
	v61 =	vld [tilespmem:$0x1FE80];
	_ =	sdelay $0x1  }
0x102: {  	v60 =	vadd.s32 v13, v56;
	_ =	sdelay $0x3  }
0x103: {  	[tilespmem:v58+s26+$0x0] =	vst.idx.msk $0xffff, v54  }
0x104: {  	v54 =	vld.idx.msk [tilespmem:v60+s18+$0x0], $0xffff  }
0x105: {  	v60 =	vld.idx.msk [tilespmem:v61+s14+$0x0], $0xffff  }
0x106: {  	v57 =	vld [tilespmem:$0x1FE90];
	_ =	sdelay $0x1  }
0x107: {  	v56 =	vadd.s32 v14, v56;
	_ =	sdelay $0x1  }
0x108: {  	v54 =	vadd.f32 v60, v54;
	_ =	sdelay $0x1  }
0x109: {  	[tilespmem:v61+s26+$0x0] =	vst.idx.msk $0xffff, v54  }
0x10a: {  	v54 =	vld.idx.msk [tilespmem:v56+s18+$0x0], $0xffff  }
0x10b: {  	v61 =	vld.idx.msk [tilespmem:v57+s14+$0x0], $0xffff;
	_ =	sdelay $0x4  }
0x10c: {  	v54 =	vadd.f32 v61, v54;
	_ =	sdelay $0x1  }
0x10d: {  	s23 =	simm.s32 $0x3;
	[tilespmem:v57+s26+$0x0] =	vst.idx.msk $0xffff, v54  }
0x10e: {  	_ =	swait.ge [sflag:s23], $0x2000  }
0x10f: {  	v56 =	vperm.xlane v53, v47;
	v58 =	vld [tilespmem:$0x1FEA0];
	_ =	sdelay $0x1  }
0x110: {  	v60 =	vadd.s32 v16, v56;
	_ =	sdelay $0x2  }
0x111: {  	[sflag:s23] =	ssyncset.done $0x0  }
0x112: {  	[sflag:s23] =	ssyncadd.s32 $0xFFFFE000  }
0x113: {  	v54 =	vld.idx.msk [tilespmem:v60+s18+$0x0], $0xffff  }
0x114: {  	v61 =	vld.idx.msk [tilespmem:v58+s14+$0x0], $0xffff;
	_ =	sdelay $0x4  }
0x115: {  	v54 =	vadd.f32 v61, v54;
	_ =	sdelay $0x1  }
0x116: {  	[tilespmem:v58+s26+$0x0] =	vst.idx.msk $0xffff, v54;
	v58 =	vld [tilespmem:$0x1FEB0];
	_ =	sdelay $0x1  }
0x117: {  	v60 =	vadd.s32 v17, v56;
	_ =	sdelay $0x4  }
0x118: {  	v54 =	vld.idx.msk [tilespmem:v60+s18+$0x0], $0xffff  }
0x119: {  	v61 =	vld.idx.msk [tilespmem:v58+s14+$0x0], $0xffff;
	_ =	sdelay $0x4  }
0x11a: {  	v54 =	vadd.f32 v61, v54;
	v61 =	vld [tilespmem:$0x1FEC0];
	_ =	sdelay $0x1  }
0x11b: {  	v60 =	vadd.s32 v18, v56;
	_ =	sdelay $0x3  }
0x11c: {  	[tilespmem:v58+s26+$0x0] =	vst.idx.msk $0xffff, v54  }
0x11d: {  	v54 =	vld.idx.msk [tilespmem:v60+s18+$0x0], $0xffff  }
0x11e: {  	v60 =	vld.idx.msk [tilespmem:v61+s14+$0x0], $0xffff  }
0x11f: {  	v57 =	vld [tilespmem:$0x1FED0];
	_ =	sdelay $0x1  }
0x120: {  	v56 =	vadd.s32 v19, v56;
	_ =	sdelay $0x1  }
0x121: {  	v54 =	vadd.f32 v60, v54;
	_ =	sdelay $0x1  }
0x122: {  	[tilespmem:v61+s26+$0x0] =	vst.idx.msk $0xffff, v54  }
0x123: {  	v54 =	vld.idx.msk [tilespmem:v56+s18+$0x0], $0xffff  }
0x124: {  	v61 =	vld.idx.msk [tilespmem:v57+s14+$0x0], $0xffff;
	_ =	sdelay $0x4  }
0x125: {  	v54 =	vadd.f32 v61, v54;
	_ =	sdelay $0x1  }
0x126: {  	s24 =	simm.s32 $0x4;
	[tilespmem:v57+s26+$0x0] =	vst.idx.msk $0xffff, v54  }
0x127: {  	_ =	swait.ge [sflag:s24], $0x2000  }
0x128: {  	v56 =	vperm.xlane v53, v48;
	v58 =	vld [tilespmem:$0x1FEE0];
	_ =	sdelay $0x1  }
0x129: {  	v60 =	vadd.s32 v20, v56;
	_ =	sdelay $0x2  }
0x12a: {  	[sflag:s24] =	ssyncset.done $0x0  }
0x12b: {  	[sflag:s24] =	ssyncadd.s32 $0xFFFFE000  }
0x12c: {  	v54 =	vld.idx.msk [tilespmem:v60+s18+$0x0], $0xffff  }
0x12d: {  	v61 =	vld.idx.msk [tilespmem:v58+s14+$0x0], $0xffff;
	_ =	sdelay $0x4  }
0x12e: {  	v54 =	vadd.f32 v61, v54;
	_ =	sdelay $0x1  }
0x12f: {  	[tilespmem:v58+s26+$0x0] =	vst.idx.msk $0xffff, v54;
	v58 =	vld [tilespmem:$0x1FEF0];
	_ =	sdelay $0x1  }
0x130: {  	v60 =	vadd.s32 v21, v56;
	_ =	sdelay $0x4  }
0x131: {  	v54 =	vld.idx.msk [tilespmem:v60+s18+$0x0], $0xffff  }
0x132: {  	v61 =	vld.idx.msk [tilespmem:v58+s14+$0x0], $0xffff;
	_ =	sdelay $0x4  }
0x133: {  	v54 =	vadd.f32 v61, v54;
	v61 =	vld [tilespmem:$0x1FF00];
	_ =	sdelay $0x1  }
0x134: {  	v60 =	vadd.s32 v22, v56;
	_ =	sdelay $0x3  }
0x135: {  	[tilespmem:v58+s26+$0x0] =	vst.idx.msk $0xffff, v54  }
0x136: {  	v54 =	vld.idx.msk [tilespmem:v60+s18+$0x0], $0xffff  }
0x137: {  	v60 =	vld.idx.msk [tilespmem:v61+s14+$0x0], $0xffff  }
0x138: {  	v57 =	vld [tilespmem:$0x1FF10];
	_ =	sdelay $0x1  }
0x139: {  	v56 =	vadd.s32 v23, v56;
	_ =	sdelay $0x1  }
0x13a: {  	v54 =	vadd.f32 v60, v54;
	_ =	sdelay $0x1  }
0x13b: {  	[tilespmem:v61+s26+$0x0] =	vst.idx.msk $0xffff, v54  }
0x13c: {  	v54 =	vld.idx.msk [tilespmem:v56+s18+$0x0], $0xffff  }
0x13d: {  	v61 =	vld.idx.msk [tilespmem:v57+s14+$0x0], $0xffff;
	_ =	sdelay $0x4  }
0x13e: {  	v54 =	vadd.f32 v61, v54;
	_ =	sdelay $0x1  }
0x13f: {  	s25 =	simm.s32 $0x5;
	[tilespmem:v57+s26+$0x0] =	vst.idx.msk $0xffff, v54  }
0x140: {  	_ =	swait.ge [sflag:s25], $0x2000  }
0x141: {  	v56 =	vperm.xlane v53, v49;
	v58 =	vld [tilespmem:$0x1FF20];
	_ =	sdelay $0x1  }
0x142: {  	v60 =	vadd.s32 v25, v56;
	_ =	sdelay $0x2  }
0x143: {  	[sflag:s25] =	ssyncset.done $0x0  }
0x144: {  	[sflag:s25] =	ssyncadd.s32 $0xFFFFE000  }
0x145: {  	v54 =	vld.idx.msk [tilespmem:v60+s18+$0x0], $0xffff  }
0x146: {  	v61 =	vld.idx.msk [tilespmem:v58+s14+$0x0], $0xffff;
	_ =	sdelay $0x4  }
0x147: {  	v54 =	vadd.f32 v61, v54;
	_ =	sdelay $0x1  }
0x148: {  	[tilespmem:v58+s26+$0x0] =	vst.idx.msk $0xffff, v54;
	v58 =	vld [tilespmem:$0x1FF30];
	_ =	sdelay $0x1  }
0x149: {  	v60 =	vadd.s32 v26, v56;
	_ =	sdelay $0x4  }
0x14a: {  	v54 =	vld.idx.msk [tilespmem:v60+s18+$0x0], $0xffff  }
0x14b: {  	v61 =	vld.idx.msk [tilespmem:v58+s14+$0x0], $0xffff;
	_ =	sdelay $0x4  }
0x14c: {  	v54 =	vadd.f32 v61, v54;
	v61 =	vld [tilespmem:$0x1FF40];
	_ =	sdelay $0x1  }
0x14d: {  	v60 =	vadd.s32 v27, v56;
	_ =	sdelay $0x3  }
0x14e: {  	[tilespmem:v58+s26+$0x0] =	vst.idx.msk $0xffff, v54  }
0x14f: {  	v54 =	vld.idx.msk [tilespmem:v60+s18+$0x0], $0xffff  }
0x150: {  	v60 =	vld.idx.msk [tilespmem:v61+s14+$0x0], $0xffff  }
0x151: {  	v57 =	vld [tilespmem:$0x1FF50];
	_ =	sdelay $0x1  }
0x152: {  	v56 =	vadd.s32 v28, v56;
	_ =	sdelay $0x1  }
0x153: {  	v54 =	vadd.f32 v60, v54;
	_ =	sdelay $0x1  }
0x154: {  	[tilespmem:v61+s26+$0x0] =	vst.idx.msk $0xffff, v54  }
0x155: {  	v54 =	vld.idx.msk [tilespmem:v56+s18+$0x0], $0xffff  }
0x156: {  	v61 =	vld.idx.msk [tilespmem:v57+s14+$0x0], $0xffff;
	_ =	sdelay $0x4  }
0x157: {  	v54 =	vadd.f32 v61, v54;
	_ =	sdelay $0x1  }
0x158: {  	[tilespmem:v57+s26+$0x0] =	vst.idx.msk $0xffff, v54  }
0x159: {  	_ =	swait.ge [sflag:s2], $0x2000  }
0x15a: {  	v56 =	vperm.xlane v53, v50;
	v58 =	vld [tilespmem:$0x1FF60];
	_ =	sdelay $0x1  }
0x15b: {  	v60 =	vadd.s32 v30, v56;
	_ =	sdelay $0x2  }
0x15c: {  	[sflag:s2] =	ssyncset.done $0x0  }
0x15d: {  	[sflag:s2] =	ssyncadd.s32 $0xFFFFE000  }
0x15e: {  	v54 =	vld.idx.msk [tilespmem:v60+s18+$0x0], $0xffff  }
0x15f: {  	v61 =	vld.idx.msk [tilespmem:v58+s14+$0x0], $0xffff;
	_ =	sdelay $0x4  }
0x160: {  	v54 =	vadd.f32 v61, v54;
	_ =	sdelay $0x1  }
0x161: {  	[tilespmem:v58+s26+$0x0] =	vst.idx.msk $0xffff, v54;
	v58 =	vld [tilespmem:$0x1FF70];
	_ =	sdelay $0x1  }
0x162: {  	v60 =	vadd.s32 v31, v56;
	_ =	sdelay $0x4  }
0x163: {  	v54 =	vld.idx.msk [tilespmem:v60+s18+$0x0], $0xffff  }
0x164: {  	v61 =	vld.idx.msk [tilespmem:v58+s14+$0x0], $0xffff;
	_ =	sdelay $0x4  }
0x165: {  	v54 =	vadd.f32 v61, v54;
	v61 =	vld [tilespmem:$0x1FF80];
	_ =	sdelay $0x1  }
0x166: {  	v60 =	vadd.s32 v32, v56;
	_ =	sdelay $0x3  }
0x167: {  	[tilespmem:v58+s26+$0x0] =	vst.idx.msk $0xffff, v54  }
0x168: {  	v54 =	vld.idx.msk [tilespmem:v60+s18+$0x0], $0xffff  }
0x169: {  	v60 =	vld.idx.msk [tilespmem:v61+s14+$0x0], $0xffff  }
0x16a: {  	v57 =	vld [tilespmem:$0x1FF90];
	_ =	sdelay $0x1  }
0x16b: {  	v56 =	vadd.s32 v33, v56;
	_ =	sdelay $0x1  }
0x16c: {  	v54 =	vadd.f32 v60, v54;
	_ =	sdelay $0x1  }
0x16d: {  	[tilespmem:v61+s26+$0x0] =	vst.idx.msk $0xffff, v54  }
0x16e: {  	v54 =	vld.idx.msk [tilespmem:v56+s18+$0x0], $0xffff  }
0x16f: {  	v61 =	vld.idx.msk [tilespmem:v57+s14+$0x0], $0xffff;
	_ =	sdelay $0x4  }
0x170: {  	v54 =	vadd.f32 v61, v54;
	_ =	sdelay $0x1  }
0x171: {  	[tilespmem:v57+s26+$0x0] =	vst.idx.msk $0xffff, v54  }
0x172: {  	_ =	swait.ge [sflag:s4], $0x2000  }
0x173: {  	v56 =	vperm.xlane v53, v51;
	v58 =	vld [tilespmem:$0x1FFA0];
	_ =	sdelay $0x1  }
0x174: {  	v60 =	vadd.s32 v35, v56;
	_ =	sdelay $0x2  }
0x175: {  	[sflag:s4] =	ssyncset.done $0x0  }
0x176: {  	[sflag:s4] =	ssyncadd.s32 $0xFFFFE000  }
0x177: {  	v54 =	vld.idx.msk [tilespmem:v60+s18+$0x0], $0xffff  }
0x178: {  	v61 =	vld.idx.msk [tilespmem:v58+s14+$0x0], $0xffff;
	_ =	sdelay $0x4  }
0x179: {  	v54 =	vadd.f32 v61, v54;
	_ =	sdelay $0x1  }
0x17a: {  	[tilespmem:v58+s26+$0x0] =	vst.idx.msk $0xffff, v54;
	v58 =	vld [tilespmem:$0x1FFB0];
	_ =	sdelay $0x1  }
0x17b: {  	v60 =	vadd.s32 v36, v56;
	_ =	sdelay $0x4  }
0x17c: {  	v54 =	vld.idx.msk [tilespmem:v60+s18+$0x0], $0xffff  }
0x17d: {  	v61 =	vld.idx.msk [tilespmem:v58+s14+$0x0], $0xffff;
	_ =	sdelay $0x4  }
0x17e: {  	v54 =	vadd.f32 v61, v54;
	v61 =	vld [tilespmem:$0x1FFC0];
	_ =	sdelay $0x1  }
0x17f: {  	v60 =	vadd.s32 v37, v56;
	_ =	sdelay $0x3  }
0x180: {  	[tilespmem:v58+s26+$0x0] =	vst.idx.msk $0xffff, v54  }
0x181: {  	v54 =	vld.idx.msk [tilespmem:v60+s18+$0x0], $0xffff  }
0x182: {  	v60 =	vld.idx.msk [tilespmem:v61+s14+$0x0], $0xffff;
	_ =	sdelay $0x4  }
0x183: {  	v54 =	vadd.f32 v60, v54;
	_ =	sdelay $0x1  }
0x184: {  	[tilespmem:v61+s26+$0x0] =	vst.idx.msk $0xffff, v54;
	v61 =	vld [tilespmem:$0x1FFD0];
	_ =	sdelay $0x1  }
0x185: {  	v56 =	vadd.s32 v38, v56;
	_ =	sdelay $0x4  }
0x186: {  	v54 =	vld.idx.msk [tilespmem:v56+s18+$0x0], $0xffff  }
0x187: {  	v59 =	vld.idx.msk [tilespmem:v61+s14+$0x0], $0xffff;
	_ =	sdelay $0x4  }
0x188: {  	v54 =	vadd.f32 v59, v54;
	_ =	sdelay $0x1  }
0x189: {  	[tilespmem:v61+s26+$0x0] =	vst.idx.msk $0xffff, v54  }
0x18a: {  	_ =	swait.ge [sflag:s0], $0x2000  }
0x18b: {  	v53 =	vperm.xlane v53, v52;
	v57 =	vld [tilespmem:$0x1FFE0];
	_ =	sdelay $0x1  }
0x18c: {  	v60 =	vadd.s32 v41, v53;
	_ =	sdelay $0x2  }
0x18d: {  	[sflag:s0] =	ssyncset.done $0x0  }
0x18e: {  	[sflag:s0] =	ssyncadd.s32 $0xFFFFE000  }
0x18f: {  	v54 =	vld.idx.msk [tilespmem:v60+s18+$0x0], $0xffff  }
0x190: {  	v61 =	vld.idx.msk [tilespmem:v57+s14+$0x0], $0xffff;
	_ =	sdelay $0x4  }
0x191: {  	v54 =	vadd.f32 v61, v54;
	_ =	sdelay $0x1  }
0x192: {  	[tilespmem:v57+s26+$0x0] =	vst.idx.msk $0xffff, v54;
	v57 =	vld [tilespmem:$0x1FFF0];
	_ =	sdelay $0x1  }
0x193: {  	v60 =	vadd.s32 v42, v53;
	_ =	sdelay $0x4  }
0x194: {  	v54 =	vld.idx.msk [tilespmem:v60+s18+$0x0], $0xffff  }
0x195: {  	v61 =	vld.idx.msk [tilespmem:v57+s14+$0x0], $0xffff;
	_ =	sdelay $0x2  }
0x196: {  	v60 =	vadd.s32 v43, v53;
	_ =	sdelay $0x1  }
0x197: {  	v54 =	vadd.f32 v61, v54;
	_ =	sdelay $0x1  }
0x198: {  	[tilespmem:v57+s26+$0x0] =	vst.idx.msk $0xffff, v54  }
0x199: {  	v54 =	vld.idx.msk [tilespmem:v60+s18+$0x0], $0xffff  }
0x19a: {  	v61 =	vld.idx.msk [tilespmem:v62+s14+$0x0], $0xffff;
	_ =	sdelay $0x2  }
0x19b: {  	v53 =	vadd.s32 v44, v53;
	_ =	sdelay $0x1  }
0x19c: {  	v54 =	vadd.f32 v61, v54;
	_ =	sdelay $0x1  }
0x19d: {  	[tilespmem:v62+s26+$0x0] =	vst.idx.msk $0xffff, v54  }
0x19e: {  	v53 =	vld.idx.msk [tilespmem:v53+s18+$0x0], $0xffff  }
0x19f: {  	v54 =	vld.idx.msk [tilespmem:v63+s14+$0x0], $0xffff;
	_ =	sdelay $0x4  }
0x1a0: {  	v53 =	vadd.f32 v54, v53;
	_ =	sdelay $0x1  }
0x1a1: {  	s7 =	simm.s32 $0x800;
	s6 =	simm.s32 $0xA;
	s28 =	rddreg [dreg:$0x7];
	[tilespmem:v63+s26+$0x0] =	vst.idx.msk $0xffff, v53  }
0x1a2: {  	[hbm4b:s28+s7] =	stream.strided.scatter [tilespmem:s26], [sflag:$0xA], $0x4000, s31, s7, $0x38;
	[tilespmem:$0x1A000] =	vst v63  }
0x1a3: {  	_ =	swait.ge [sflag:s6], $0x4000  }
0x1a4: {  	s5 =	rddreg [dreg:$0xa]  }
0x1a5: {  	s29 =	rddreg [dreg:$0x8];
	s5 =	sadd.s32 $0x1, s5  }
0x1a6: {  	p0 =	sne.s32 s5, s29  }
.Ltmp1:
0x1a7: {  	_ = 	snop;
	(pc) =	sbr.rel @!p0 .LBB2_16-.Ltmp1, $3  }
0x1a8: {  	_ =	sdelay $0x1  }
0x1a9: {  	[sflag:s6] =	ssyncset.done $0x0  }
0x1aa: {  	[sflag:s6] =	ssyncadd.s32 $0xFFFFC000  }
.LBB2_1:
0x1ab: {  	[dreg:$0xa] =	wrdreg s5  }
0x1ac: {  	s3 =	rddreg [dreg:$0x0];
	s25 =	simm.s32 $0x0  }
0x1ad: {  	[tilespmem:s25], [sflag:$0xA] =	stream.linear.gather [hbm4b:s3+s25], $0x2000, $0x38;
	[tilespmem:$0x1A000] =	vst v63  }
0x1ae: {  	_ =	swait.ge [sflag:s6], $0x2000  }
0x1af: {  	s29 =	simm.s32 $0x9;
	[sflag:s6] =	ssyncset.done $0x0  }
.Ltmp2:
0x1b0: {  	s28 =	rddreg [dreg:$0x5];
	[sflag:s6] =	ssyncadd.s32 $0xFFFFE000;
	(pc) =	sbr.rel .LBB2_2-.Ltmp2, $4  }
0x1b1: {  	[tilespmem:s14], [sflag:$0x9] =	stream.strided.gather [hbm4b:s28+s7], $0x4000, s31, s7, $0x38;
	[tilespmem:$0x1A000] =	vst v63  }
0x1b2: {  	_ =	swait.ge [sflag:s29], $0x4000  }
0x1b3: {  	s6 =	simm.s32 $0xFFFFFFF8;
	[sflag:s29] =	ssyncset.done $0x0  }
0x1b4: {  	s7 =	simm.s32 $0xFFFFFFFF;
	s10 =	rddreg [dreg:$0x9];
	[sflag:s29] =	ssyncadd.s32 $0xFFFFC000  }
.LBB2_13:
0x1b5: {  	s22 =	simm.s32 $0xE000  }
0x1b6: {  	[tilespmem:s22], [sflag:$0x7] =	stream.strided.gather [hbm4b:s13+s17], $0x2000, s16, s17, $0x38;
	[tilespmem:$0x1A000] =	vst v63  }
.LBB2_14:
0x1b7: {  	v54 =	vshra.s32 v53, $0x1F  }
0x1b8: {  	v54 =	vshrl.u32 v54, $0x19  }
0x1b9: {  	v55 =	vmov s20;
	v54 =	vadd.s32 v54, v53  }
0x1ba: {  	v56 =	vshll.u32 v55, $0x3;
	v54 =	vand.u32 $0xFFFFFF80, v54  }
0x1bb: {  	v55 =	vand.u32 $0x70, v55;
	v56 =	vand.u32 $0x400, v56;
	v53 =	vsub.s32 v53, v54  }
0x1bc: {  	s13 =	sand.u32 $0xFFFFF80, s21;
	v55 =	vor.u32 v55, v56;
	v54 =	vperm.xlane v53, v0  }
0x1bd: {  	s20 =	simm.s32 $0x10000;
	s21 =	simm.s32 $0x1;
	s13 =	sadd.s32 s1, s13;
	v56 =	vor.u32 v3, v55  }
0x1be: {  	[tilespmem:s20], [sflag:$0x8] =	stream.strided.gather [hbm4b:s13+s17], $0x2000, s16, s17, $0x38;
	v57 =	vadd.s32 v1, v54;
	[tilespmem:$0x1A000] =	vst v63  }
0x1bf: {  	_ =	swait.ge [sflag:s21], $0x2000  }
0x1c0: {  	[sflag:s21] =	ssyncset.done $0x0  }
0x1c1: {  	[sflag:s21] =	ssyncadd.s32 $0xFFFFE000  }
0x1c2: {  	v58 =	vld.idx.msk [tilespmem:v56+s14+$0x0], $0xffff  }
0x1c3: {  	v57 =	vld.idx.msk [tilespmem:v57+s18+$0x0], $0xffff;
	_ =	sdelay $0x2  }
0x1c4: {  	v59 =	vadd.s32 v4, v54  }
0x1c5: {  	v60 =	vor.u32 v5, v55  }
0x1c6: {  	v57 =	vadd.f32 v58, v57;
	_ =	sdelay $0x1  }
0x1c7: {  	[tilespmem:v56+s26+$0x0] =	vst.idx.msk $0xffff, v57  }
0x1c8: {  	v56 =	vld.idx.msk [tilespmem:v59+s18+$0x0], $0xffff  }
0x1c9: {  	v57 =	vld.idx.msk [tilespmem:v60+s14+$0x0], $0xffff;
	_ =	sdelay $0x2  }
0x1ca: {  	v61 =	vadd.s32 v6, v54  }
0x1cb: {  	v59 =	vor.u32 v7, v55  }
0x1cc: {  	v56 =	vadd.f32 v57, v56;
	_ =	sdelay $0x1  }
0x1cd: {  	[tilespmem:v60+s26+$0x0] =	vst.idx.msk $0xffff, v56  }
0x1ce: {  	v56 =	vld.idx.msk [tilespmem:v61+s18+$0x0], $0xffff  }
0x1cf: {  	v61 =	vld.idx.msk [tilespmem:v59+s14+$0x0], $0xffff;
	_ =	sdelay $0x2  }
0x1d0: {  	v54 =	vadd.s32 v8, v54  }
0x1d1: {  	v55 =	vor.u32 v9, v55  }
0x1d2: {  	v56 =	vadd.f32 v61, v56;
	_ =	sdelay $0x1  }
0x1d3: {  	[tilespmem:v59+s26+$0x0] =	vst.idx.msk $0xffff, v56  }
0x1d4: {  	v54 =	vld.idx.msk [tilespmem:v54+s18+$0x0], $0xffff  }
0x1d5: {  	v56 =	vld.idx.msk [tilespmem:v55+s14+$0x0], $0xffff;
	_ =	sdelay $0x2  }
0x1d6: {  	s29 =	sadd.s32 $0x9, s6  }
0x1d7: {  	v60 =	vmov s29  }
0x1d8: {  	v61 =	vshll.u32 v60, $0x3;
	v54 =	vadd.f32 v56, v54;
	v56 =	vperm.xlane v53, v10  }
0x1d9: {  	s19 =	sand.u32 $0xFFFFF80, s19;
	v57 =	vand.u32 $0x71, v60;
	v58 =	vand.u32 $0x400, v61  }
0x1da: {  	s13 =	sadd.s32 s1, s19;
	s21 =	simm.s32 $0x2;
	[tilespmem:v55+s26+$0x0] =	vst.idx.msk $0xffff, v54;
	v60 =	vadd.s32 v11, v56;
	v55 =	vor.u32 v57, v58  }
0x1db: {  	[tilespmem:s18], [sflag:$0x1] =	stream.strided.gather [hbm4b:s13+s17], $0x2000, s16, s17, $0x38;
	v57 =	vor.u32 v3, v55;
	[tilespmem:$0x1A000] =	vst v63  }
0x1dc: {  	_ =	swait.ge [sflag:s21], $0x2000  }
0x1dd: {  	[sflag:s21] =	ssyncset.done $0x0  }
0x1de: {  	[sflag:s21] =	ssyncadd.s32 $0xFFFFE000  }
0x1df: {  	v54 =	vld.idx.msk [tilespmem:v60+s18+$0x0], $0xffff  }
0x1e0: {  	v58 =	vld.idx.msk [tilespmem:v57+s14+$0x0], $0xffff;
	_ =	sdelay $0x2  }
0x1e1: {  	v59 =	vadd.s32 v12, v56  }
0x1e2: {  	v60 =	vor.u32 v5, v55  }
0x1e3: {  	v54 =	vadd.f32 v58, v54;
	_ =	sdelay $0x1  }
0x1e4: {  	[tilespmem:v57+s26+$0x0] =	vst.idx.msk $0xffff, v54  }
0x1e5: {  	v54 =	vld.idx.msk [tilespmem:v59+s18+$0x0], $0xffff  }
0x1e6: {  	v57 =	vld.idx.msk [tilespmem:v60+s14+$0x0], $0xffff;
	_ =	sdelay $0x2  }
0x1e7: {  	v58 =	vadd.s32 v13, v56  }
0x1e8: {  	v61 =	vor.u32 v7, v55  }
0x1e9: {  	v54 =	vadd.f32 v57, v54;
	_ =	sdelay $0x1  }
0x1ea: {  	[tilespmem:v60+s26+$0x0] =	vst.idx.msk $0xffff, v54  }
0x1eb: {  	v54 =	vld.idx.msk [tilespmem:v58+s18+$0x0], $0xffff  }
0x1ec: {  	v60 =	vld.idx.msk [tilespmem:v61+s14+$0x0], $0xffff;
	_ =	sdelay $0x2  }
0x1ed: {  	v56 =	vadd.s32 v14, v56  }
0x1ee: {  	v55 =	vor.u32 v9, v55  }
0x1ef: {  	v54 =	vadd.f32 v60, v54;
	_ =	sdelay $0x1  }
0x1f0: {  	[tilespmem:v61+s26+$0x0] =	vst.idx.msk $0xffff, v54  }
0x1f1: {  	v54 =	vld.idx.msk [tilespmem:v56+s18+$0x0], $0xffff  }
0x1f2: {  	v61 =	vld.idx.msk [tilespmem:v55+s14+$0x0], $0xffff;
	_ =	sdelay $0x2  }
0x1f3: {  	s29 =	sadd.s32 $0xA, s6  }
0x1f4: {  	v60 =	vmov s29  }
0x1f5: {  	v56 =	vperm.xlane v53, v15;
	v54 =	vadd.f32 v61, v54;
	v61 =	vshll.u32 v60, $0x3  }
0x1f6: {  	s5 =	sand.u32 $0xFFFFF80, s5;
	v57 =	vand.u32 $0x72, v60;
	v58 =	vand.u32 $0x400, v61  }
0x1f7: {  	s5 =	sadd.s32 s1, s5;
	s19 =	simm.s32 $0x3;
	v60 =	vadd.s32 v16, v56;
	[tilespmem:v55+s26+$0x0] =	vst.idx.msk $0xffff, v54;
	v55 =	vor.u32 v57, v58  }
0x1f8: {  	[tilespmem:s31], [sflag:$0x2] =	stream.strided.gather [hbm4b:s5+s17], $0x2000, s16, s17, $0x38;
	v57 =	vor.u32 v3, v55;
	[tilespmem:$0x1A000] =	vst v63  }
0x1f9: {  	_ =	swait.ge [sflag:s19], $0x2000  }
0x1fa: {  	[sflag:s19] =	ssyncset.done $0x0  }
0x1fb: {  	[sflag:s19] =	ssyncadd.s32 $0xFFFFE000  }
0x1fc: {  	v54 =	vld.idx.msk [tilespmem:v60+s18+$0x0], $0xffff  }
0x1fd: {  	v58 =	vld.idx.msk [tilespmem:v57+s14+$0x0], $0xffff;
	_ =	sdelay $0x2  }
0x1fe: {  	v59 =	vadd.s32 v17, v56  }
0x1ff: {  	v60 =	vor.u32 v5, v55  }
0x200: {  	v54 =	vadd.f32 v58, v54;
	_ =	sdelay $0x1  }
0x201: {  	[tilespmem:v57+s26+$0x0] =	vst.idx.msk $0xffff, v54  }
0x202: {  	v54 =	vld.idx.msk [tilespmem:v59+s18+$0x0], $0xffff  }
0x203: {  	v57 =	vld.idx.msk [tilespmem:v60+s14+$0x0], $0xffff;
	_ =	sdelay $0x2  }
0x204: {  	v58 =	vadd.s32 v18, v56  }
0x205: {  	v61 =	vor.u32 v7, v55  }
0x206: {  	v54 =	vadd.f32 v57, v54;
	_ =	sdelay $0x1  }
0x207: {  	[tilespmem:v60+s26+$0x0] =	vst.idx.msk $0xffff, v54  }
0x208: {  	v54 =	vld.idx.msk [tilespmem:v58+s18+$0x0], $0xffff  }
0x209: {  	v60 =	vld.idx.msk [tilespmem:v61+s14+$0x0], $0xffff;
	_ =	sdelay $0x2  }
0x20a: {  	v56 =	vadd.s32 v19, v56  }
0x20b: {  	v55 =	vor.u32 v9, v55  }
0x20c: {  	v54 =	vadd.f32 v60, v54;
	_ =	sdelay $0x1  }
0x20d: {  	[tilespmem:v61+s26+$0x0] =	vst.idx.msk $0xffff, v54  }
0x20e: {  	v54 =	vld.idx.msk [tilespmem:v56+s18+$0x0], $0xffff  }
0x20f: {  	v61 =	vld.idx.msk [tilespmem:v55+s14+$0x0], $0xffff;
	_ =	sdelay $0x3  }
0x210: {  	s21 =	sadd.s32 $0xB, s6  }
0x211: {  	v60 =	vmov s21;
	v54 =	vadd.f32 v61, v54  }
0x212: {  	s3 =	sand.u32 $0xFFFFF80, s3;
	v56 =	vperm.xlane v53, v2;
	v61 =	vshll.u32 v60, $0x3  }
0x213: {  	s3 =	sadd.s32 s1, s3;
	v57 =	vand.u32 $0x73, v60;
	v58 =	vand.u32 $0x400, v61;
	[tilespmem:v55+s26+$0x0] =	vst.idx.msk $0xffff, v54  }
0x214: {  	v60 =	vadd.s32 v20, v56;
	v55 =	vor.u32 v57, v58;
	[tilespmem:s25], [sflag:$0x3] =	stream.strided.gather [hbm4b:s3+s17], $0x2000, s16, s17, $0x38;
	[tilespmem:$0x1A000] =	vst v63  }
0x215: {  	v57 =	vor.u32 v3, v55;
	s25 =	simm.s32 $0x4  }
0x216: {  	_ =	swait.ge [sflag:s25], $0x2000  }
0x217: {  	[sflag:s25] =	ssyncset.done $0x0  }
0x218: {  	[sflag:s25] =	ssyncadd.s32 $0xFFFFE000  }
0x219: {  	v54 =	vld.idx.msk [tilespmem:v60+s18+$0x0], $0xffff  }
0x21a: {  	v58 =	vld.idx.msk [tilespmem:v57+s14+$0x0], $0xffff;
	_ =	sdelay $0x2  }
0x21b: {  	v59 =	vadd.s32 v21, v56  }
0x21c: {  	v60 =	vor.u32 v5, v55  }
0x21d: {  	v54 =	vadd.f32 v58, v54;
	_ =	sdelay $0x1  }
0x21e: {  	[tilespmem:v57+s26+$0x0] =	vst.idx.msk $0xffff, v54  }
0x21f: {  	v54 =	vld.idx.msk [tilespmem:v59+s18+$0x0], $0xffff  }
0x220: {  	v57 =	vld.idx.msk [tilespmem:v60+s14+$0x0], $0xffff;
	_ =	sdelay $0x2  }
0x221: {  	v58 =	vadd.s32 v22, v56  }
0x222: {  	v61 =	vor.u32 v7, v55  }
0x223: {  	v54 =	vadd.f32 v57, v54;
	_ =	sdelay $0x1  }
0x224: {  	[tilespmem:v60+s26+$0x0] =	vst.idx.msk $0xffff, v54  }
0x225: {  	v54 =	vld.idx.msk [tilespmem:v58+s18+$0x0], $0xffff  }
0x226: {  	v60 =	vld.idx.msk [tilespmem:v61+s14+$0x0], $0xffff;
	_ =	sdelay $0x2  }
0x227: {  	v56 =	vadd.s32 v23, v56  }
0x228: {  	v55 =	vor.u32 v9, v55  }
0x229: {  	v54 =	vadd.f32 v60, v54;
	_ =	sdelay $0x1  }
0x22a: {  	[tilespmem:v61+s26+$0x0] =	vst.idx.msk $0xffff, v54  }
0x22b: {  	v54 =	vld.idx.msk [tilespmem:v56+s18+$0x0], $0xffff  }
0x22c: {  	v61 =	vld.idx.msk [tilespmem:v55+s14+$0x0], $0xffff;
	_ =	sdelay $0x2  }
0x22d: {  	s29 =	sadd.s32 $0xC, s6  }
0x22e: {  	v60 =	vmov s29  }
0x22f: {  	v56 =	vperm.xlane v53, v24;
	v54 =	vadd.f32 v61, v54;
	v61 =	vshll.u32 v60, $0x3  }
0x230: {  	s5 =	sand.u32 $0xFFFFF80, s11;
	v57 =	vand.u32 $0x74, v60;
	v58 =	vand.u32 $0x400, v61  }
0x231: {  	s11 =	simm.s32 $0x5;
	s3 =	sadd.s32 s1, s5;
	v60 =	vadd.s32 v25, v56;
	[tilespmem:v55+s26+$0x0] =	vst.idx.msk $0xffff, v54;
	v55 =	vor.u32 v57, v58  }
0x232: {  	[tilespmem:s28], [sflag:$0x4] =	stream.strided.gather [hbm4b:s3+s17], $0x2000, s16, s17, $0x38;
	v57 =	vor.u32 v3, v55;
	[tilespmem:$0x1A000] =	vst v63  }
0x233: {  	_ =	swait.ge [sflag:s11], $0x2000  }
0x234: {  	[sflag:s11] =	ssyncset.done $0x0  }
0x235: {  	[sflag:s11] =	ssyncadd.s32 $0xFFFFE000  }
0x236: {  	v54 =	vld.idx.msk [tilespmem:v60+s18+$0x0], $0xffff  }
0x237: {  	v58 =	vld.idx.msk [tilespmem:v57+s14+$0x0], $0xffff;
	_ =	sdelay $0x2  }
0x238: {  	v59 =	vadd.s32 v26, v56  }
0x239: {  	v60 =	vor.u32 v5, v55  }
0x23a: {  	v54 =	vadd.f32 v58, v54;
	_ =	sdelay $0x1  }
0x23b: {  	[tilespmem:v57+s26+$0x0] =	vst.idx.msk $0xffff, v54  }
0x23c: {  	v54 =	vld.idx.msk [tilespmem:v59+s18+$0x0], $0xffff  }
0x23d: {  	v57 =	vld.idx.msk [tilespmem:v60+s14+$0x0], $0xffff;
	_ =	sdelay $0x2  }
0x23e: {  	v58 =	vadd.s32 v27, v56  }
0x23f: {  	v61 =	vor.u32 v7, v55  }
0x240: {  	v54 =	vadd.f32 v57, v54;
	_ =	sdelay $0x1  }
0x241: {  	[tilespmem:v60+s26+$0x0] =	vst.idx.msk $0xffff, v54  }
0x242: {  	v54 =	vld.idx.msk [tilespmem:v58+s18+$0x0], $0xffff  }
0x243: {  	v60 =	vld.idx.msk [tilespmem:v61+s14+$0x0], $0xffff;
	_ =	sdelay $0x2  }
0x244: {  	v56 =	vadd.s32 v28, v56  }
0x245: {  	v55 =	vor.u32 v9, v55  }
0x246: {  	v54 =	vadd.f32 v60, v54;
	_ =	sdelay $0x1  }
0x247: {  	[tilespmem:v61+s26+$0x0] =	vst.idx.msk $0xffff, v54  }
0x248: {  	v54 =	vld.idx.msk [tilespmem:v56+s18+$0x0], $0xffff  }
0x249: {  	v61 =	vld.idx.msk [tilespmem:v55+s14+$0x0], $0xffff;
	_ =	sdelay $0x2  }
0x24a: {  	s13 =	sadd.s32 $0xD, s6  }
0x24b: {  	v60 =	vmov s13  }
0x24c: {  	v56 =	vperm.xlane v53, v29;
	v54 =	vadd.f32 v61, v54;
	v61 =	vshll.u32 v60, $0x3  }
0x24d: {  	s19 =	sand.u32 $0xFFFFF80, s15;
	v57 =	vand.u32 $0x75, v60;
	v58 =	vand.u32 $0x400, v61  }
0x24e: {  	s3 =	sadd.s32 s1, s19;
	v60 =	vadd.s32 v30, v56;
	[tilespmem:v55+s26+$0x0] =	vst.idx.msk $0xffff, v54;
	v55 =	vor.u32 v57, v58  }
0x24f: {  	[tilespmem:s24], [sflag:$0x5] =	stream.strided.gather [hbm4b:s3+s17], $0x2000, s16, s17, $0x38;
	v57 =	vor.u32 v3, v55;
	[tilespmem:$0x1A000] =	vst v63  }
0x250: {  	_ =	swait.ge [sflag:s2], $0x2000  }
0x251: {  	[sflag:s2] =	ssyncset.done $0x0  }
0x252: {  	[sflag:s2] =	ssyncadd.s32 $0xFFFFE000  }
0x253: {  	v54 =	vld.idx.msk [tilespmem:v60+s18+$0x0], $0xffff  }
0x254: {  	v58 =	vld.idx.msk [tilespmem:v57+s14+$0x0], $0xffff;
	_ =	sdelay $0x2  }
0x255: {  	v59 =	vadd.s32 v31, v56  }
0x256: {  	v60 =	vor.u32 v5, v55  }
0x257: {  	v54 =	vadd.f32 v58, v54;
	_ =	sdelay $0x1  }
0x258: {  	[tilespmem:v57+s26+$0x0] =	vst.idx.msk $0xffff, v54  }
0x259: {  	v54 =	vld.idx.msk [tilespmem:v59+s18+$0x0], $0xffff  }
0x25a: {  	v57 =	vld.idx.msk [tilespmem:v60+s14+$0x0], $0xffff;
	_ =	sdelay $0x2  }
0x25b: {  	v58 =	vadd.s32 v32, v56  }
0x25c: {  	v61 =	vor.u32 v7, v55  }
0x25d: {  	v54 =	vadd.f32 v57, v54;
	_ =	sdelay $0x1  }
0x25e: {  	[tilespmem:v60+s26+$0x0] =	vst.idx.msk $0xffff, v54  }
0x25f: {  	v54 =	vld.idx.msk [tilespmem:v58+s18+$0x0], $0xffff  }
0x260: {  	v60 =	vld.idx.msk [tilespmem:v61+s14+$0x0], $0xffff;
	_ =	sdelay $0x2  }
0x261: {  	v56 =	vadd.s32 v33, v56  }
0x262: {  	v55 =	vor.u32 v9, v55  }
0x263: {  	v54 =	vadd.f32 v60, v54;
	_ =	sdelay $0x1  }
0x264: {  	[tilespmem:v61+s26+$0x0] =	vst.idx.msk $0xffff, v54  }
0x265: {  	v54 =	vld.idx.msk [tilespmem:v56+s18+$0x0], $0xffff  }
0x266: {  	v61 =	vld.idx.msk [tilespmem:v55+s14+$0x0], $0xffff;
	_ =	sdelay $0x2  }
0x267: {  	s21 =	sadd.s32 $0xE, s6  }
0x268: {  	v60 =	vmov s21  }
0x269: {  	v56 =	vperm.xlane v53, v34;
	v54 =	vadd.f32 v61, v54;
	v61 =	vshll.u32 v60, $0x3  }
0x26a: {  	s24 =	sand.u32 $0xFFFFF80, s12;
	v57 =	vand.u32 $0x76, v60;
	v58 =	vand.u32 $0x400, v61  }
0x26b: {  	s3 =	sadd.s32 s1, s24;
	v60 =	vadd.s32 v35, v56;
	[tilespmem:v55+s26+$0x0] =	vst.idx.msk $0xffff, v54;
	v55 =	vor.u32 v57, v58  }
0x26c: {  	[tilespmem:s23], [sflag:$0x6] =	stream.strided.gather [hbm4b:s3+s17], $0x2000, s16, s17, $0x38;
	v57 =	vor.u32 v3, v55;
	[tilespmem:$0x1A000] =	vst v63  }
0x26d: {  	_ =	swait.ge [sflag:s4], $0x2000  }
0x26e: {  	[sflag:s4] =	ssyncset.done $0x0  }
0x26f: {  	[sflag:s4] =	ssyncadd.s32 $0xFFFFE000  }
0x270: {  	v54 =	vld.idx.msk [tilespmem:v60+s18+$0x0], $0xffff  }
0x271: {  	v58 =	vld.idx.msk [tilespmem:v57+s14+$0x0], $0xffff;
	_ =	sdelay $0x2  }
0x272: {  	v59 =	vadd.s32 v36, v56  }
0x273: {  	v60 =	vor.u32 v5, v55  }
0x274: {  	v54 =	vadd.f32 v58, v54;
	_ =	sdelay $0x1  }
0x275: {  	[tilespmem:v57+s26+$0x0] =	vst.idx.msk $0xffff, v54  }
0x276: {  	v54 =	vld.idx.msk [tilespmem:v59+s18+$0x0], $0xffff  }
0x277: {  	v57 =	vld.idx.msk [tilespmem:v60+s14+$0x0], $0xffff;
	_ =	sdelay $0x2  }
0x278: {  	v58 =	vadd.s32 v37, v56  }
0x279: {  	v61 =	vor.u32 v7, v55  }
0x27a: {  	v54 =	vadd.f32 v57, v54;
	_ =	sdelay $0x1  }
0x27b: {  	[tilespmem:v60+s26+$0x0] =	vst.idx.msk $0xffff, v54  }
0x27c: {  	v54 =	vld.idx.msk [tilespmem:v58+s18+$0x0], $0xffff  }
0x27d: {  	v60 =	vld.idx.msk [tilespmem:v61+s14+$0x0], $0xffff;
	_ =	sdelay $0x2  }
0x27e: {  	v56 =	vadd.s32 v38, v56  }
0x27f: {  	v55 =	vor.u32 v9, v55  }
0x280: {  	v54 =	vadd.f32 v60, v54;
	_ =	sdelay $0x1  }
0x281: {  	[tilespmem:v61+s26+$0x0] =	vst.idx.msk $0xffff, v54  }
0x282: {  	v54 =	vld.idx.msk [tilespmem:v56+s18+$0x0], $0xffff  }
0x283: {  	v61 =	vld.idx.msk [tilespmem:v55+s14+$0x0], $0xffff;
	_ =	sdelay $0x2  }
0x284: {  	s25 =	sadd.s32 $0xF, s6  }
0x285: {  	v60 =	vmov s25  }
0x286: {  	v53 =	vperm.xlane v53, v39;
	v54 =	vadd.f32 v61, v54;
	v61 =	vshll.u32 v60, $0x3  }
0x287: {  	s28 =	sand.u32 $0xFFFFF80, s9;
	v57 =	vand.u32 $0x77, v60;
	v56 =	vand.u32 $0x400, v61  }
0x288: {  	s3 =	sadd.s32 s1, s28;
	v60 =	vadd.s32 v41, v53;
	[tilespmem:v55+s26+$0x0] =	vst.idx.msk $0xffff, v54;
	v55 =	vor.u32 v57, v56  }
0x289: {  	[tilespmem:s22], [sflag:$0x7] =	stream.strided.gather [hbm4b:s3+s17], $0x2000, s16, s17, $0x38;
	v56 =	vor.u32 v3, v55;
	[tilespmem:$0x1A000] =	vst v63  }
0x28a: {  	_ =	swait.ge [sflag:s0], $0x2000  }
0x28b: {  	[sflag:s0] =	ssyncset.done $0x0  }
0x28c: {  	[sflag:s0] =	ssyncadd.s32 $0xFFFFE000  }
0x28d: {  	v54 =	vld.idx.msk [tilespmem:v60+s18+$0x0], $0xffff  }
0x28e: {  	v61 =	vld.idx.msk [tilespmem:v56+s14+$0x0], $0xffff;
	_ =	sdelay $0x2  }
0x28f: {  	v60 =	vadd.s32 v42, v53  }
0x290: {  	v59 =	vor.u32 v5, v55  }
0x291: {  	v54 =	vadd.f32 v61, v54;
	_ =	sdelay $0x1  }
0x292: {  	[tilespmem:v56+s26+$0x0] =	vst.idx.msk $0xffff, v54  }
0x293: {  	v54 =	vld.idx.msk [tilespmem:v60+s18+$0x0], $0xffff  }
0x294: {  	v56 =	vld.idx.msk [tilespmem:v59+s14+$0x0], $0xffff;
	_ =	sdelay $0x2  }
0x295: {  	v61 =	vadd.s32 v43, v53  }
0x296: {  	v60 =	vor.u32 v7, v55  }
0x297: {  	v54 =	vadd.f32 v56, v54;
	_ =	sdelay $0x1  }
0x298: {  	[tilespmem:v59+s26+$0x0] =	vst.idx.msk $0xffff, v54  }
0x299: {  	v54 =	vld.idx.msk [tilespmem:v61+s18+$0x0], $0xffff  }
0x29a: {  	v61 =	vld.idx.msk [tilespmem:v60+s14+$0x0], $0xffff;
	_ =	sdelay $0x2  }
0x29b: {  	v53 =	vadd.s32 v44, v53  }
0x29c: {  	v55 =	vor.u32 v9, v55  }
0x29d: {  	v54 =	vadd.f32 v61, v54;
	_ =	sdelay $0x1  }
0x29e: {  	[tilespmem:v60+s26+$0x0] =	vst.idx.msk $0xffff, v54  }
0x29f: {  	v53 =	vld.idx.msk [tilespmem:v53+s18+$0x0], $0xffff  }
0x2a0: {  	v54 =	vld.idx.msk [tilespmem:v55+s14+$0x0], $0xffff;
	_ =	sdelay $0x1  }
0x2a1: {  	s6 =	sadd.s32 $0x10, s6  }
0x2a2: {  	p0 =	sne.s32 s6, $0xF8  }
.Ltmp3:
0x2a3: {  	_ = 	snop;
	(pc) =	sbr.rel @!p0 .LBB2_15-.Ltmp3, $4  }
0x2a4: {  	v53 =	vadd.f32 v54, v53  }
0x2a5: {  	s29 =	sand.u32 $0xFFFFF80, s8  }
0x2a6: {  	s7 =	sadd.s32 $0x1, s7;
	s10 =	sadd.s32 $0x40, s10;
	s3 =	sadd.s32 s1, s29;
	[tilespmem:v55+s26+$0x0] =	vst.idx.msk $0xffff, v53  }
0x2a7: {  	[tilespmem:s20], [sflag:$0x8] =	stream.strided.gather [hbm4b:s3+s17], $0x2000, s16, s17, $0x38;
	[tilespmem:$0x1A000] =	vst v63  }
.LBB2_2:
0x2a8: {  	_ = 	snop  }
0x2a9: {  	s20 =	sadd.s32 $0x8, s6  }
0x2aa: {  	s5 =	sand.u32 $0x1E00, s10;
	s3 =	sand.u32 $0x70, s20  }
0x2ab: {  	s3 =	sor.u32 s3, s5  }
0x2ac: {  	v53 =	vld.idx.msk [tilespmem:v40+s3+$0x0 ss:$0x1], $0xffff;
	_ =	sdelay $0x4  }
0x2ad: {  	(v2sf) =	vpush v53, $0x0  }
0x2ae: {  	(v2sf) =	vpush v53, $0x1  }
0x2af: {  	(v2sf) =	vpush v53, $0x2  }
0x2b0: {  	(v2sf) =	vpush v53, $0x3  }
0x2b1: {  	(v2sf) =	vpush v53, $0x4  }
0x2b2: {  	(v2sf) =	vpush v53, $0x5  }
0x2b3: {  	(v2sf) =	vpush v53, $0x6  }
0x2b4: {  	(v2sf) =	vpush v53, $0x7  }
0x2b5: {  	(v2sf) =	vpush v53, $0x8  }
0x2b6: {  	(v2sf) =	vpush v53, $0x9  }
0x2b7: {  	(v2sf) =	vpush v53, $0xA  }
0x2b8: {  	(v2sf) =	vpush v53, $0xB  }
0x2b9: {  	(v2sf) =	vpush v53, $0xC  }
0x2ba: {  	(v2sf) =	vpush v53, $0xD  }
0x2bb: {  	p0 =	sgt.s32 s7, $0x0;
	s3 =	smov.u32 s7;
	(v2sf) =	vpush v53, $0xE  }
0x2bc: {  	s3 =	simm.s32 @!p0 $0x0;
	s8 =	spop (v2sf);
	(v2sf) =	vpush v53, $0xF  }
0x2bd: {  	s3 =	sshll.u32 s3, $0x4;
	s28 =	spop (v2sf)  }
0x2be: {  	s24 =	sadd.s32 s30, s3;
	s25 =	spop (v2sf)  }
0x2bf: {  	s5 =	sshll.u32 s24, $0x2;
	s13 =	spop (v2sf)  }
0x2c0: {  	s3 =	sand.u32 $0x70, s3;
	s5 =	sand.u32 $0xFFFFFE00, s5;
	s24 =	spop (v2sf)  }
0x2c1: {  	s3 =	sor.u32 s3, s5;
	s23 =	spop (v2sf)  }
0x2c2: {  	v54 =	vld.idx.msk [tilespmem:v40+s3+$0x0 ss:$0x1], $0xffff;
	s22 =	spop (v2sf)  }
0x2c3: {  	s21 =	spop (v2sf)  }
0x2c4: {  	s19 =	spop (v2sf)  }
0x2c5: {  	s5 =	spop (v2sf)  }
0x2c6: {  	p0 =	seq.s32 s6, $0xFFFFFFF8;
	s3 =	spop (v2sf)  }
.Ltmp4:
0x2c7: {  	v55 =	vshra.s32 v54, $0x1F;
	s11 =	spop (v2sf);
	(pc) =	sbr.rel @!p0 .LBB2_3-.Ltmp4, $4  }
0x2c8: {  	v55 =	vshrl.u32 v55, $0x19;
	s15 =	spop (v2sf)  }
0x2c9: {  	v55 =	vadd.s32 v55, v54;
	s12 =	spop (v2sf)  }
0x2ca: {  	v55 =	vand.u32 $0xFFFFFF80, v55;
	s29 =	sand.u32 $0xFFFFF80, s8;
	s9 =	spop (v2sf)  }
0x2cb: {  	v54 =	vsub.s32 v54, v55;
	s29 =	sadd.s32 s1, s29;
	s8 =	spop (v2sf)  }
.Ltmp5:
0x2cc: {  	(pc) =	sbr.rel .LBB2_5-.Ltmp5, $2  }
0x2cd: {  	_ =	sdelay $0x2  }
0x2ce: {  	[tilespmem:s18], [sflag:$0x1] =	stream.strided.gather [hbm4b:s29+s17], $0x2000, s16, s17, $0x38;
	[tilespmem:$0x1A000] =	vst v63  }
.LBB2_3:
0x2cf: {  	v55 =	vmov s6  }
0x2d0: {  	v56 =	vperm.xlane v54, v45;
	v57 =	vshll.u32 v55, $0x3  }
0x2d1: {  	v55 =	vand.u32 $0x78, v55;
	v57 =	vand.u32 $0xFFFFFC00, v57  }
0x2d2: {  	v58 =	vadd.s32 v1, v56;
	v55 =	vor.u32 v55, v57  }
0x2d3: {  	s31 =	simm.s32 $0x1;
	v57 =	vadd.s32 v3, v55  }
0x2d4: {  	_ =	swait.ge [sflag:s31], $0x2000  }
0x2d5: {  	[sflag:s31] =	ssyncset.done $0x0  }
0x2d6: {  	[sflag:s31] =	ssyncadd.s32 $0xFFFFE000  }
0x2d7: {  	v58 =	vld.idx.msk [tilespmem:v58+s18+$0x0], $0xffff  }
0x2d8: {  	v59 =	vld.idx.msk [tilespmem:v57+s14+$0x0], $0xffff;
	_ =	sdelay $0x2  }
0x2d9: {  	v60 =	vadd.s32 v4, v56  }
0x2da: {  	v61 =	vadd.s32 v5, v55  }
0x2db: {  	v58 =	vadd.f32 v59, v58;
	_ =	sdelay $0x1  }
0x2dc: {  	[tilespmem:v57+s26+$0x0] =	vst.idx.msk $0xffff, v58  }
0x2dd: {  	v57 =	vld.idx.msk [tilespmem:v60+s18+$0x0], $0xffff  }
0x2de: {  	v58 =	vld.idx.msk [tilespmem:v61+s14+$0x0], $0xffff;
	_ =	sdelay $0x2  }
0x2df: {  	v59 =	vadd.s32 v6, v56  }
0x2e0: {  	v60 =	vadd.s32 v7, v55  }
0x2e1: {  	v57 =	vadd.f32 v58, v57;
	_ =	sdelay $0x1  }
0x2e2: {  	[tilespmem:v61+s26+$0x0] =	vst.idx.msk $0xffff, v57  }
0x2e3: {  	v57 =	vld.idx.msk [tilespmem:v59+s18+$0x0], $0xffff  }
0x2e4: {  	v61 =	vld.idx.msk [tilespmem:v60+s14+$0x0], $0xffff;
	_ =	sdelay $0x2  }
0x2e5: {  	v56 =	vadd.s32 v8, v56  }
0x2e6: {  	v55 =	vadd.s32 v9, v55  }
0x2e7: {  	v57 =	vadd.f32 v61, v57;
	_ =	sdelay $0x1  }
0x2e8: {  	[tilespmem:v60+s26+$0x0] =	vst.idx.msk $0xffff, v57  }
0x2e9: {  	v56 =	vld.idx.msk [tilespmem:v56+s18+$0x0], $0xffff  }
0x2ea: {  	v57 =	vld.idx.msk [tilespmem:v55+s14+$0x0], $0xffff;
	_ =	sdelay $0x3  }
0x2eb: {  	s31 =	smov.u32 s30;
	s30 =	sadd.s32 $0x1, s6  }
0x2ec: {  	v60 =	vmov s30;
	v56 =	vadd.f32 v57, v56  }
0x2ed: {  	v61 =	vshll.u32 v60, $0x3;
	v57 =	vperm.xlane v54, v46  }
0x2ee: {  	v58 =	vand.u32 $0x79, v60;
	v59 =	vand.u32 $0xFFFFFC00, v61;
	[tilespmem:v55+s26+$0x0] =	vst.idx.msk $0xffff, v56  }
0x2ef: {  	v60 =	vadd.s32 v11, v57;
	v56 =	vor.u32 v58, v59;
	[tilespmem:s18], [sflag:$0x1] =	stream.strided.gather [hbm4b:s29+s17], $0x2000, s16, s17, $0x38;
	[tilespmem:$0x1A000] =	vst v63  }
0x2f0: {  	v58 =	vadd.s32 v3, v56;
	s29 =	simm.s32 $0x2  }
0x2f1: {  	_ =	swait.ge [sflag:s29], $0x2000  }
0x2f2: {  	[sflag:s29] =	ssyncset.done $0x0  }
0x2f3: {  	[sflag:s29] =	ssyncadd.s32 $0xFFFFE000  }
0x2f4: {  	v55 =	vld.idx.msk [tilespmem:v60+s18+$0x0], $0xffff  }
0x2f5: {  	v59 =	vld.idx.msk [tilespmem:v58+s14+$0x0], $0xffff;
	_ =	sdelay $0x2  }
0x2f6: {  	v60 =	vadd.s32 v12, v57  }
0x2f7: {  	v61 =	vadd.s32 v5, v56  }
0x2f8: {  	v55 =	vadd.f32 v59, v55;
	_ =	sdelay $0x1  }
0x2f9: {  	[tilespmem:v58+s26+$0x0] =	vst.idx.msk $0xffff, v55  }
0x2fa: {  	v55 =	vld.idx.msk [tilespmem:v60+s18+$0x0], $0xffff  }
0x2fb: {  	v58 =	vld.idx.msk [tilespmem:v61+s14+$0x0], $0xffff;
	_ =	sdelay $0x2  }
0x2fc: {  	v59 =	vadd.s32 v13, v57  }
0x2fd: {  	v60 =	vadd.s32 v7, v56  }
0x2fe: {  	v55 =	vadd.f32 v58, v55;
	_ =	sdelay $0x1  }
0x2ff: {  	[tilespmem:v61+s26+$0x0] =	vst.idx.msk $0xffff, v55  }
0x300: {  	v55 =	vld.idx.msk [tilespmem:v59+s18+$0x0], $0xffff  }
0x301: {  	v61 =	vld.idx.msk [tilespmem:v60+s14+$0x0], $0xffff;
	_ =	sdelay $0x2  }
0x302: {  	v57 =	vadd.s32 v14, v57  }
0x303: {  	v56 =	vadd.s32 v9, v56  }
0x304: {  	v55 =	vadd.f32 v61, v55;
	_ =	sdelay $0x1  }
0x305: {  	[tilespmem:v60+s26+$0x0] =	vst.idx.msk $0xffff, v55  }
0x306: {  	v55 =	vld.idx.msk [tilespmem:v57+s18+$0x0], $0xffff  }
0x307: {  	v61 =	vld.idx.msk [tilespmem:v56+s14+$0x0], $0xffff;
	_ =	sdelay $0x4  }
0x308: {  	v55 =	vadd.f32 v61, v55;
	_ =	sdelay $0x1  }
0x309: {  	s30 =	smov.u32 s31;
	s31 =	simm.s32 $0x4000;
	[tilespmem:v56+s26+$0x0] =	vst.idx.msk $0xffff, v55  }
.LBB2_5:
.Ltmp6:
0x30a: {  	(pc) =	sbr.rel @!p0 .LBB2_6-.Ltmp6, $4  }
0x30b: {  	_ = 	snop  }
0x30c: {  	s28 =	sand.u32 $0xFFFFF80, s28;
	s25 =	sand.u32 $0xFFFFF80, s25  }
0x30d: {  	s28 =	sadd.s32 s1, s28;
	s25 =	sadd.s32 s1, s25  }
0x30e: {  	[tilespmem:s31], [sflag:$0x2] =	stream.strided.gather [hbm4b:s28+s17], $0x2000, s16, s17, $0x38;
	[tilespmem:$0x1A000] =	vst v63  }
.Ltmp7:
0x30f: {  	(pc) =	sbr.rel .LBB2_8-.Ltmp7, $4  }
0x310: {  	_ = 	snop  }
0x311: {  	s28 =	simm.s32 $0x6000  }
0x312: {  	[tilespmem:s28], [sflag:$0x3] =	stream.strided.gather [hbm4b:s25+s17], $0x2000, s16, s17, $0x38;
	[tilespmem:$0x1A000] =	vst v63  }
0x313: {  	s25 =	simm.s32 $0x6000  }
.LBB2_6:
0x314: {  	s28 =	sadd.s32 $0x2, s6  }
0x315: {  	v55 =	vmov s28  }
0x316: {  	v56 =	vperm.xlane v54, v47;
	v57 =	vshll.u32 v55, $0x3  }
0x317: {  	v55 =	vand.u32 $0x7A, v55;
	v57 =	vand.u32 $0xFFFFFC00, v57  }
0x318: {  	v58 =	vadd.s32 v16, v56;
	v55 =	vor.u32 v55, v57  }
0x319: {  	s29 =	simm.s32 $0x3;
	v57 =	vadd.s32 v3, v55  }
0x31a: {  	_ =	swait.ge [sflag:s29], $0x2000  }
0x31b: {  	[sflag:s29] =	ssyncset.done $0x0  }
0x31c: {  	[sflag:s29] =	ssyncadd.s32 $0xFFFFE000  }
0x31d: {  	v58 =	vld.idx.msk [tilespmem:v58+s18+$0x0], $0xffff  }
0x31e: {  	v59 =	vld.idx.msk [tilespmem:v57+s14+$0x0], $0xffff;
	_ =	sdelay $0x2  }
0x31f: {  	v60 =	vadd.s32 v17, v56  }
0x320: {  	v61 =	vadd.s32 v5, v55  }
0x321: {  	v58 =	vadd.f32 v59, v58;
	_ =	sdelay $0x1  }
0x322: {  	[tilespmem:v57+s26+$0x0] =	vst.idx.msk $0xffff, v58  }
0x323: {  	v57 =	vld.idx.msk [tilespmem:v60+s18+$0x0], $0xffff  }
0x324: {  	v58 =	vld.idx.msk [tilespmem:v61+s14+$0x0], $0xffff;
	_ =	sdelay $0x2  }
0x325: {  	v59 =	vadd.s32 v18, v56  }
0x326: {  	v60 =	vadd.s32 v7, v55  }
0x327: {  	v57 =	vadd.f32 v58, v57;
	_ =	sdelay $0x1  }
0x328: {  	[tilespmem:v61+s26+$0x0] =	vst.idx.msk $0xffff, v57  }
0x329: {  	v57 =	vld.idx.msk [tilespmem:v59+s18+$0x0], $0xffff  }
0x32a: {  	v61 =	vld.idx.msk [tilespmem:v60+s14+$0x0], $0xffff;
	_ =	sdelay $0x2  }
0x32b: {  	v56 =	vadd.s32 v19, v56  }
0x32c: {  	v55 =	vadd.s32 v9, v55  }
0x32d: {  	v57 =	vadd.f32 v61, v57;
	_ =	sdelay $0x1  }
0x32e: {  	[tilespmem:v60+s26+$0x0] =	vst.idx.msk $0xffff, v57  }
0x32f: {  	v56 =	vld.idx.msk [tilespmem:v56+s18+$0x0], $0xffff  }
0x330: {  	v57 =	vld.idx.msk [tilespmem:v55+s14+$0x0], $0xffff;
	_ =	sdelay $0x3  }
0x331: {  	s29 =	sadd.s32 $0x3, s6  }
0x332: {  	v60 =	vmov s29;
	v56 =	vadd.f32 v57, v56  }
0x333: {  	v61 =	vshll.u32 v60, $0x3;
	v57 =	vperm.xlane v54, v48  }
0x334: {  	s29 =	simm.s32 $0x6000;
	v58 =	vand.u32 $0x7B, v60;
	v59 =	vand.u32 $0xFFFFFC00, v61;
	[tilespmem:v55+s26+$0x0] =	vst.idx.msk $0xffff, v56  }
0x335: {  	v60 =	vadd.s32 v20, v57;
	v56 =	vor.u32 v58, v59;
	[tilespmem:s29], [sflag:$0x3] =	stream.strided.gather [hbm4b:s25+s17], $0x2000, s16, s17, $0x38;
	[tilespmem:$0x1A000] =	vst v63  }
0x336: {  	v58 =	vadd.s32 v3, v56;
	s29 =	simm.s32 $0x4  }
0x337: {  	_ =	swait.ge [sflag:s29], $0x2000  }
0x338: {  	[sflag:s29] =	ssyncset.done $0x0  }
0x339: {  	[sflag:s29] =	ssyncadd.s32 $0xFFFFE000  }
0x33a: {  	v55 =	vld.idx.msk [tilespmem:v60+s18+$0x0], $0xffff  }
0x33b: {  	v59 =	vld.idx.msk [tilespmem:v58+s14+$0x0], $0xffff;
	_ =	sdelay $0x2  }
0x33c: {  	v60 =	vadd.s32 v21, v57  }
0x33d: {  	v61 =	vadd.s32 v5, v56  }
0x33e: {  	v55 =	vadd.f32 v59, v55;
	_ =	sdelay $0x1  }
0x33f: {  	[tilespmem:v58+s26+$0x0] =	vst.idx.msk $0xffff, v55  }
0x340: {  	v55 =	vld.idx.msk [tilespmem:v60+s18+$0x0], $0xffff  }
0x341: {  	v58 =	vld.idx.msk [tilespmem:v61+s14+$0x0], $0xffff;
	_ =	sdelay $0x2  }
0x342: {  	v59 =	vadd.s32 v22, v57  }
0x343: {  	v60 =	vadd.s32 v7, v56  }
0x344: {  	v55 =	vadd.f32 v58, v55;
	_ =	sdelay $0x1  }
0x345: {  	[tilespmem:v61+s26+$0x0] =	vst.idx.msk $0xffff, v55  }
0x346: {  	v55 =	vld.idx.msk [tilespmem:v59+s18+$0x0], $0xffff  }
0x347: {  	v61 =	vld.idx.msk [tilespmem:v60+s14+$0x0], $0xffff;
	_ =	sdelay $0x2  }
0x348: {  	v57 =	vadd.s32 v23, v57  }
0x349: {  	v56 =	vadd.s32 v9, v56  }
0x34a: {  	v55 =	vadd.f32 v61, v55;
	_ =	sdelay $0x1  }
0x34b: {  	[tilespmem:v60+s26+$0x0] =	vst.idx.msk $0xffff, v55  }
0x34c: {  	v55 =	vld.idx.msk [tilespmem:v57+s18+$0x0], $0xffff  }
0x34d: {  	v61 =	vld.idx.msk [tilespmem:v56+s14+$0x0], $0xffff;
	_ =	sdelay $0x4  }
0x34e: {  	v55 =	vadd.f32 v61, v55;
	_ =	sdelay $0x1  }
0x34f: {  	s25 =	simm.s32 $0x6000;
	[tilespmem:v56+s26+$0x0] =	vst.idx.msk $0xffff, v55  }
.LBB2_8:
.Ltmp8:
0x350: {  	(pc) =	sbr.rel @!p0 .LBB2_9-.Ltmp8, $4  }
0x351: {  	s13 =	sand.u32 $0xFFFFF80, s13  }
0x352: {  	s28 =	simm.s32 $0x8000;
	s29 =	sand.u32 $0xFFFFF80, s24;
	s13 =	sadd.s32 s1, s13  }
0x353: {  	[tilespmem:s28], [sflag:$0x4] =	stream.strided.gather [hbm4b:s13+s17], $0x2000, s16, s17, $0x38;
	[tilespmem:$0x1A000] =	vst v63  }
0x354: {  	s13 =	sadd.s32 s1, s29  }
.Ltmp9:
0x355: {  	(pc) =	sbr.rel .LBB2_11-.Ltmp9, $3  }
0x356: {  	_ =	sdelay $0x1  }
0x357: {  	s24 =	simm.s32 $0xA000  }
0x358: {  	[tilespmem:s24], [sflag:$0x5] =	stream.strided.gather [hbm4b:s13+s17], $0x2000, s16, s17, $0x38;
	[tilespmem:$0x1A000] =	vst v63  }
.LBB2_9:
0x359: {  	s24 =	sadd.s32 $0x4, s6  }
0x35a: {  	v55 =	vmov s24  }
0x35b: {  	v56 =	vperm.xlane v54, v49;
	v57 =	vshll.u32 v55, $0x3  }
0x35c: {  	v55 =	vand.u32 $0x7C, v55;
	v57 =	vand.u32 $0xFFFFFC00, v57  }
0x35d: {  	v58 =	vadd.s32 v25, v56;
	v55 =	vor.u32 v55, v57  }
0x35e: {  	s29 =	simm.s32 $0x5;
	v57 =	vadd.s32 v3, v55  }
0x35f: {  	_ =	swait.ge [sflag:s29], $0x2000  }
0x360: {  	[sflag:s29] =	ssyncset.done $0x0  }
0x361: {  	[sflag:s29] =	ssyncadd.s32 $0xFFFFE000  }
0x362: {  	v58 =	vld.idx.msk [tilespmem:v58+s18+$0x0], $0xffff  }
0x363: {  	v59 =	vld.idx.msk [tilespmem:v57+s14+$0x0], $0xffff;
	_ =	sdelay $0x2  }
0x364: {  	v60 =	vadd.s32 v26, v56  }
0x365: {  	v61 =	vadd.s32 v5, v55  }
0x366: {  	v58 =	vadd.f32 v59, v58;
	_ =	sdelay $0x1  }
0x367: {  	[tilespmem:v57+s26+$0x0] =	vst.idx.msk $0xffff, v58  }
0x368: {  	v57 =	vld.idx.msk [tilespmem:v60+s18+$0x0], $0xffff  }
0x369: {  	v58 =	vld.idx.msk [tilespmem:v61+s14+$0x0], $0xffff;
	_ =	sdelay $0x2  }
0x36a: {  	v59 =	vadd.s32 v27, v56  }
0x36b: {  	v60 =	vadd.s32 v7, v55  }
0x36c: {  	v57 =	vadd.f32 v58, v57;
	_ =	sdelay $0x1  }
0x36d: {  	[tilespmem:v61+s26+$0x0] =	vst.idx.msk $0xffff, v57  }
0x36e: {  	v57 =	vld.idx.msk [tilespmem:v59+s18+$0x0], $0xffff  }
0x36f: {  	v61 =	vld.idx.msk [tilespmem:v60+s14+$0x0], $0xffff;
	_ =	sdelay $0x2  }
0x370: {  	v56 =	vadd.s32 v28, v56  }
0x371: {  	v55 =	vadd.s32 v9, v55  }
0x372: {  	v57 =	vadd.f32 v61, v57;
	_ =	sdelay $0x1  }
0x373: {  	[tilespmem:v60+s26+$0x0] =	vst.idx.msk $0xffff, v57  }
0x374: {  	v56 =	vld.idx.msk [tilespmem:v56+s18+$0x0], $0xffff  }
0x375: {  	v57 =	vld.idx.msk [tilespmem:v55+s14+$0x0], $0xffff;
	_ =	sdelay $0x2  }
0x376: {  	s29 =	sadd.s32 $0x5, s6  }
0x377: {  	v60 =	vmov s29  }
0x378: {  	v61 =	vshll.u32 v60, $0x3;
	v56 =	vadd.f32 v57, v56;
	v57 =	vperm.xlane v54, v50  }
0x379: {  	v58 =	vand.u32 $0x7D, v60;
	v59 =	vand.u32 $0xFFFFFC00, v61  }
0x37a: {  	s24 =	simm.s32 $0xA000;
	[tilespmem:v55+s26+$0x0] =	vst.idx.msk $0xffff, v56;
	v60 =	vadd.s32 v30, v57;
	v56 =	vor.u32 v58, v59  }
0x37b: {  	[tilespmem:s24], [sflag:$0x5] =	stream.strided.gather [hbm4b:s13+s17], $0x2000, s16, s17, $0x38;
	v58 =	vadd.s32 v3, v56;
	[tilespmem:$0x1A000] =	vst v63  }
0x37c: {  	_ =	swait.ge [sflag:s2], $0x2000  }
0x37d: {  	[sflag:s2] =	ssyncset.done $0x0  }
0x37e: {  	[sflag:s2] =	ssyncadd.s32 $0xFFFFE000  }
0x37f: {  	v55 =	vld.idx.msk [tilespmem:v60+s18+$0x0], $0xffff  }
0x380: {  	v59 =	vld.idx.msk [tilespmem:v58+s14+$0x0], $0xffff;
	_ =	sdelay $0x2  }
0x381: {  	v60 =	vadd.s32 v31, v57  }
0x382: {  	v61 =	vadd.s32 v5, v56  }
0x383: {  	v55 =	vadd.f32 v59, v55;
	_ =	sdelay $0x1  }
0x384: {  	[tilespmem:v58+s26+$0x0] =	vst.idx.msk $0xffff, v55  }
0x385: {  	v55 =	vld.idx.msk [tilespmem:v60+s18+$0x0], $0xffff  }
0x386: {  	v58 =	vld.idx.msk [tilespmem:v61+s14+$0x0], $0xffff;
	_ =	sdelay $0x2  }
0x387: {  	v59 =	vadd.s32 v32, v57  }
0x388: {  	v60 =	vadd.s32 v7, v56  }
0x389: {  	v55 =	vadd.f32 v58, v55;
	_ =	sdelay $0x1  }
0x38a: {  	[tilespmem:v61+s26+$0x0] =	vst.idx.msk $0xffff, v55  }
0x38b: {  	v55 =	vld.idx.msk [tilespmem:v59+s18+$0x0], $0xffff  }
0x38c: {  	v61 =	vld.idx.msk [tilespmem:v60+s14+$0x0], $0xffff;
	_ =	sdelay $0x2  }
0x38d: {  	v57 =	vadd.s32 v33, v57  }
0x38e: {  	v56 =	vadd.s32 v9, v56  }
0x38f: {  	v55 =	vadd.f32 v61, v55;
	_ =	sdelay $0x1  }
0x390: {  	[tilespmem:v60+s26+$0x0] =	vst.idx.msk $0xffff, v55  }
0x391: {  	v55 =	vld.idx.msk [tilespmem:v57+s18+$0x0], $0xffff  }
0x392: {  	v61 =	vld.idx.msk [tilespmem:v56+s14+$0x0], $0xffff;
	_ =	sdelay $0x4  }
0x393: {  	v55 =	vadd.f32 v61, v55;
	_ =	sdelay $0x1  }
0x394: {  	[tilespmem:v56+s26+$0x0] =	vst.idx.msk $0xffff, v55  }
.LBB2_11:
.Ltmp10:
0x395: {  	(pc) =	sbr.rel @p0 .LBB2_13-.Ltmp10, $4  }
0x396: {  	s13 =	sand.u32 $0xFFFFF80, s23  }
0x397: {  	s23 =	simm.s32 $0xC000;
	s29 =	sand.u32 $0xFFFFF80, s22;
	s13 =	sadd.s32 s1, s13  }
0x398: {  	[tilespmem:s23], [sflag:$0x6] =	stream.strided.gather [hbm4b:s13+s17], $0x2000, s16, s17, $0x38;
	[tilespmem:$0x1A000] =	vst v63  }
0x399: {  	s13 =	sadd.s32 s1, s29  }
0x39a: {  	s22 =	sadd.s32 $0x6, s6  }
0x39b: {  	v55 =	vmov s22  }
0x39c: {  	v56 =	vperm.xlane v54, v51;
	v57 =	vshll.u32 v55, $0x3  }
0x39d: {  	v55 =	vand.u32 $0x7E, v55;
	v57 =	vand.u32 $0xFFFFFC00, v57  }
0x39e: {  	v58 =	vadd.s32 v35, v56;
	v55 =	vor.u32 v55, v57  }
0x39f: {  	v57 =	vadd.s32 v3, v55  }
0x3a0: {  	_ =	swait.ge [sflag:s4], $0x2000  }
0x3a1: {  	[sflag:s4] =	ssyncset.done $0x0  }
0x3a2: {  	[sflag:s4] =	ssyncadd.s32 $0xFFFFE000  }
0x3a3: {  	v58 =	vld.idx.msk [tilespmem:v58+s18+$0x0], $0xffff  }
0x3a4: {  	v59 =	vld.idx.msk [tilespmem:v57+s14+$0x0], $0xffff;
	_ =	sdelay $0x2  }
0x3a5: {  	v60 =	vadd.s32 v36, v56  }
0x3a6: {  	v61 =	vadd.s32 v5, v55  }
0x3a7: {  	v58 =	vadd.f32 v59, v58;
	_ =	sdelay $0x1  }
0x3a8: {  	[tilespmem:v57+s26+$0x0] =	vst.idx.msk $0xffff, v58  }
0x3a9: {  	v57 =	vld.idx.msk [tilespmem:v60+s18+$0x0], $0xffff  }
0x3aa: {  	v58 =	vld.idx.msk [tilespmem:v61+s14+$0x0], $0xffff;
	_ =	sdelay $0x2  }
0x3ab: {  	v59 =	vadd.s32 v37, v56  }
0x3ac: {  	v60 =	vadd.s32 v7, v55  }
0x3ad: {  	v57 =	vadd.f32 v58, v57;
	_ =	sdelay $0x1  }
0x3ae: {  	[tilespmem:v61+s26+$0x0] =	vst.idx.msk $0xffff, v57  }
0x3af: {  	v57 =	vld.idx.msk [tilespmem:v59+s18+$0x0], $0xffff  }
0x3b0: {  	v61 =	vld.idx.msk [tilespmem:v60+s14+$0x0], $0xffff;
	_ =	sdelay $0x2  }
0x3b1: {  	v56 =	vadd.s32 v38, v56  }
0x3b2: {  	v55 =	vadd.s32 v9, v55  }
0x3b3: {  	v57 =	vadd.f32 v61, v57;
	_ =	sdelay $0x1  }
0x3b4: {  	[tilespmem:v60+s26+$0x0] =	vst.idx.msk $0xffff, v57  }
0x3b5: {  	v56 =	vld.idx.msk [tilespmem:v56+s18+$0x0], $0xffff  }
0x3b6: {  	v57 =	vld.idx.msk [tilespmem:v55+s14+$0x0], $0xffff;
	_ =	sdelay $0x2  }
0x3b7: {  	s29 =	sadd.s32 $0x7, s6  }
0x3b8: {  	v60 =	vmov s29  }
0x3b9: {  	v54 =	vperm.xlane v54, v52;
	v61 =	vshll.u32 v60, $0x3;
	v56 =	vadd.f32 v57, v56  }
0x3ba: {  	v58 =	vand.u32 $0x7F, v60;
	v57 =	vand.u32 $0xFFFFFC00, v61  }
0x3bb: {  	s22 =	simm.s32 $0xE000;
	v60 =	vadd.s32 v41, v54;
	[tilespmem:v55+s26+$0x0] =	vst.idx.msk $0xffff, v56;
	v56 =	vor.u32 v58, v57  }
0x3bc: {  	[tilespmem:s22], [sflag:$0x7] =	stream.strided.gather [hbm4b:s13+s17], $0x2000, s16, s17, $0x38;
	v57 =	vadd.s32 v3, v56;
	[tilespmem:$0x1A000] =	vst v63  }
0x3bd: {  	_ =	swait.ge [sflag:s0], $0x2000  }
0x3be: {  	[sflag:s0] =	ssyncset.done $0x0  }
0x3bf: {  	[sflag:s0] =	ssyncadd.s32 $0xFFFFE000  }
0x3c0: {  	v55 =	vld.idx.msk [tilespmem:v60+s18+$0x0], $0xffff  }
0x3c1: {  	v58 =	vld.idx.msk [tilespmem:v57+s14+$0x0], $0xffff;
	_ =	sdelay $0x2  }
0x3c2: {  	v59 =	vadd.s32 v42, v54  }
0x3c3: {  	v60 =	vadd.s32 v5, v56  }
0x3c4: {  	v55 =	vadd.f32 v58, v55;
	_ =	sdelay $0x1  }
0x3c5: {  	[tilespmem:v57+s26+$0x0] =	vst.idx.msk $0xffff, v55  }
0x3c6: {  	v55 =	vld.idx.msk [tilespmem:v59+s18+$0x0], $0xffff  }
0x3c7: {  	v57 =	vld.idx.msk [tilespmem:v60+s14+$0x0], $0xffff;
	_ =	sdelay $0x2  }
0x3c8: {  	v61 =	vadd.s32 v43, v54  }
0x3c9: {  	v59 =	vadd.s32 v7, v56  }
0x3ca: {  	v55 =	vadd.f32 v57, v55;
	_ =	sdelay $0x1  }
0x3cb: {  	[tilespmem:v60+s26+$0x0] =	vst.idx.msk $0xffff, v55  }
0x3cc: {  	v55 =	vld.idx.msk [tilespmem:v61+s18+$0x0], $0xffff  }
0x3cd: {  	v61 =	vld.idx.msk [tilespmem:v59+s14+$0x0], $0xffff;
	_ =	sdelay $0x2  }
0x3ce: {  	v54 =	vadd.s32 v44, v54  }
0x3cf: {  	v56 =	vadd.s32 v9, v56  }
0x3d0: {  	v55 =	vadd.f32 v61, v55;
	_ =	sdelay $0x1  }
0x3d1: {  	[tilespmem:v59+s26+$0x0] =	vst.idx.msk $0xffff, v55  }
0x3d2: {  	v54 =	vld.idx.msk [tilespmem:v54+s18+$0x0], $0xffff  }
0x3d3: {  	v55 =	vld.idx.msk [tilespmem:v56+s14+$0x0], $0xffff;
	_ =	sdelay $0x2  }
.Ltmp11:
0x3d4: {  	_ = 	snop;
	(pc) =	sbr.rel .LBB2_14-.Ltmp11, $3  }
0x3d5: {  	_ = 	snop  }
0x3d6: {  	v54 =	vadd.f32 v55, v54;
	_ =	sdelay $0x1  }
0x3d7: {  	[tilespmem:v56+s26+$0x0] =	vst.idx.msk $0xffff, v54  }
.LBB2_16:
0x3d8: {  	_ =	sfence.sel $0x180000  }
0x3d9: {  	[bflag:$0x0] =	sbarrier.arrive $0xFFFF  }
0x3da: {  	_ =	strace $0x90000047  }
0x3db: {  	s0 =	stileid.u32;
	[bflag:$0x2] =	sbarrier.arrive $0xFFFF  }
0x3dc: {  	p0 =	sne.s32 s0, $0x0;
	s0 =	rddreg [dreg:$0x4]  }
0x3dd: {  	s0 =	sadd.s32 @!p0 $0x100000, s0  }
0x3de: {  	[sflag:s0] =	ssyncadd.tile.s32 @!p0 $0x1;
	_ =	shalt  }
.Lfunc_end2:
_tile_overlayer_lowered:
.L_overlay_start_2:
0x3df: {  	(tag) =	ssettag $0x2  }
0x3e0: {  	s0 =	rddreg [dreg:$0x0];
	s2 =	stileid.u32  }
0x3e1: {  	s1 =	rddreg [dreg:$0x1];
	p0 =	sne.s32 s2, $0x0  }
0x3e2: {  	s3 =	rddreg [dreg:$0x2];
	[bflag:$0x3] =	sbarrier.arrive $0xFFFF;
	s2 =	simm.s32 @!p0 $0x1C0A  }
0x3e3: {  	[timem:s3], [sflag:s2] =	dma.local @!p0 [hbm:s0], s1  }
0x3e4: {  	s0 =	simm.s32 @!p0 $0xA  }
0x3e5: {  	_ =	swait.ge @!p0 [sflag:s0], s1  }
0x3e6: {  	s1 =	ssub.s32 @!p0 $0x0, s1;
	[sflag:s0] =	ssyncset.done @!p0 $0x0  }
0x3e7: {  	[sflag:s0] =	ssyncadd.s32 @!p0 s1  }
0x3e8: {  	[bflag:$0x3] =	sbarrier.arrive $0xFFFF  }
0x3e9: {  	_ =	shalt  }

</sc_bundles>
